<compile_context>
chip_gen: v7x
topology: tpu7x:2x2x1
jax: 0.10.2.dev20260603
libtpu: 0.0.44.dev20260713+nightly
codegen_flags: <defaults>
</compile_context>

<pallas_src>
import jax
import jax.numpy as jnp
from jax import lax
from jax.experimental import pallas as pl
from jax.experimental.pallas import tpu as pltpu
from jax.experimental.pallas import tpu_sc as plsc

N = 10000
E = 320000
D_IN = 128
D_H = 128
D_OUT = 64
HD1 = D_H // 2
HD2 = D_OUT // 2

NC, NS = 2, 16
NPAD = 10240
TPB = NPAD // NS
K = 80
EPAD = 320000
EPT = EPAD // NS
NBLK = EPT // K
DEGW = 16
ROWS_B = 1000


def _mesh():
    return plsc.VectorSubcoreMesh(
        core_axis_name="c", subcore_axis_name="s", num_cores=NC, num_subcores=NS
    )


def _deg_body(dst_hbm, ones_hbm, zeros_hbm, deg_out, idx_v, ones_v, acc):
    c = lax.axis_index("c")
    s = lax.axis_index("s")
    pltpu.sync_copy(zeros_hbm.at[pl.ds(s * TPB, TPB)], acc.at[pl.ds(s * TPB, TPB)])
    pltpu.sync_copy(dst_hbm.at[s], idx_v)
    pltpu.sync_copy(ones_hbm, ones_v)
    plsc.subcore_barrier()

    def body(j, carry):
        pltpu.sync_copy(ones_v, acc.at[idx_v.at[j]], add=True)
        return carry

    half = NBLK // 2
    lax.fori_loop(c * half, (c + 1) * half, body, 0)
    plsc.subcore_barrier()
    pltpu.sync_copy(acc.at[pl.ds(s * TPB, TPB)], deg_out.at[c, pl.ds(s * TPB, TPB)])


NBUFS = 5
PREF = 4


def _gs_body(ylo_hbm, yhi_hbm, src_hbm, dst_hbm, zeros_hbm, acc_out,
             srci, dsti, *bufs):
    rows = bufs[:NBUFS]
    acc = bufs[NBUFS]
    gsem = bufs[NBUFS + 1:2 * NBUFS + 1]
    ssem = bufs[2 * NBUFS + 1:]
    c = lax.axis_index("c")
    s = lax.axis_index("s")
    pltpu.sync_copy(zeros_hbm.at[pl.ds(s * TPB, TPB)], acc.at[pl.ds(s * TPB, TPB)])
    pltpu.sync_copy(src_hbm.at[s], srci)
    pltpu.sync_copy(dst_hbm.at[s], dsti)
    plsc.subcore_barrier()

    def _gather(j, b):
        @pl.when(c == 0)
        def _():
            pltpu.async_copy(ylo_hbm.at[srci.at[j]], rows[b], gsem[b])

        @pl.when(c == 1)
        def _():
            pltpu.async_copy(yhi_hbm.at[srci.at[j]], rows[b], gsem[b])

    def _gather_wait(j, b):
        @pl.when(c == 0)
        def _():
            pltpu.make_async_copy(ylo_hbm.at[srci.at[j]], rows[b], gsem[b]).wait()

        @pl.when(c == 1)
        def _():
            pltpu.make_async_copy(yhi_hbm.at[srci.at[j]], rows[b], gsem[b]).wait()

    for j0 in range(PREF):
        _gather(j0, j0)

    def body(j2, carry):
        for b in range(NBUFS):
            j = j2 * NBUFS + b
            _gather_wait(j, b)
            pltpu.async_copy(rows[b], acc.at[dsti.at[j]], ssem[b], add=True)
            jn = j + PREF
            bn = (b + PREF) % NBUFS

            @pl.when(jn < NBLK)
            def _():
                @pl.when(jn - NBUFS >= 0)
                def _():
                    pltpu.make_async_copy(
                        rows[bn], acc.at[dsti.at[jn - NBUFS]], ssem[bn]
                    ).wait()

                _gather(jn, bn)
        return carry

    lax.fori_loop(0, NBLK // NBUFS, body, 0)
    for b0 in range(NBUFS):
        jd = NBLK - NBUFS + b0
        pltpu.make_async_copy(rows[b0], acc.at[dsti.at[jd]], ssem[b0]).wait()
    plsc.subcore_barrier()
    pltpu.sync_copy(acc.at[pl.ds(s * TPB, TPB)], acc_out.at[c, pl.ds(s * TPB, TPB)])


def _make_deg():
    return pl.kernel(
        _deg_body,
        out_type=jax.ShapeDtypeStruct((NC, NPAD, DEGW), jnp.float32),
        mesh=_mesh(),
        compiler_params=pltpu.CompilerParams(use_tc_tiling_on_sc=False),
        scratch_types=[
            pltpu.VMEM((NBLK, K), jnp.int32),
            pltpu.VMEM((K, DEGW), jnp.float32),
            pltpu.VMEM_SHARED((NPAD, DEGW), jnp.float32),
        ],
    )


def _make_gs(hd):
    return pl.kernel(
        _gs_body,
        out_type=jax.ShapeDtypeStruct((NC, NPAD, hd), jnp.float32),
        mesh=_mesh(),
        compiler_params=pltpu.CompilerParams(use_tc_tiling_on_sc=False),
        scratch_types=[
            pltpu.VMEM((NBLK, K), jnp.int32),
            pltpu.VMEM((NBLK, K), jnp.int32),
        ]
        + [pltpu.VMEM((K, hd), jnp.float32) for _ in range(NBUFS)]
        + [pltpu.VMEM_SHARED((NPAD, hd), jnp.float32)]
        + [pltpu.SemaphoreType.DMA for _ in range(2 * NBUFS)],
    )


def _lin1_body(x_ref, degp_ref, w_ref, ylo_ref, yhi_ref, dis_ref):
    deg = degp_ref[0, :, 0:1] + degp_ref[1, :, 0:1] + 1.0
    dis = lax.rsqrt(deg)
    xw = jnp.dot(x_ref[...], w_ref[...], preferred_element_type=jnp.float32)
    y = xw * dis
    ylo_ref[...] = y[:, :HD1]
    yhi_ref[...] = y[:, HD1:]
    dis_ref[...] = dis


def _lin2_body(acc_ref, ylo_ref, yhi_ref, dis_ref, w_ref, b_ref, y2lo_ref, y2hi_ref):
    dis = dis_ref[...]
    y1 = jnp.concatenate([ylo_ref[...], yhi_ref[...]], axis=-1)
    agg = jnp.concatenate([acc_ref[0], acc_ref[1]], axis=-1)
    pre = (agg + y1) * dis + b_ref[...]
    h = jnp.maximum(pre, 0.0)
    y2 = jnp.dot(h, w_ref[...], preferred_element_type=jnp.float32) * dis
    y2lo_ref[...] = y2[:, :HD2]
    y2hi_ref[...] = y2[:, HD2:]


def _final_body(acc_ref, y2lo_ref, y2hi_ref, dis_ref, b_ref, out_ref):
    y2 = jnp.concatenate([y2lo_ref[...], y2hi_ref[...]], axis=-1)
    agg = jnp.concatenate([acc_ref[0], acc_ref[1]], axis=-1)
    out_ref[...] = (agg + y2) * dis_ref[...] + b_ref[...]


def _lin1(x, degp, w1):
    g = N // ROWS_B
    return pl.pallas_call(
        _lin1_body,
        grid=(g,),
        in_specs=[
            pl.BlockSpec((ROWS_B, D_IN), lambda i: (i, 0)),
            pl.BlockSpec((NC, ROWS_B, DEGW), lambda i: (0, i, 0)),
            pl.BlockSpec((D_IN, D_H), lambda i: (0, 0)),
        ],
        out_specs=[
            pl.BlockSpec((ROWS_B, HD1), lambda i: (i, 0)),
            pl.BlockSpec((ROWS_B, HD1), lambda i: (i, 0)),
            pl.BlockSpec((ROWS_B, 1), lambda i: (i, 0)),
        ],
        out_shape=[
            jax.ShapeDtypeStruct((N, HD1), jnp.float32),
            jax.ShapeDtypeStruct((N, HD1), jnp.float32),
            jax.ShapeDtypeStruct((N, 1), jnp.float32),
        ],
    )(x, degp, w1)


def _lin2(acc1, y1lo, y1hi, dis, w2, b1):
    g = N // ROWS_B
    return pl.pallas_call(
        _lin2_body,
        grid=(g,),
        in_specs=[
            pl.BlockSpec((NC, ROWS_B, HD1), lambda i: (0, i, 0)),
            pl.BlockSpec((ROWS_B, HD1), lambda i: (i, 0)),
            pl.BlockSpec((ROWS_B, HD1), lambda i: (i, 0)),
            pl.BlockSpec((ROWS_B, 1), lambda i: (i, 0)),
            pl.BlockSpec((D_H, D_OUT), lambda i: (0, 0)),
            pl.BlockSpec((1, D_H), lambda i: (0, 0)),
        ],
        out_specs=[
            pl.BlockSpec((ROWS_B, HD2), lambda i: (i, 0)),
            pl.BlockSpec((ROWS_B, HD2), lambda i: (i, 0)),
        ],
        out_shape=[
            jax.ShapeDtypeStruct((N, HD2), jnp.float32),
            jax.ShapeDtypeStruct((N, HD2), jnp.float32),
        ],
    )(acc1, y1lo, y1hi, dis, w2, b1)


def _final(acc2, y2lo, y2hi, dis, b2):
    g = N // ROWS_B
    return pl.pallas_call(
        _final_body,
        grid=(g,),
        in_specs=[
            pl.BlockSpec((NC, ROWS_B, HD2), lambda i: (0, i, 0)),
            pl.BlockSpec((ROWS_B, HD2), lambda i: (i, 0)),
            pl.BlockSpec((ROWS_B, HD2), lambda i: (i, 0)),
            pl.BlockSpec((ROWS_B, 1), lambda i: (i, 0)),
            pl.BlockSpec((1, D_OUT), lambda i: (0, 0)),
        ],
        out_specs=pl.BlockSpec((ROWS_B, D_OUT), lambda i: (i, 0)),
        out_shape=jax.ShapeDtypeStruct((N, D_OUT), jnp.float32),
    )(acc2, y2lo, y2hi, dis, b2)


def kernel(x, edge_index, W1, b1, W2, b2):
    ei = edge_index.astype(jnp.int32)
    src = ei[0].reshape(NS, NBLK, K)
    dst = ei[1].reshape(NS, NBLK, K)
    zeros_1 = jnp.zeros((NPAD, HD1), jnp.float32)
    zeros_2 = jnp.zeros((NPAD, HD2), jnp.float32)
    zeros_w = jnp.zeros((NPAD, DEGW), jnp.float32)
    ones_w = jnp.ones((K, DEGW), jnp.float32)

    degp = _make_deg()(dst, ones_w, zeros_w)
    y1lo, y1hi, dis = _lin1(x, degp, W1)
    acc1 = _make_gs(HD1)(y1lo, y1hi, src, dst, zeros_1)
    y2lo, y2hi = _lin2(acc1, y1lo, y1hi, dis, W2, b1.reshape(1, D_H))
    acc2 = _make_gs(HD2)(y2lo, y2hi, src, dst, zeros_2)
    out = _final(acc2, y2lo, y2hi, dis, b2.reshape(1, D_OUT))
    return out

# --- scband reference (transcript-rebuilt; emitter-appended) ---
"""Pipeline reference for scband-gcnrelation-predictor-51324859187756 (READ-ONLY COPY).

The authoritative reference and input builder live on the scoring server;
editing this copy changes nothing except your own understanding.
"""

import jax, jax.numpy as jnp
import numpy as np

N = 10000
E = 320000
D_IN = 128
D_H = 128
D_OUT = 64


def gcn_conv(x, edge_index, W, b, n_nodes):
    # Faithful PyG GCNConv: add self-loops, symmetric normalization, linear, scatter-add, bias
    src = edge_index[0]
    dst = edge_index[1]
    loops = jnp.arange(n_nodes, dtype=src.dtype)
    src = jnp.concatenate([src, loops])
    dst = jnp.concatenate([dst, loops])
    x_lin = x @ W
    deg = jax.ops.segment_sum(jnp.ones_like(dst, dtype=x.dtype), dst, num_segments=n_nodes)
    deg_inv_sqrt = jnp.where(deg > 0, jax.lax.rsqrt(jnp.maximum(deg, 1e-12)), 0.0)
    norm = deg_inv_sqrt[src] * deg_inv_sqrt[dst]
    msgs = x_lin[src] * norm[:, None]
    out = jax.ops.segment_sum(msgs, dst, num_segments=n_nodes)
    return out + b


def setup_inputs(seed: int = 0) -> dict:
    key = jax.random.key(seed)
    k1, k2, k3, k4, k5, k6 = jax.random.split(key, 6)
    x = jax.random.normal(k1, (N, D_IN), dtype=jnp.float32)
    edge_index = jax.random.randint(k2, (2, E), 0, N)
    W1 = jax.random.normal(k3, (D_IN, D_H), dtype=jnp.float32) * (1.0 / np.sqrt(D_IN))
    b1 = jnp.zeros((D_H,), dtype=jnp.float32)
    W2 = jax.random.normal(k4, (D_H, D_OUT), dtype=jnp.float32) * (1.0 / np.sqrt(D_H))
    b2 = jnp.zeros((D_OUT,), dtype=jnp.float32)
    return {"x": x, "edge_index": edge_index, "W1": W1, "b1": b1, "W2": W2, "b2": b2}


def reference(x, edge_index, W1, b1, W2, b2):
    h = gcn_conv(x, edge_index, W1, b1, N)
    h = jax.nn.relu(h)
    out = gcn_conv(h, edge_index, W2, b2, N)
    return out

if __name__ == "__main__":
    import jax
    _d = setup_inputs()
    print(jax.jit(kernel)(*tuple(_d.values())))

</pallas_src>

<mosaic_0001>
#map = affine_map<(d0, d1) -> (0, 0, 0)>
#map1 = affine_map<(d0, d1) -> (0, 0)>
module attributes {stable_mosaic.version = 14 : i64} {
  func.func @_deg_body(%arg0: i32, %arg1: i32, %arg2: memref<16x250x80xi32, #tpu.memory_space<hbm>>, %arg3: memref<80x16xf32, #tpu.memory_space<hbm>>, %arg4: memref<10240x16xf32, #tpu.memory_space<hbm>>, %arg5: memref<2x10240x16xf32, #tpu.memory_space<hbm>>, %arg6: memref<250x80xi32, #tpu.memory_space<vmem>>, %arg7: memref<80x16xf32, #tpu.memory_space<vmem>>, %arg8: memref<10240x16xf32, #tpu.memory_space<vmem_shared>>) attributes {dimension_semantics = [#tpu.dimension_semantics<core_parallel>, #tpu.dimension_semantics<subcore_parallel>], iteration_bounds = array<i64: 2, 16>, scalar_prefetch = 0 : i64, scratch_operands = 3 : i64, tpu.core_type = #tpu.core_type<sc_vector_subcore>, window_params = [{transform_indices = #map}, {transform_indices = #map1}, {transform_indices = #map1}, {transform_indices = #map}]} {
    %mul3A = arith.constant 640 : i32
    %mul3A_0 = arith.muli %arg1, %mul3A : i32
    %mul3A_1 = arith.constant 640 : i32
    %mul3A_2 = arith.muli %arg1, %mul3A_1 : i32
    "tpu.region"() ({
      %run_scoped3A = tpu.sem_alloc : memref<!tpu.dma_semaphore, #tpu.memory_space<semaphore_mem>>
      %dma_start3A = arith.constant 0 : i32
      %dma_start3A_21 = tpu.memref_slice %arg8[%mul3A_2, %dma_start3A] : memref<10240x16xf32, #tpu.memory_space<vmem_shared>> -> memref<640x16xf32, #tpu.memory_space<vmem_shared>>
      %dma_start3A_22 = arith.constant 0 : i32
      %dma_start3A_23 = tpu.memref_slice %arg4[%mul3A_0, %dma_start3A_22] : memref<10240x16xf32, #tpu.memory_space<hbm>> -> memref<640x16xf32, #tpu.memory_space<hbm>>
      tpu.enqueue_dma source(%dma_start3A_23 : memref<640x16xf32, #tpu.memory_space<hbm>>) target(%dma_start3A_21 : memref<640x16xf32, #tpu.memory_space<vmem_shared>>) target_semaphore(%run_scoped3A : memref<!tpu.dma_semaphore, #tpu.memory_space<semaphore_mem>>)
      %dma_wait3A = arith.constant 0 : i32
      %dma_wait3A_24 = tpu.memref_slice %arg8[%mul3A_2, %dma_wait3A] : memref<10240x16xf32, #tpu.memory_space<vmem_shared>> -> memref<640x16xf32, #tpu.memory_space<vmem_shared>>
      %dma_wait3A_25 = arith.constant 0 : i32
      %dma_wait3A_26 = tpu.memref_slice %arg4[%mul3A_0, %dma_wait3A_25] : memref<10240x16xf32, #tpu.memory_space<hbm>> -> memref<640x16xf32, #tpu.memory_space<hbm>>
      tpu.wait_dma2 semaphore(%run_scoped3A : memref<!tpu.dma_semaphore, #tpu.memory_space<semaphore_mem>>) src(%dma_wait3A_26 : memref<640x16xf32, #tpu.memory_space<hbm>>) dst(%dma_wait3A_24 : memref<640x16xf32, #tpu.memory_space<vmem_shared>>)
      tpu.yield
    }) : () -> ()
    "tpu.region"() ({
      %run_scoped3A = tpu.sem_alloc : memref<!tpu.dma_semaphore, #tpu.memory_space<semaphore_mem>>
      %dma_start3A = arith.constant 0 : i32
      %dma_start3A_21 = arith.constant 0 : i32
      %dma_start3A_22 = tpu.memref_slice %arg2[%arg1, %dma_start3A, %dma_start3A_21] : memref<16x250x80xi32, #tpu.memory_space<hbm>> -> memref<1x250x80xi32, #tpu.memory_space<hbm>>
      %dma_start3A_23 = tpu.memref_squeeze %dma_start3A_22 : memref<1x250x80xi32, #tpu.memory_space<hbm>> -> memref<250x80xi32, #tpu.memory_space<hbm>>
      %dma_start3A_24 = arith.constant 0 : i32
      %dma_start3A_25 = arith.constant 0 : i32
      %dma_start3A_26 = tpu.memref_slice %arg2[%arg1, %dma_start3A_24, %dma_start3A_25] : memref<16x250x80xi32, #tpu.memory_space<hbm>> -> memref<1x250x80xi32, #tpu.memory_space<hbm>>
      %dma_start3A_27 = tpu.memref_squeeze %dma_start3A_26 : memref<1x250x80xi32, #tpu.memory_space<hbm>> -> memref<250x80xi32, #tpu.memory_space<hbm>>
      tpu.enqueue_dma source(%dma_start3A_27 : memref<250x80xi32, #tpu.memory_space<hbm>>) target(%arg6 : memref<250x80xi32, #tpu.memory_space<vmem>>) target_semaphore(%run_scoped3A : memref<!tpu.dma_semaphore, #tpu.memory_space<semaphore_mem>>)
      %dma_wait3A = arith.constant 0 : i32
      %dma_wait3A_28 = arith.constant 0 : i32
      %dma_wait3A_29 = tpu.memref_slice %arg2[%arg1, %dma_wait3A, %dma_wait3A_28] : memref<16x250x80xi32, #tpu.memory_space<hbm>> -> memref<1x250x80xi32, #tpu.memory_space<hbm>>
      %dma_wait3A_30 = tpu.memref_squeeze %dma_wait3A_29 : memref<1x250x80xi32, #tpu.memory_space<hbm>> -> memref<250x80xi32, #tpu.memory_space<hbm>>
      %dma_wait3A_31 = arith.constant 0 : i32
      %dma_wait3A_32 = arith.constant 0 : i32
      %dma_wait3A_33 = tpu.memref_slice %arg2[%arg1, %dma_wait3A_31, %dma_wait3A_32] : memref<16x250x80xi32, #tpu.memory_space<hbm>> -> memref<1x250x80xi32, #tpu.memory_space<hbm>>
      %dma_wait3A_34 = tpu.memref_squeeze %dma_wait3A_33 : memref<1x250x80xi32, #tpu.memory_space<hbm>> -> memref<250x80xi32, #tpu.memory_space<hbm>>
      tpu.wait_dma2 semaphore(%run_scoped3A : memref<!tpu.dma_semaphore, #tpu.memory_space<semaphore_mem>>) src(%dma_wait3A_34 : memref<250x80xi32, #tpu.memory_space<hbm>>) dst(%arg6 : memref<250x80xi32, #tpu.memory_space<vmem>>)
      tpu.yield
    }) : () -> ()
    "tpu.region"() ({
      %run_scoped3A = tpu.sem_alloc : memref<!tpu.dma_semaphore, #tpu.memory_space<semaphore_mem>>
      tpu.enqueue_dma source(%arg3 : memref<80x16xf32, #tpu.memory_space<hbm>>) target(%arg7 : memref<80x16xf32, #tpu.memory_space<vmem>>) target_semaphore(%run_scoped3A : memref<!tpu.dma_semaphore, #tpu.memory_space<semaphore_mem>>)
      tpu.wait_dma2 semaphore(%run_scoped3A : memref<!tpu.dma_semaphore, #tpu.memory_space<semaphore_mem>>) src(%arg3 : memref<80x16xf32, #tpu.memory_space<hbm>>) dst(%arg7 : memref<80x16xf32, #tpu.memory_space<vmem>>)
      tpu.yield
    }) : () -> ()
    %barrier3A = arith.constant 0 : index
    tpu.barrier barrier_id(%barrier3A)
    %mul3A_3 = arith.constant 125 : i32
    %mul3A_4 = arith.muli %arg0, %mul3A_3 : i32
    %add3A = arith.constant 1 : i32
    %add3A_5 = arith.addi %arg0, %add3A : i32
    %mul3A_6 = arith.constant 125 : i32
    %mul3A_7 = arith.muli %add3A_5, %mul3A_6 : i32
    %while3A = arith.constant 0 : i32
    %while3A_8 = arith.subi %mul3A_7, %mul3A_4 : i32
    %while3A_9 = arith.addi %mul3A_4, %while3A_8 : i32
    %while3A_10 = arith.constant 1 : i32
    %while3A_11 = arith.divsi %while3A_8, %while3A_10 : i32
    %while3A_12 = arith.muli %while3A_11, %while3A_10 : i32
    %while3A_13 = arith.addi %mul3A_4, %while3A_12 : i32
    %while3A_14 = arith.constant 1 : i32
    scf.for %while3A_21 = %mul3A_4 to %while3A_13 step %while3A_14  : i32 {
      "tpu.region"() ({
        %run_scoped3A = tpu.sem_alloc : memref<!tpu.dma_semaphore, #tpu.memory_space<semaphore_mem>>
        %dma_start3A = arith.constant 0 : i32
        %dma_start3A_22 = tpu.memref_slice %arg6[%while3A_21, %dma_start3A] : memref<250x80xi32, #tpu.memory_space<vmem>> -> memref<1x80xi32, #tpu.memory_space<vmem>>
        %dma_start3A_23 = tpu.memref_squeeze %dma_start3A_22 : memref<1x80xi32, #tpu.memory_space<vmem>> -> memref<80xi32, #tpu.memory_space<vmem>>
        %dma_start3A_24 = arith.constant 0 : i32
        %dma_start3A_25 = arith.constant 0 : i32
        %dma_start3A_26 = tpu.memref_slice %arg8[%dma_start3A_24, %dma_start3A_25] : memref<10240x16xf32, #tpu.memory_space<vmem_shared>> -> memref<10240x16xf32, #tpu.memory_space<vmem_shared>>
        tpu.enqueue_indirect_dma source(%arg7 : memref<80x16xf32, #tpu.memory_space<vmem>>) target(%dma_start3A_26 : memref<10240x16xf32, #tpu.memory_space<vmem_shared>>) offsets(%dma_start3A_23 : memref<80xi32, #tpu.memory_space<vmem>>) semaphore(%run_scoped3A : memref<!tpu.dma_semaphore, #tpu.memory_space<semaphore_mem>>) {add = true}
        %dma_wait3A = arith.constant 0 : i32
        %dma_wait3A_27 = tpu.memref_slice %arg6[%while3A_21, %dma_wait3A] : memref<250x80xi32, #tpu.memory_space<vmem>> -> memref<1x80xi32, #tpu.memory_space<vmem>>
        %dma_wait3A_28 = tpu.memref_squeeze %dma_wait3A_27 : memref<1x80xi32, #tpu.memory_space<vmem>> -> memref<80xi32, #tpu.memory_space<vmem>>
        %dma_wait3A_29 = arith.constant 0 : i32
        %dma_wait3A_30 = arith.constant 0 : i32
        %dma_wait3A_31 = tpu.memref_slice %arg8[%dma_wait3A_29, %dma_wait3A_30] : memref<10240x16xf32, #tpu.memory_space<vmem_shared>> -> memref<10240x16xf32, #tpu.memory_space<vmem_shared>>
        tpu.wait_indirect_dma semaphore(%run_scoped3A : memref<!tpu.dma_semaphore, #tpu.memory_space<semaphore_mem>>) src(%arg7 : memref<80x16xf32, #tpu.memory_space<vmem>>) dst(%dma_wait3A_31 : memref<10240x16xf32, #tpu.memory_space<vmem_shared>>)
        tpu.yield
      }) : () -> ()
    }
    %while3A_15 = arith.constant 1 : i32
    scf.for %while3A_21 = %while3A_13 to %while3A_9 step %while3A_15  : i32 {
      "tpu.region"() ({
        %run_scoped3A = tpu.sem_alloc : memref<!tpu.dma_semaphore, #tpu.memory_space<semaphore_mem>>
        %dma_start3A = arith.constant 0 : i32
        %dma_start3A_22 = tpu.memref_slice %arg6[%while3A_21, %dma_start3A] : memref<250x80xi32, #tpu.memory_space<vmem>> -> memref<1x80xi32, #tpu.memory_space<vmem>>
        %dma_start3A_23 = tpu.memref_squeeze %dma_start3A_22 : memref<1x80xi32, #tpu.memory_space<vmem>> -> memref<80xi32, #tpu.memory_space<vmem>>
        %dma_start3A_24 = arith.constant 0 : i32
        %dma_start3A_25 = arith.constant 0 : i32
        %dma_start3A_26 = tpu.memref_slice %arg8[%dma_start3A_24, %dma_start3A_25] : memref<10240x16xf32, #tpu.memory_space<vmem_shared>> -> memref<10240x16xf32, #tpu.memory_space<vmem_shared>>
        tpu.enqueue_indirect_dma source(%arg7 : memref<80x16xf32, #tpu.memory_space<vmem>>) target(%dma_start3A_26 : memref<10240x16xf32, #tpu.memory_space<vmem_shared>>) offsets(%dma_start3A_23 : memref<80xi32, #tpu.memory_space<vmem>>) semaphore(%run_scoped3A : memref<!tpu.dma_semaphore, #tpu.memory_space<semaphore_mem>>) {add = true}
        %dma_wait3A = arith.constant 0 : i32
        %dma_wait3A_27 = tpu.memref_slice %arg6[%while3A_21, %dma_wait3A] : memref<250x80xi32, #tpu.memory_space<vmem>> -> memref<1x80xi32, #tpu.memory_space<vmem>>
        %dma_wait3A_28 = tpu.memref_squeeze %dma_wait3A_27 : memref<1x80xi32, #tpu.memory_space<vmem>> -> memref<80xi32, #tpu.memory_space<vmem>>
        %dma_wait3A_29 = arith.constant 0 : i32
        %dma_wait3A_30 = arith.constant 0 : i32
        %dma_wait3A_31 = tpu.memref_slice %arg8[%dma_wait3A_29, %dma_wait3A_30] : memref<10240x16xf32, #tpu.memory_space<vmem_shared>> -> memref<10240x16xf32, #tpu.memory_space<vmem_shared>>
        tpu.wait_indirect_dma semaphore(%run_scoped3A : memref<!tpu.dma_semaphore, #tpu.memory_space<semaphore_mem>>) src(%arg7 : memref<80x16xf32, #tpu.memory_space<vmem>>) dst(%dma_wait3A_31 : memref<10240x16xf32, #tpu.memory_space<vmem_shared>>)
        tpu.yield
      }) : () -> ()
    }
    %barrier3A_16 = arith.constant 0 : index
    tpu.barrier barrier_id(%barrier3A_16)
    %mul3A_17 = arith.constant 640 : i32
    %mul3A_18 = arith.muli %arg1, %mul3A_17 : i32
    %mul3A_19 = arith.constant 640 : i32
    %mul3A_20 = arith.muli %arg1, %mul3A_19 : i32
    "tpu.region"() ({
      %run_scoped3A = tpu.sem_alloc : memref<!tpu.dma_semaphore, #tpu.memory_space<semaphore_mem>>
      %dma_start3A = arith.constant 0 : i32
      %dma_start3A_21 = tpu.memref_slice %arg5[%arg0, %mul3A_20, %dma_start3A] : memref<2x10240x16xf32, #tpu.memory_space<hbm>> -> memref<1x640x16xf32, #tpu.memory_space<hbm>>
      %dma_start3A_22 = tpu.memref_squeeze %dma_start3A_21 : memref<1x640x16xf32, #tpu.memory_space<hbm>> -> memref<640x16xf32, #tpu.memory_space<hbm>>
      %dma_start3A_23 = arith.constant 0 : i32
      %dma_start3A_24 = tpu.memref_slice %arg8[%mul3A_18, %dma_start3A_23] : memref<10240x16xf32, #tpu.memory_space<vmem_shared>> -> memref<640x16xf32, #tpu.memory_space<vmem_shared>>
      tpu.enqueue_dma source(%dma_start3A_24 : memref<640x16xf32, #tpu.memory_space<vmem_shared>>) target(%dma_start3A_22 : memref<640x16xf32, #tpu.memory_space<hbm>>) target_semaphore(%run_scoped3A : memref<!tpu.dma_semaphore, #tpu.memory_space<semaphore_mem>>)
      %dma_wait3A = arith.constant 0 : i32
      %dma_wait3A_25 = tpu.memref_slice %arg5[%arg0, %mul3A_20, %dma_wait3A] : memref<2x10240x16xf32, #tpu.memory_space<hbm>> -> memref<1x640x16xf32, #tpu.memory_space<hbm>>
      %dma_wait3A_26 = tpu.memref_squeeze %dma_wait3A_25 : memref<1x640x16xf32, #tpu.memory_space<hbm>> -> memref<640x16xf32, #tpu.memory_space<hbm>>
      %dma_wait3A_27 = arith.constant 0 : i32
      %dma_wait3A_28 = tpu.memref_slice %arg8[%mul3A_18, %dma_wait3A_27] : memref<10240x16xf32, #tpu.memory_space<vmem_shared>> -> memref<640x16xf32, #tpu.memory_space<vmem_shared>>
      tpu.wait_dma2 semaphore(%run_scoped3A : memref<!tpu.dma_semaphore, #tpu.memory_space<semaphore_mem>>) src(%dma_wait3A_28 : memref<640x16xf32, #tpu.memory_space<vmem_shared>>) dst(%dma_wait3A_26 : memref<640x16xf32, #tpu.memory_space<hbm>>)
      tpu.yield
    }) : () -> ()
    return
  }
}

#map = affine_map<(d0, d1) -> (0, 0)>
#map1 = affine_map<(d0, d1) -> (0, 0, 0)>
module attributes {stable_mosaic.version = 14 : i64} {
  func.func @_gs_body(%arg0: i32, %arg1: i32, %arg2: memref<10000x32xf32, #tpu.memory_space<hbm>>, %arg3: memref<10000x32xf32, #tpu.memory_space<hbm>>, %arg4: memref<16x250x80xi32, #tpu.memory_space<hbm>>, %arg5: memref<16x250x80xi32, #tpu.memory_space<hbm>>, %arg6: memref<10240x32xf32, #tpu.memory_space<hbm>>, %arg7: memref<2x10240x32xf32, #tpu.memory_space<hbm>>, %arg8: memref<250x80xi32, #tpu.memory_space<vmem>>, %arg9: memref<250x80xi32, #tpu.memory_space<vmem>>, %arg10: memref<80x32xf32, #tpu.memory_space<vmem>>, %arg11: memref<80x32xf32, #tpu.memory_space<vmem>>, %arg12: memref<80x32xf32, #tpu.memory_space<vmem>>, %arg13: memref<80x32xf32, #tpu.memory_space<vmem>>, %arg14: memref<80x32xf32, #tpu.memory_space<vmem>>, %arg15: memref<10240x32xf32, #tpu.memory_space<vmem_shared>>, %arg16: memref<!tpu.dma_semaphore, #tpu.memory_space<semaphore_mem>>, %arg17: memref<!tpu.dma_semaphore, #tpu.memory_space<semaphore_mem>>, %arg18: memref<!tpu.dma_semaphore, #tpu.memory_space<semaphore_mem>>, %arg19: memref<!tpu.dma_semaphore, #tpu.memory_space<semaphore_mem>>, %arg20: memref<!tpu.dma_semaphore, #tpu.memory_space<semaphore_mem>>, %arg21: memref<!tpu.dma_semaphore, #tpu.memory_space<semaphore_mem>>, %arg22: memref<!tpu.dma_semaphore, #tpu.memory_space<semaphore_mem>>, %arg23: memref<!tpu.dma_semaphore, #tpu.memory_space<semaphore_mem>>, %arg24: memref<!tpu.dma_semaphore, #tpu.memory_space<semaphore_mem>>, %arg25: memref<!tpu.dma_semaphore, #tpu.memory_space<semaphore_mem>>) attributes {dimension_semantics = [#tpu.dimension_semantics<core_parallel>, #tpu.dimension_semantics<subcore_parallel>], iteration_bounds = array<i64: 2, 16>, scalar_prefetch = 0 : i64, scratch_operands = 18 : i64, tpu.core_type = #tpu.core_type<sc_vector_subcore>, window_params = [{transform_indices = #map}, {transform_indices = #map}, {transform_indices = #map1}, {transform_indices = #map1}, {transform_indices = #map}, {transform_indices = #map1}]} {
    %mul3A = arith.constant 640 : i32
    %mul3A_0 = arith.muli %arg1, %mul3A : i32
    %mul3A_1 = arith.constant 640 : i32
    %mul3A_2 = arith.muli %arg1, %mul3A_1 : i32
    "tpu.region"() ({
      %run_scoped3A = tpu.sem_alloc : memref<!tpu.dma_semaphore, #tpu.memory_space<semaphore_mem>>
      %dma_start3A = arith.constant 0 : i32
      %dma_start3A_84 = tpu.memref_slice %arg15[%mul3A_2, %dma_start3A] : memref<10240x32xf32, #tpu.memory_space<vmem_shared>> -> memref<640x32xf32, #tpu.memory_space<vmem_shared>>
      %dma_start3A_85 = arith.constant 0 : i32
      %dma_start3A_86 = tpu.memref_slice %arg6[%mul3A_0, %dma_start3A_85] : memref<10240x32xf32, #tpu.memory_space<hbm>> -> memref<640x32xf32, #tpu.memory_space<hbm>>
      tpu.enqueue_dma source(%dma_start3A_86 : memref<640x32xf32, #tpu.memory_space<hbm>>) target(%dma_start3A_84 : memref<640x32xf32, #tpu.memory_space<vmem_shared>>) target_semaphore(%run_scoped3A : memref<!tpu.dma_semaphore, #tpu.memory_space<semaphore_mem>>)
      %dma_wait3A_87 = arith.constant 0 : i32
      %dma_wait3A_88 = tpu.memref_slice %arg15[%mul3A_2, %dma_wait3A_87] : memref<10240x32xf32, #tpu.memory_space<vmem_shared>> -> memref<640x32xf32, #tpu.memory_space<vmem_shared>>
      %dma_wait3A_89 = arith.constant 0 : i32
      %dma_wait3A_90 = tpu.memref_slice %arg6[%mul3A_0, %dma_wait3A_89] : memref<10240x32xf32, #tpu.memory_space<hbm>> -> memref<640x32xf32, #tpu.memory_space<hbm>>
      tpu.wait_dma2 semaphore(%run_scoped3A : memref<!tpu.dma_semaphore, #tpu.memory_space<semaphore_mem>>) src(%dma_wait3A_90 : memref<640x32xf32, #tpu.memory_space<hbm>>) dst(%dma_wait3A_88 : memref<640x32xf32, #tpu.memory_space<vmem_shared>>)
      tpu.yield
    }) : () -> ()
    "tpu.region"() ({
      %run_scoped3A = tpu.sem_alloc : memref<!tpu.dma_semaphore, #tpu.memory_space<semaphore_mem>>
      %dma_start3A = arith.constant 0 : i32
      %dma_start3A_84 = arith.constant 0 : i32
      %dma_start3A_85 = tpu.memref_slice %arg4[%arg1, %dma_start3A, %dma_start3A_84] : memref<16x250x80xi32, #tpu.memory_space<hbm>> -> memref<1x250x80xi32, #tpu.memory_space<hbm>>
      %dma_start3A_86 = tpu.memref_squeeze %dma_start3A_85 : memref<1x250x80xi32, #tpu.memory_space<hbm>> -> memref<250x80xi32, #tpu.memory_space<hbm>>
      %dma_start3A_87 = arith.constant 0 : i32
      %dma_start3A_88 = arith.constant 0 : i32
      %dma_start3A_89 = tpu.memref_slice %arg4[%arg1, %dma_start3A_87, %dma_start3A_88] : memref<16x250x80xi32, #tpu.memory_space<hbm>> -> memref<1x250x80xi32, #tpu.memory_space<hbm>>
      %dma_start3A_90 = tpu.memref_squeeze %dma_start3A_89 : memref<1x250x80xi32, #tpu.memory_space<hbm>> -> memref<250x80xi32, #tpu.memory_space<hbm>>
      tpu.enqueue_dma source(%dma_start3A_90 : memref<250x80xi32, #tpu.memory_space<hbm>>) target(%arg8 : memref<250x80xi32, #tpu.memory_space<vmem>>) target_semaphore(%run_scoped3A : memref<!tpu.dma_semaphore, #tpu.memory_space<semaphore_mem>>)
      %dma_wait3A_91 = arith.constant 0 : i32
      %dma_wait3A_92 = arith.constant 0 : i32
      %dma_wait3A_93 = tpu.memref_slice %arg4[%arg1, %dma_wait3A_91, %dma_wait3A_92] : memref<16x250x80xi32, #tpu.memory_space<hbm>> -> memref<1x250x80xi32, #tpu.memory_space<hbm>>
      %dma_wait3A_94 = tpu.memref_squeeze %dma_wait3A_93 : memref<1x250x80xi32, #tpu.memory_space<hbm>> -> memref<250x80xi32, #tpu.memory_space<hbm>>
      %dma_wait3A_95 = arith.constant 0 : i32
      %dma_wait3A_96 = arith.constant 0 : i32
      %dma_wait3A_97 = tpu.memref_slice %arg4[%arg1, %dma_wait3A_95, %dma_wait3A_96] : memref<16x250x80xi32, #tpu.memory_space<hbm>> -> memref<1x250x80xi32, #tpu.memory_space<hbm>>
      %dma_wait3A_98 = tpu.memref_squeeze %dma_wait3A_97 : memref<1x250x80xi32, #tpu.memory_space<hbm>> -> memref<250x80xi32, #tpu.memory_space<hbm>>
      tpu.wait_dma2 semaphore(%run_scoped3A : memref<!tpu.dma_semaphore, #tpu.memory_space<semaphore_mem>>) src(%dma_wait3A_98 : memref<250x80xi32, #tpu.memory_space<hbm>>) dst(%arg8 : memref<250x80xi32, #tpu.memory_space<vmem>>)
      tpu.yield
    }) : () -> ()
    "tpu.region"() ({
      %run_scoped3A = tpu.sem_alloc : memref<!tpu.dma_semaphore, #tpu.memory_space<semaphore_mem>>
      %dma_start3A = arith.constant 0 : i32
      %dma_start3A_84 = arith.constant 0 : i32
      %dma_start3A_85 = tpu.memref_slice %arg5[%arg1, %dma_start3A, %dma_start3A_84] : memref<16x250x80xi32, #tpu.memory_space<hbm>> -> memref<1x250x80xi32, #tpu.memory_space<hbm>>
      %dma_start3A_86 = tpu.memref_squeeze %dma_start3A_85 : memref<1x250x80xi32, #tpu.memory_space<hbm>> -> memref<250x80xi32, #tpu.memory_space<hbm>>
      %dma_start3A_87 = arith.constant 0 : i32
      %dma_start3A_88 = arith.constant 0 : i32
      %dma_start3A_89 = tpu.memref_slice %arg5[%arg1, %dma_start3A_87, %dma_start3A_88] : memref<16x250x80xi32, #tpu.memory_space<hbm>> -> memref<1x250x80xi32, #tpu.memory_space<hbm>>
      %dma_start3A_90 = tpu.memref_squeeze %dma_start3A_89 : memref<1x250x80xi32, #tpu.memory_space<hbm>> -> memref<250x80xi32, #tpu.memory_space<hbm>>
      tpu.enqueue_dma source(%dma_start3A_90 : memref<250x80xi32, #tpu.memory_space<hbm>>) target(%arg9 : memref<250x80xi32, #tpu.memory_space<vmem>>) target_semaphore(%run_scoped3A : memref<!tpu.dma_semaphore, #tpu.memory_space<semaphore_mem>>)
      %dma_wait3A_91 = arith.constant 0 : i32
      %dma_wait3A_92 = arith.constant 0 : i32
      %dma_wait3A_93 = tpu.memref_slice %arg5[%arg1, %dma_wait3A_91, %dma_wait3A_92] : memref<16x250x80xi32, #tpu.memory_space<hbm>> -> memref<1x250x80xi32, #tpu.memory_space<hbm>>
      %dma_wait3A_94 = tpu.memref_squeeze %dma_wait3A_93 : memref<1x250x80xi32, #tpu.memory_space<hbm>> -> memref<250x80xi32, #tpu.memory_space<hbm>>
      %dma_wait3A_95 = arith.constant 0 : i32
      %dma_wait3A_96 = arith.constant 0 : i32
      %dma_wait3A_97 = tpu.memref_slice %arg5[%arg1, %dma_wait3A_95, %dma_wait3A_96] : memref<16x250x80xi32, #tpu.memory_space<hbm>> -> memref<1x250x80xi32, #tpu.memory_space<hbm>>
      %dma_wait3A_98 = tpu.memref_squeeze %dma_wait3A_97 : memref<1x250x80xi32, #tpu.memory_space<hbm>> -> memref<250x80xi32, #tpu.memory_space<hbm>>
      tpu.wait_dma2 semaphore(%run_scoped3A : memref<!tpu.dma_semaphore, #tpu.memory_space<semaphore_mem>>) src(%dma_wait3A_98 : memref<250x80xi32, #tpu.memory_space<hbm>>) dst(%arg9 : memref<250x80xi32, #tpu.memory_space<vmem>>)
      tpu.yield
    }) : () -> ()
    %barrier3A = arith.constant 0 : index
    tpu.barrier barrier_id(%barrier3A)
    %eq3A = arith.constant 0 : i32
    %eq3A_3 = arith.cmpi eq, %arg0, %eq3A : i32
    %convert_element_type3A = arith.extui %eq3A_3 : i1 to i32
    %cond3A = arith.constant 0 : i32
    %cond3A_4 = arith.cmpi ne, %convert_element_type3A, %cond3A : i32
    scf.if %cond3A_4 {
      %dma_start3A = arith.constant 0 : i32
      %dma_start3A_84 = arith.constant 0 : i32
      %dma_start3A_85 = tpu.memref_slice %arg8[%dma_start3A, %dma_start3A_84] : memref<250x80xi32, #tpu.memory_space<vmem>> -> memref<1x80xi32, #tpu.memory_space<vmem>>
      %dma_start3A_86 = tpu.memref_squeeze %dma_start3A_85 : memref<1x80xi32, #tpu.memory_space<vmem>> -> memref<80xi32, #tpu.memory_space<vmem>>
      %dma_start3A_87 = arith.constant 0 : i32
      %dma_start3A_88 = arith.constant 0 : i32
      %dma_start3A_89 = tpu.memref_slice %arg2[%dma_start3A_87, %dma_start3A_88] : memref<10000x32xf32, #tpu.memory_space<hbm>> -> memref<10000x32xf32, #tpu.memory_space<hbm>>
      tpu.enqueue_indirect_dma source(%dma_start3A_89 : memref<10000x32xf32, #tpu.memory_space<hbm>>) target(%arg10 : memref<80x32xf32, #tpu.memory_space<vmem>>) offsets(%dma_start3A_86 : memref<80xi32, #tpu.memory_space<vmem>>) semaphore(%arg16 : memref<!tpu.dma_semaphore, #tpu.memory_space<semaphore_mem>>)
    } else {
    }
    %eq3A_5 = arith.constant 1 : i32
    %eq3A_6 = arith.cmpi eq, %arg0, %eq3A_5 : i32
    %convert_element_type3A_7 = arith.extui %eq3A_6 : i1 to i32
    %cond3A_8 = arith.constant 0 : i32
    %cond3A_9 = arith.cmpi ne, %convert_element_type3A_7, %cond3A_8 : i32
    scf.if %cond3A_9 {
      %dma_start3A = arith.constant 0 : i32
      %dma_start3A_84 = arith.constant 0 : i32
      %dma_start3A_85 = tpu.memref_slice %arg8[%dma_start3A, %dma_start3A_84] : memref<250x80xi32, #tpu.memory_space<vmem>> -> memref<1x80xi32, #tpu.memory_space<vmem>>
      %dma_start3A_86 = tpu.memref_squeeze %dma_start3A_85 : memref<1x80xi32, #tpu.memory_space<vmem>> -> memref<80xi32, #tpu.memory_space<vmem>>
      %dma_start3A_87 = arith.constant 0 : i32
      %dma_start3A_88 = arith.constant 0 : i32
      %dma_start3A_89 = tpu.memref_slice %arg3[%dma_start3A_87, %dma_start3A_88] : memref<10000x32xf32, #tpu.memory_space<hbm>> -> memref<10000x32xf32, #tpu.memory_space<hbm>>
      tpu.enqueue_indirect_dma source(%dma_start3A_89 : memref<10000x32xf32, #tpu.memory_space<hbm>>) target(%arg10 : memref<80x32xf32, #tpu.memory_space<vmem>>) offsets(%dma_start3A_86 : memref<80xi32, #tpu.memory_space<vmem>>) semaphore(%arg16 : memref<!tpu.dma_semaphore, #tpu.memory_space<semaphore_mem>>)
    } else {
    }
    %eq3A_10 = arith.constant 0 : i32
    %eq3A_11 = arith.cmpi eq, %arg0, %eq3A_10 : i32
    %convert_element_type3A_12 = arith.extui %eq3A_11 : i1 to i32
    %cond3A_13 = arith.constant 0 : i32
    %cond3A_14 = arith.cmpi ne, %convert_element_type3A_12, %cond3A_13 : i32
    scf.if %cond3A_14 {
      %dma_start3A = arith.constant 1 : i32
      %dma_start3A_84 = arith.constant 0 : i32
      %dma_start3A_85 = tpu.memref_slice %arg8[%dma_start3A, %dma_start3A_84] : memref<250x80xi32, #tpu.memory_space<vmem>> -> memref<1x80xi32, #tpu.memory_space<vmem>>
      %dma_start3A_86 = tpu.memref_squeeze %dma_start3A_85 : memref<1x80xi32, #tpu.memory_space<vmem>> -> memref<80xi32, #tpu.memory_space<vmem>>
      %dma_start3A_87 = arith.constant 0 : i32
      %dma_start3A_88 = arith.constant 0 : i32
      %dma_start3A_89 = tpu.memref_slice %arg2[%dma_start3A_87, %dma_start3A_88] : memref<10000x32xf32, #tpu.memory_space<hbm>> -> memref<10000x32xf32, #tpu.memory_space<hbm>>
      tpu.enqueue_indirect_dma source(%dma_start3A_89 : memref<10000x32xf32, #tpu.memory_space<hbm>>) target(%arg11 : memref<80x32xf32, #tpu.memory_space<vmem>>) offsets(%dma_start3A_86 : memref<80xi32, #tpu.memory_space<vmem>>) semaphore(%arg17 : memref<!tpu.dma_semaphore, #tpu.memory_space<semaphore_mem>>)
    } else {
    }
    %eq3A_15 = arith.constant 1 : i32
    %eq3A_16 = arith.cmpi eq, %arg0, %eq3A_15 : i32
    %convert_element_type3A_17 = arith.extui %eq3A_16 : i1 to i32
    %cond3A_18 = arith.constant 0 : i32
    %cond3A_19 = arith.cmpi ne, %convert_element_type3A_17, %cond3A_18 : i32
    scf.if %cond3A_19 {
      %dma_start3A = arith.constant 1 : i32
      %dma_start3A_84 = arith.constant 0 : i32
      %dma_start3A_85 = tpu.memref_slice %arg8[%dma_start3A, %dma_start3A_84] : memref<250x80xi32, #tpu.memory_space<vmem>> -> memref<1x80xi32, #tpu.memory_space<vmem>>
      %dma_start3A_86 = tpu.memref_squeeze %dma_start3A_85 : memref<1x80xi32, #tpu.memory_space<vmem>> -> memref<80xi32, #tpu.memory_space<vmem>>
      %dma_start3A_87 = arith.constant 0 : i32
      %dma_start3A_88 = arith.constant 0 : i32
      %dma_start3A_89 = tpu.memref_slice %arg3[%dma_start3A_87, %dma_start3A_88] : memref<10000x32xf32, #tpu.memory_space<hbm>> -> memref<10000x32xf32, #tpu.memory_space<hbm>>
      tpu.enqueue_indirect_dma source(%dma_start3A_89 : memref<10000x32xf32, #tpu.memory_space<hbm>>) target(%arg11 : memref<80x32xf32, #tpu.memory_space<vmem>>) offsets(%dma_start3A_86 : memref<80xi32, #tpu.memory_space<vmem>>) semaphore(%arg17 : memref<!tpu.dma_semaphore, #tpu.memory_space<semaphore_mem>>)
    } else {
    }
    %eq3A_20 = arith.constant 0 : i32
    %eq3A_21 = arith.cmpi eq, %arg0, %eq3A_20 : i32
    %convert_element_type3A_22 = arith.extui %eq3A_21 : i1 to i32
    %cond3A_23 = arith.constant 0 : i32
    %cond3A_24 = arith.cmpi ne, %convert_element_type3A_22, %cond3A_23 : i32
    scf.if %cond3A_24 {
      %dma_start3A = arith.constant 2 : i32
      %dma_start3A_84 = arith.constant 0 : i32
      %dma_start3A_85 = tpu.memref_slice %arg8[%dma_start3A, %dma_start3A_84] : memref<250x80xi32, #tpu.memory_space<vmem>> -> memref<1x80xi32, #tpu.memory_space<vmem>>
      %dma_start3A_86 = tpu.memref_squeeze %dma_start3A_85 : memref<1x80xi32, #tpu.memory_space<vmem>> -> memref<80xi32, #tpu.memory_space<vmem>>
      %dma_start3A_87 = arith.constant 0 : i32
      %dma_start3A_88 = arith.constant 0 : i32
      %dma_start3A_89 = tpu.memref_slice %arg2[%dma_start3A_87, %dma_start3A_88] : memref<10000x32xf32, #tpu.memory_space<hbm>> -> memref<10000x32xf32, #tpu.memory_space<hbm>>
      tpu.enqueue_indirect_dma source(%dma_start3A_89 : memref<10000x32xf32, #tpu.memory_space<hbm>>) target(%arg12 : memref<80x32xf32, #tpu.memory_space<vmem>>) offsets(%dma_start3A_86 : memref<80xi32, #tpu.memory_space<vmem>>) semaphore(%arg18 : memref<!tpu.dma_semaphore, #tpu.memory_space<semaphore_mem>>)
    } else {
    }
    %eq3A_25 = arith.constant 1 : i32
    %eq3A_26 = arith.cmpi eq, %arg0, %eq3A_25 : i32
    %convert_element_type3A_27 = arith.extui %eq3A_26 : i1 to i32
    %cond3A_28 = arith.constant 0 : i32
    %cond3A_29 = arith.cmpi ne, %convert_element_type3A_27, %cond3A_28 : i32
    scf.if %cond3A_29 {
      %dma_start3A = arith.constant 2 : i32
      %dma_start3A_84 = arith.constant 0 : i32
      %dma_start3A_85 = tpu.memref_slice %arg8[%dma_start3A, %dma_start3A_84] : memref<250x80xi32, #tpu.memory_space<vmem>> -> memref<1x80xi32, #tpu.memory_space<vmem>>
      %dma_start3A_86 = tpu.memref_squeeze %dma_start3A_85 : memref<1x80xi32, #tpu.memory_space<vmem>> -> memref<80xi32, #tpu.memory_space<vmem>>
      %dma_start3A_87 = arith.constant 0 : i32
      %dma_start3A_88 = arith.constant 0 : i32
      %dma_start3A_89 = tpu.memref_slice %arg3[%dma_start3A_87, %dma_start3A_88] : memref<10000x32xf32, #tpu.memory_space<hbm>> -> memref<10000x32xf32, #tpu.memory_space<hbm>>
      tpu.enqueue_indirect_dma source(%dma_start3A_89 : memref<10000x32xf32, #tpu.memory_space<hbm>>) target(%arg12 : memref<80x32xf32, #tpu.memory_space<vmem>>) offsets(%dma_start3A_86 : memref<80xi32, #tpu.memory_space<vmem>>) semaphore(%arg18 : memref<!tpu.dma_semaphore, #tpu.memory_space<semaphore_mem>>)
    } else {
    }
    %eq3A_30 = arith.constant 0 : i32
    %eq3A_31 = arith.cmpi eq, %arg0, %eq3A_30 : i32
    %convert_element_type3A_32 = arith.extui %eq3A_31 : i1 to i32
    %cond3A_33 = arith.constant 0 : i32
    %cond3A_34 = arith.cmpi ne, %convert_element_type3A_32, %cond3A_33 : i32
    scf.if %cond3A_34 {
      %dma_start3A = arith.constant 3 : i32
      %dma_start3A_84 = arith.constant 0 : i32
      %dma_start3A_85 = tpu.memref_slice %arg8[%dma_start3A, %dma_start3A_84] : memref<250x80xi32, #tpu.memory_space<vmem>> -> memref<1x80xi32, #tpu.memory_space<vmem>>
      %dma_start3A_86 = tpu.memref_squeeze %dma_start3A_85 : memref<1x80xi32, #tpu.memory_space<vmem>> -> memref<80xi32, #tpu.memory_space<vmem>>
      %dma_start3A_87 = arith.constant 0 : i32
      %dma_start3A_88 = arith.constant 0 : i32
      %dma_start3A_89 = tpu.memref_slice %arg2[%dma_start3A_87, %dma_start3A_88] : memref<10000x32xf32, #tpu.memory_space<hbm>> -> memref<10000x32xf32, #tpu.memory_space<hbm>>
      tpu.enqueue_indirect_dma source(%dma_start3A_89 : memref<10000x32xf32, #tpu.memory_space<hbm>>) target(%arg13 : memref<80x32xf32, #tpu.memory_space<vmem>>) offsets(%dma_start3A_86 : memref<80xi32, #tpu.memory_space<vmem>>) semaphore(%arg19 : memref<!tpu.dma_semaphore, #tpu.memory_space<semaphore_mem>>)
    } else {
    }
    %eq3A_35 = arith.constant 1 : i32
    %eq3A_36 = arith.cmpi eq, %arg0, %eq3A_35 : i32
    %convert_element_type3A_37 = arith.extui %eq3A_36 : i1 to i32
    %cond3A_38 = arith.constant 0 : i32
    %cond3A_39 = arith.cmpi ne, %convert_element_type3A_37, %cond3A_38 : i32
    scf.if %cond3A_39 {
      %dma_start3A = arith.constant 3 : i32
      %dma_start3A_84 = arith.constant 0 : i32
      %dma_start3A_85 = tpu.memref_slice %arg8[%dma_start3A, %dma_start3A_84] : memref<250x80xi32, #tpu.memory_space<vmem>> -> memref<1x80xi32, #tpu.memory_space<vmem>>
      %dma_start3A_86 = tpu.memref_squeeze %dma_start3A_85 : memref<1x80xi32, #tpu.memory_space<vmem>> -> memref<80xi32, #tpu.memory_space<vmem>>
      %dma_start3A_87 = arith.constant 0 : i32
      %dma_start3A_88 = arith.constant 0 : i32
      %dma_start3A_89 = tpu.memref_slice %arg3[%dma_start3A_87, %dma_start3A_88] : memref<10000x32xf32, #tpu.memory_space<hbm>> -> memref<10000x32xf32, #tpu.memory_space<hbm>>
      tpu.enqueue_indirect_dma source(%dma_start3A_89 : memref<10000x32xf32, #tpu.memory_space<hbm>>) target(%arg13 : memref<80x32xf32, #tpu.memory_space<vmem>>) offsets(%dma_start3A_86 : memref<80xi32, #tpu.memory_space<vmem>>) semaphore(%arg19 : memref<!tpu.dma_semaphore, #tpu.memory_space<semaphore_mem>>)
    } else {
    }
    %scan3A = arith.constant 0 : i32
    %scan3A_40 = arith.constant 0 : i32
    %scan3A_41 = arith.constant 50 : i32
    %scan3A_42 = arith.addi %scan3A_40, %scan3A_41 : i32
    %scan3A_43 = arith.constant 1 : i32
    scf.for %scan3A_84 = %scan3A_40 to %scan3A_42 step %scan3A_43  : i32 {
      %mul3A_85 = arith.constant 5 : i32
      %mul3A_86 = arith.muli %scan3A_84, %mul3A_85 : i32
      %add3A = arith.constant 0 : i32
      %add3A_87 = arith.addi %mul3A_86, %add3A : i32
      %eq3A_88 = arith.constant 0 : i32
      %eq3A_89 = arith.cmpi eq, %arg0, %eq3A_88 : i32
      %convert_element_type3A_90 = arith.extui %eq3A_89 : i1 to i32
      %cond3A_91 = arith.constant 0 : i32
      %cond3A_92 = arith.cmpi ne, %convert_element_type3A_90, %cond3A_91 : i32
      scf.if %cond3A_92 {
        %dma_wait3A_217 = arith.constant 0 : i32
        %dma_wait3A_218 = tpu.memref_slice %arg8[%add3A_87, %dma_wait3A_217] : memref<250x80xi32, #tpu.memory_space<vmem>> -> memref<1x80xi32, #tpu.memory_space<vmem>>
        %dma_wait3A_219 = tpu.memref_squeeze %dma_wait3A_218 : memref<1x80xi32, #tpu.memory_space<vmem>> -> memref<80xi32, #tpu.memory_space<vmem>>
        %dma_wait3A_220 = arith.constant 0 : i32
        %dma_wait3A_221 = arith.constant 0 : i32
        %dma_wait3A_222 = tpu.memref_slice %arg2[%dma_wait3A_220, %dma_wait3A_221] : memref<10000x32xf32, #tpu.memory_space<hbm>> -> memref<10000x32xf32, #tpu.memory_space<hbm>>
        tpu.wait_indirect_dma semaphore(%arg16 : memref<!tpu.dma_semaphore, #tpu.memory_space<semaphore_mem>>) src(%dma_wait3A_222 : memref<10000x32xf32, #tpu.memory_space<hbm>>) dst(%arg10 : memref<80x32xf32, #tpu.memory_space<vmem>>)
      } else {
      }
      %eq3A_93 = arith.constant 1 : i32
      %eq3A_94 = arith.cmpi eq, %arg0, %eq3A_93 : i32
      %convert_element_type3A_95 = arith.extui %eq3A_94 : i1 to i32
      %cond3A_96 = arith.constant 0 : i32
      %cond3A_97 = arith.cmpi ne, %convert_element_type3A_95, %cond3A_96 : i32
      scf.if %cond3A_97 {
        %dma_wait3A_217 = arith.constant 0 : i32
        %dma_wait3A_218 = tpu.memref_slice %arg8[%add3A_87, %dma_wait3A_217] : memref<250x80xi32, #tpu.memory_space<vmem>> -> memref<1x80xi32, #tpu.memory_space<vmem>>
        %dma_wait3A_219 = tpu.memref_squeeze %dma_wait3A_218 : memref<1x80xi32, #tpu.memory_space<vmem>> -> memref<80xi32, #tpu.memory_space<vmem>>
        %dma_wait3A_220 = arith.constant 0 : i32
        %dma_wait3A_221 = arith.constant 0 : i32
        %dma_wait3A_222 = tpu.memref_slice %arg3[%dma_wait3A_220, %dma_wait3A_221] : memref<10000x32xf32, #tpu.memory_space<hbm>> -> memref<10000x32xf32, #tpu.memory_space<hbm>>
        tpu.wait_indirect_dma semaphore(%arg16 : memref<!tpu.dma_semaphore, #tpu.memory_space<semaphore_mem>>) src(%dma_wait3A_222 : memref<10000x32xf32, #tpu.memory_space<hbm>>) dst(%arg10 : memref<80x32xf32, #tpu.memory_space<vmem>>)
      } else {
      }
      %dma_start3A = arith.constant 0 : i32
      %dma_start3A_98 = tpu.memref_slice %arg9[%add3A_87, %dma_start3A] : memref<250x80xi32, #tpu.memory_space<vmem>> -> memref<1x80xi32, #tpu.memory_space<vmem>>
      %dma_start3A_99 = tpu.memref_squeeze %dma_start3A_98 : memref<1x80xi32, #tpu.memory_space<vmem>> -> memref<80xi32, #tpu.memory_space<vmem>>
      %dma_start3A_100 = arith.constant 0 : i32
      %dma_start3A_101 = arith.constant 0 : i32
      %dma_start3A_102 = tpu.memref_slice %arg15[%dma_start3A_100, %dma_start3A_101] : memref<10240x32xf32, #tpu.memory_space<vmem_shared>> -> memref<10240x32xf32, #tpu.memory_space<vmem_shared>>
      tpu.enqueue_indirect_dma source(%arg10 : memref<80x32xf32, #tpu.memory_space<vmem>>) target(%dma_start3A_102 : memref<10240x32xf32, #tpu.memory_space<vmem_shared>>) offsets(%dma_start3A_99 : memref<80xi32, #tpu.memory_space<vmem>>) semaphore(%arg21 : memref<!tpu.dma_semaphore, #tpu.memory_space<semaphore_mem>>) {add = true}
      %add3A_103 = arith.constant 4 : i32
      %add3A_104 = arith.addi %add3A_87, %add3A_103 : i32
      %lt3A = arith.constant 250 : i32
      %lt3A_105 = arith.cmpi slt, %add3A_104, %lt3A : i32
      %convert_element_type3A_106 = arith.extui %lt3A_105 : i1 to i32
      %cond3A_107 = arith.constant 0 : i32
      %cond3A_108 = arith.cmpi ne, %convert_element_type3A_106, %cond3A_107 : i32
      scf.if %cond3A_108 {
        %sub3A = arith.constant 5 : i32
        %sub3A_217 = arith.subi %add3A_104, %sub3A : i32
        %ge3A = arith.constant 0 : i32
        %ge3A_218 = arith.cmpi sge, %sub3A_217, %ge3A : i32
        %convert_element_type3A_219 = arith.extui %ge3A_218 : i1 to i32
        %cond3A_220 = arith.constant 0 : i32
        %cond3A_221 = arith.cmpi ne, %convert_element_type3A_219, %cond3A_220 : i32
        scf.if %cond3A_221 {
          %sub3A_232 = arith.constant 5 : i32
          %sub3A_233 = arith.subi %add3A_104, %sub3A_232 : i32
          %dma_wait3A_234 = arith.constant 0 : i32
          %dma_wait3A_235 = tpu.memref_slice %arg9[%sub3A_233, %dma_wait3A_234] : memref<250x80xi32, #tpu.memory_space<vmem>> -> memref<1x80xi32, #tpu.memory_space<vmem>>
          %dma_wait3A_236 = tpu.memref_squeeze %dma_wait3A_235 : memref<1x80xi32, #tpu.memory_space<vmem>> -> memref<80xi32, #tpu.memory_space<vmem>>
          %dma_wait3A_237 = arith.constant 0 : i32
          %dma_wait3A_238 = arith.constant 0 : i32
          %dma_wait3A_239 = tpu.memref_slice %arg15[%dma_wait3A_237, %dma_wait3A_238] : memref<10240x32xf32, #tpu.memory_space<vmem_shared>> -> memref<10240x32xf32, #tpu.memory_space<vmem_shared>>
          tpu.wait_indirect_dma semaphore(%arg25 : memref<!tpu.dma_semaphore, #tpu.memory_space<semaphore_mem>>) src(%arg14 : memref<80x32xf32, #tpu.memory_space<vmem>>) dst(%dma_wait3A_239 : memref<10240x32xf32, #tpu.memory_space<vmem_shared>>)
        } else {
        }
        %eq3A_222 = arith.constant 0 : i32
        %eq3A_223 = arith.cmpi eq, %arg0, %eq3A_222 : i32
        %convert_element_type3A_224 = arith.extui %eq3A_223 : i1 to i32
        %cond3A_225 = arith.constant 0 : i32
        %cond3A_226 = arith.cmpi ne, %convert_element_type3A_224, %cond3A_225 : i32
        scf.if %cond3A_226 {
          %dma_start3A_232 = arith.constant 0 : i32
          %dma_start3A_233 = tpu.memref_slice %arg8[%add3A_104, %dma_start3A_232] : memref<250x80xi32, #tpu.memory_space<vmem>> -> memref<1x80xi32, #tpu.memory_space<vmem>>
          %dma_start3A_234 = tpu.memref_squeeze %dma_start3A_233 : memref<1x80xi32, #tpu.memory_space<vmem>> -> memref<80xi32, #tpu.memory_space<vmem>>
          %dma_start3A_235 = arith.constant 0 : i32
          %dma_start3A_236 = arith.constant 0 : i32
          %dma_start3A_237 = tpu.memref_slice %arg2[%dma_start3A_235, %dma_start3A_236] : memref<10000x32xf32, #tpu.memory_space<hbm>> -> memref<10000x32xf32, #tpu.memory_space<hbm>>
          tpu.enqueue_indirect_dma source(%dma_start3A_237 : memref<10000x32xf32, #tpu.memory_space<hbm>>) target(%arg14 : memref<80x32xf32, #tpu.memory_space<vmem>>) offsets(%dma_start3A_234 : memref<80xi32, #tpu.memory_space<vmem>>) semaphore(%arg20 : memref<!tpu.dma_semaphore, #tpu.memory_space<semaphore_mem>>)
        } else {
        }
        %eq3A_227 = arith.constant 1 : i32
        %eq3A_228 = arith.cmpi eq, %arg0, %eq3A_227 : i32
        %convert_element_type3A_229 = arith.extui %eq3A_228 : i1 to i32
        %cond3A_230 = arith.constant 0 : i32
        %cond3A_231 = arith.cmpi ne, %convert_element_type3A_229, %cond3A_230 : i32
        scf.if %cond3A_231 {
          %dma_start3A_232 = arith.constant 0 : i32
          %dma_start3A_233 = tpu.memref_slice %arg8[%add3A_104, %dma_start3A_232] : memref<250x80xi32, #tpu.memory_space<vmem>> -> memref<1x80xi32, #tpu.memory_space<vmem>>
          %dma_start3A_234 = tpu.memref_squeeze %dma_start3A_233 : memref<1x80xi32, #tpu.memory_space<vmem>> -> memref<80xi32, #tpu.memory_space<vmem>>
          %dma_start3A_235 = arith.constant 0 : i32
          %dma_start3A_236 = arith.constant 0 : i32
          %dma_start3A_237 = tpu.memref_slice %arg3[%dma_start3A_235, %dma_start3A_236] : memref<10000x32xf32, #tpu.memory_space<hbm>> -> memref<10000x32xf32, #tpu.memory_space<hbm>>
          tpu.enqueue_indirect_dma source(%dma_start3A_237 : memref<10000x32xf32, #tpu.memory_space<hbm>>) target(%arg14 : memref<80x32xf32, #tpu.memory_space<vmem>>) offsets(%dma_start3A_234 : memref<80xi32, #tpu.memory_space<vmem>>) semaphore(%arg20 : memref<!tpu.dma_semaphore, #tpu.memory_space<semaphore_mem>>)
        } else {
        }
      } else {
      }
      %mul3A_109 = arith.constant 5 : i32
      %mul3A_110 = arith.muli %scan3A_84, %mul3A_109 : i32
      %add3A_111 = arith.constant 1 : i32
      %add3A_112 = arith.addi %mul3A_110, %add3A_111 : i32
      %eq3A_113 = arith.constant 0 : i32
      %eq3A_114 = arith.cmpi eq, %arg0, %eq3A_113 : i32
      %convert_element_type3A_115 = arith.extui %eq3A_114 : i1 to i32
      %cond3A_116 = arith.constant 0 : i32
      %cond3A_117 = arith.cmpi ne, %convert_element_type3A_115, %cond3A_116 : i32
      scf.if %cond3A_117 {
        %dma_wait3A_217 = arith.constant 0 : i32
        %dma_wait3A_218 = tpu.memref_slice %arg8[%add3A_112, %dma_wait3A_217] : memref<250x80xi32, #tpu.memory_space<vmem>> -> memref<1x80xi32, #tpu.memory_space<vmem>>
        %dma_wait3A_219 = tpu.memref_squeeze %dma_wait3A_218 : memref<1x80xi32, #tpu.memory_space<vmem>> -> memref<80xi32, #tpu.memory_space<vmem>>
        %dma_wait3A_220 = arith.constant 0 : i32
        %dma_wait3A_221 = arith.constant 0 : i32
        %dma_wait3A_222 = tpu.memref_slice %arg2[%dma_wait3A_220, %dma_wait3A_221] : memref<10000x32xf32, #tpu.memory_space<hbm>> -> memref<10000x32xf32, #tpu.memory_space<hbm>>
        tpu.wait_indirect_dma semaphore(%arg17 : memref<!tpu.dma_semaphore, #tpu.memory_space<semaphore_mem>>) src(%dma_wait3A_222 : memref<10000x32xf32, #tpu.memory_space<hbm>>) dst(%arg11 : memref<80x32xf32, #tpu.memory_space<vmem>>)
      } else {
      }
      %eq3A_118 = arith.constant 1 : i32
      %eq3A_119 = arith.cmpi eq, %arg0, %eq3A_118 : i32
      %convert_element_type3A_120 = arith.extui %eq3A_119 : i1 to i32
      %cond3A_121 = arith.constant 0 : i32
      %cond3A_122 = arith.cmpi ne, %convert_element_type3A_120, %cond3A_121 : i32
      scf.if %cond3A_122 {
        %dma_wait3A_217 = arith.constant 0 : i32
        %dma_wait3A_218 = tpu.memref_slice %arg8[%add3A_112, %dma_wait3A_217] : memref<250x80xi32, #tpu.memory_space<vmem>> -> memref<1x80xi32, #tpu.memory_space<vmem>>
        %dma_wait3A_219 = tpu.memref_squeeze %dma_wait3A_218 : memref<1x80xi32, #tpu.memory_space<vmem>> -> memref<80xi32, #tpu.memory_space<vmem>>
        %dma_wait3A_220 = arith.constant 0 : i32
        %dma_wait3A_221 = arith.constant 0 : i32
        %dma_wait3A_222 = tpu.memref_slice %arg3[%dma_wait3A_220, %dma_wait3A_221] : memref<10000x32xf32, #tpu.memory_space<hbm>> -> memref<10000x32xf32, #tpu.memory_space<hbm>>
        tpu.wait_indirect_dma semaphore(%arg17 : memref<!tpu.dma_semaphore, #tpu.memory_space<semaphore_mem>>) src(%dma_wait3A_222 : memref<10000x32xf32, #tpu.memory_space<hbm>>) dst(%arg11 : memref<80x32xf32, #tpu.memory_space<vmem>>)
      } else {
      }
      %dma_start3A_123 = arith.constant 0 : i32
      %dma_start3A_124 = tpu.memref_slice %arg9[%add3A_112, %dma_start3A_123] : memref<250x80xi32, #tpu.memory_space<vmem>> -> memref<1x80xi32, #tpu.memory_space<vmem>>
      %dma_start3A_125 = tpu.memref_squeeze %dma_start3A_124 : memref<1x80xi32, #tpu.memory_space<vmem>> -> memref<80xi32, #tpu.memory_space<vmem>>
      %dma_start3A_126 = arith.constant 0 : i32
      %dma_start3A_127 = arith.constant 0 : i32
      %dma_start3A_128 = tpu.memref_slice %arg15[%dma_start3A_126, %dma_start3A_127] : memref<10240x32xf32, #tpu.memory_space<vmem_shared>> -> memref<10240x32xf32, #tpu.memory_space<vmem_shared>>
      tpu.enqueue_indirect_dma source(%arg11 : memref<80x32xf32, #tpu.memory_space<vmem>>) target(%dma_start3A_128 : memref<10240x32xf32, #tpu.memory_space<vmem_shared>>) offsets(%dma_start3A_125 : memref<80xi32, #tpu.memory_space<vmem>>) semaphore(%arg22 : memref<!tpu.dma_semaphore, #tpu.memory_space<semaphore_mem>>) {add = true}
      %add3A_129 = arith.constant 4 : i32
      %add3A_130 = arith.addi %add3A_112, %add3A_129 : i32
      %lt3A_131 = arith.constant 250 : i32
      %lt3A_132 = arith.cmpi slt, %add3A_130, %lt3A_131 : i32
      %convert_element_type3A_133 = arith.extui %lt3A_132 : i1 to i32
      %cond3A_134 = arith.constant 0 : i32
      %cond3A_135 = arith.cmpi ne, %convert_element_type3A_133, %cond3A_134 : i32
      scf.if %cond3A_135 {
        %sub3A = arith.constant 5 : i32
        %sub3A_217 = arith.subi %add3A_130, %sub3A : i32
        %ge3A = arith.constant 0 : i32
        %ge3A_218 = arith.cmpi sge, %sub3A_217, %ge3A : i32
        %convert_element_type3A_219 = arith.extui %ge3A_218 : i1 to i32
        %cond3A_220 = arith.constant 0 : i32
        %cond3A_221 = arith.cmpi ne, %convert_element_type3A_219, %cond3A_220 : i32
        scf.if %cond3A_221 {
          %sub3A_232 = arith.constant 5 : i32
          %sub3A_233 = arith.subi %add3A_130, %sub3A_232 : i32
          %dma_wait3A_234 = arith.constant 0 : i32
          %dma_wait3A_235 = tpu.memref_slice %arg9[%sub3A_233, %dma_wait3A_234] : memref<250x80xi32, #tpu.memory_space<vmem>> -> memref<1x80xi32, #tpu.memory_space<vmem>>
          %dma_wait3A_236 = tpu.memref_squeeze %dma_wait3A_235 : memref<1x80xi32, #tpu.memory_space<vmem>> -> memref<80xi32, #tpu.memory_space<vmem>>
          %dma_wait3A_237 = arith.constant 0 : i32
          %dma_wait3A_238 = arith.constant 0 : i32
          %dma_wait3A_239 = tpu.memref_slice %arg15[%dma_wait3A_237, %dma_wait3A_238] : memref<10240x32xf32, #tpu.memory_space<vmem_shared>> -> memref<10240x32xf32, #tpu.memory_space<vmem_shared>>
          tpu.wait_indirect_dma semaphore(%arg21 : memref<!tpu.dma_semaphore, #tpu.memory_space<semaphore_mem>>) src(%arg10 : memref<80x32xf32, #tpu.memory_space<vmem>>) dst(%dma_wait3A_239 : memref<10240x32xf32, #tpu.memory_space<vmem_shared>>)
        } else {
        }
        %eq3A_222 = arith.constant 0 : i32
        %eq3A_223 = arith.cmpi eq, %arg0, %eq3A_222 : i32
        %convert_element_type3A_224 = arith.extui %eq3A_223 : i1 to i32
        %cond3A_225 = arith.constant 0 : i32
        %cond3A_226 = arith.cmpi ne, %convert_element_type3A_224, %cond3A_225 : i32
        scf.if %cond3A_226 {
          %dma_start3A_232 = arith.constant 0 : i32
          %dma_start3A_233 = tpu.memref_slice %arg8[%add3A_130, %dma_start3A_232] : memref<250x80xi32, #tpu.memory_space<vmem>> -> memref<1x80xi32, #tpu.memory_space<vmem>>
          %dma_start3A_234 = tpu.memref_squeeze %dma_start3A_233 : memref<1x80xi32, #tpu.memory_space<vmem>> -> memref<80xi32, #tpu.memory_space<vmem>>
          %dma_start3A_235 = arith.constant 0 : i32
          %dma_start3A_236 = arith.constant 0 : i32
          %dma_start3A_237 = tpu.memref_slice %arg2[%dma_start3A_235, %dma_start3A_236] : memref<10000x32xf32, #tpu.memory_space<hbm>> -> memref<10000x32xf32, #tpu.memory_space<hbm>>
          tpu.enqueue_indirect_dma source(%dma_start3A_237 : memref<10000x32xf32, #tpu.memory_space<hbm>>) target(%arg10 : memref<80x32xf32, #tpu.memory_space<vmem>>) offsets(%dma_start3A_234 : memref<80xi32, #tpu.memory_space<vmem>>) semaphore(%arg16 : memref<!tpu.dma_semaphore, #tpu.memory_space<semaphore_mem>>)
        } else {
        }
        %eq3A_227 = arith.constant 1 : i32
        %eq3A_228 = arith.cmpi eq, %arg0, %eq3A_227 : i32
        %convert_element_type3A_229 = arith.extui %eq3A_228 : i1 to i32
        %cond3A_230 = arith.constant 0 : i32
        %cond3A_231 = arith.cmpi ne, %convert_element_type3A_229, %cond3A_230 : i32
        scf.if %cond3A_231 {
          %dma_start3A_232 = arith.constant 0 : i32
          %dma_start3A_233 = tpu.memref_slice %arg8[%add3A_130, %dma_start3A_232] : memref<250x80xi32, #tpu.memory_space<vmem>> -> memref<1x80xi32, #tpu.memory_space<vmem>>
          %dma_start3A_234 = tpu.memref_squeeze %dma_start3A_233 : memref<1x80xi32, #tpu.memory_space<vmem>> -> memref<80xi32, #tpu.memory_space<vmem>>
          %dma_start3A_235 = arith.constant 0 : i32
          %dma_start3A_236 = arith.constant 0 : i32
          %dma_start3A_237 = tpu.memref_slice %arg3[%dma_start3A_235, %dma_start3A_236] : memref<10000x32xf32, #tpu.memory_space<hbm>> -> memref<10000x32xf32, #tpu.memory_space<hbm>>
          tpu.enqueue_indirect_dma source(%dma_start3A_237 : memref<10000x32xf32, #tpu.memory_space<hbm>>) target(%arg10 : memref<80x32xf32, #tpu.memory_space<vmem>>) offsets(%dma_start3A_234 : memref<80xi32, #tpu.memory_space<vmem>>) semaphore(%arg16 : memref<!tpu.dma_semaphore, #tpu.memory_space<semaphore_mem>>)
        } else {
        }
      } else {
      }
      %mul3A_136 = arith.constant 5 : i32
      %mul3A_137 = arith.muli %scan3A_84, %mul3A_136 : i32
      %add3A_138 = arith.constant 2 : i32
      %add3A_139 = arith.addi %mul3A_137, %add3A_138 : i32
      %eq3A_140 = arith.constant 0 : i32
      %eq3A_141 = arith.cmpi eq, %arg0, %eq3A_140 : i32
      %convert_element_type3A_142 = arith.extui %eq3A_141 : i1 to i32
      %cond3A_143 = arith.constant 0 : i32
      %cond3A_144 = arith.cmpi ne, %convert_element_type3A_142, %cond3A_143 : i32
      scf.if %cond3A_144 {
        %dma_wait3A_217 = arith.constant 0 : i32
        %dma_wait3A_218 = tpu.memref_slice %arg8[%add3A_139, %dma_wait3A_217] : memref<250x80xi32, #tpu.memory_space<vmem>> -> memref<1x80xi32, #tpu.memory_space<vmem>>
        %dma_wait3A_219 = tpu.memref_squeeze %dma_wait3A_218 : memref<1x80xi32, #tpu.memory_space<vmem>> -> memref<80xi32, #tpu.memory_space<vmem>>
        %dma_wait3A_220 = arith.constant 0 : i32
        %dma_wait3A_221 = arith.constant 0 : i32
        %dma_wait3A_222 = tpu.memref_slice %arg2[%dma_wait3A_220, %dma_wait3A_221] : memref<10000x32xf32, #tpu.memory_space<hbm>> -> memref<10000x32xf32, #tpu.memory_space<hbm>>
        tpu.wait_indirect_dma semaphore(%arg18 : memref<!tpu.dma_semaphore, #tpu.memory_space<semaphore_mem>>) src(%dma_wait3A_222 : memref<10000x32xf32, #tpu.memory_space<hbm>>) dst(%arg12 : memref<80x32xf32, #tpu.memory_space<vmem>>)
      } else {
      }
      %eq3A_145 = arith.constant 1 : i32
      %eq3A_146 = arith.cmpi eq, %arg0, %eq3A_145 : i32
      %convert_element_type3A_147 = arith.extui %eq3A_146 : i1 to i32
      %cond3A_148 = arith.constant 0 : i32
      %cond3A_149 = arith.cmpi ne, %convert_element_type3A_147, %cond3A_148 : i32
      scf.if %cond3A_149 {
        %dma_wait3A_217 = arith.constant 0 : i32
        %dma_wait3A_218 = tpu.memref_slice %arg8[%add3A_139, %dma_wait3A_217] : memref<250x80xi32, #tpu.memory_space<vmem>> -> memref<1x80xi32, #tpu.memory_space<vmem>>
        %dma_wait3A_219 = tpu.memref_squeeze %dma_wait3A_218 : memref<1x80xi32, #tpu.memory_space<vmem>> -> memref<80xi32, #tpu.memory_space<vmem>>
        %dma_wait3A_220 = arith.constant 0 : i32
        %dma_wait3A_221 = arith.constant 0 : i32
        %dma_wait3A_222 = tpu.memref_slice %arg3[%dma_wait3A_220, %dma_wait3A_221] : memref<10000x32xf32, #tpu.memory_space<hbm>> -> memref<10000x32xf32, #tpu.memory_space<hbm>>
        tpu.wait_indirect_dma semaphore(%arg18 : memref<!tpu.dma_semaphore, #tpu.memory_space<semaphore_mem>>) src(%dma_wait3A_222 : memref<10000x32xf32, #tpu.memory_space<hbm>>) dst(%arg12 : memref<80x32xf32, #tpu.memory_space<vmem>>)
      } else {
      }
      %dma_start3A_150 = arith.constant 0 : i32
      %dma_start3A_151 = tpu.memref_slice %arg9[%add3A_139, %dma_start3A_150] : memref<250x80xi32, #tpu.memory_space<vmem>> -> memref<1x80xi32, #tpu.memory_space<vmem>>
      %dma_start3A_152 = tpu.memref_squeeze %dma_start3A_151 : memref<1x80xi32, #tpu.memory_space<vmem>> -> memref<80xi32, #tpu.memory_space<vmem>>
      %dma_start3A_153 = arith.constant 0 : i32
      %dma_start3A_154 = arith.constant 0 : i32
      %dma_start3A_155 = tpu.memref_slice %arg15[%dma_start3A_153, %dma_start3A_154] : memref<10240x32xf32, #tpu.memory_space<vmem_shared>> -> memref<10240x32xf32, #tpu.memory_space<vmem_shared>>
      tpu.enqueue_indirect_dma source(%arg12 : memref<80x32xf32, #tpu.memory_space<vmem>>) target(%dma_start3A_155 : memref<10240x32xf32, #tpu.memory_space<vmem_shared>>) offsets(%dma_start3A_152 : memref<80xi32, #tpu.memory_space<vmem>>) semaphore(%arg23 : memref<!tpu.dma_semaphore, #tpu.memory_space<semaphore_mem>>) {add = true}
      %add3A_156 = arith.constant 4 : i32
      %add3A_157 = arith.addi %add3A_139, %add3A_156 : i32
      %lt3A_158 = arith.constant 250 : i32
      %lt3A_159 = arith.cmpi slt, %add3A_157, %lt3A_158 : i32
      %convert_element_type3A_160 = arith.extui %lt3A_159 : i1 to i32
      %cond3A_161 = arith.constant 0 : i32
      %cond3A_162 = arith.cmpi ne, %convert_element_type3A_160, %cond3A_161 : i32
      scf.if %cond3A_162 {
        %sub3A = arith.constant 5 : i32
        %sub3A_217 = arith.subi %add3A_157, %sub3A : i32
        %ge3A = arith.constant 0 : i32
        %ge3A_218 = arith.cmpi sge, %sub3A_217, %ge3A : i32
        %convert_element_type3A_219 = arith.extui %ge3A_218 : i1 to i32
        %cond3A_220 = arith.constant 0 : i32
        %cond3A_221 = arith.cmpi ne, %convert_element_type3A_219, %cond3A_220 : i32
        scf.if %cond3A_221 {
          %sub3A_232 = arith.constant 5 : i32
          %sub3A_233 = arith.subi %add3A_157, %sub3A_232 : i32
          %dma_wait3A_234 = arith.constant 0 : i32
          %dma_wait3A_235 = tpu.memref_slice %arg9[%sub3A_233, %dma_wait3A_234] : memref<250x80xi32, #tpu.memory_space<vmem>> -> memref<1x80xi32, #tpu.memory_space<vmem>>
          %dma_wait3A_236 = tpu.memref_squeeze %dma_wait3A_235 : memref<1x80xi32, #tpu.memory_space<vmem>> -> memref<80xi32, #tpu.memory_space<vmem>>
          %dma_wait3A_237 = arith.constant 0 : i32
          %dma_wait3A_238 = arith.constant 0 : i32
          %dma_wait3A_239 = tpu.memref_slice %arg15[%dma_wait3A_237, %dma_wait3A_238] : memref<10240x32xf32, #tpu.memory_space<vmem_shared>> -> memref<10240x32xf32, #tpu.memory_space<vmem_shared>>
          tpu.wait_indirect_dma semaphore(%arg22 : memref<!tpu.dma_semaphore, #tpu.memory_space<semaphore_mem>>) src(%arg11 : memref<80x32xf32, #tpu.memory_space<vmem>>) dst(%dma_wait3A_239 : memref<10240x32xf32, #tpu.memory_space<vmem_shared>>)
        } else {
        }
        %eq3A_222 = arith.constant 0 : i32
        %eq3A_223 = arith.cmpi eq, %arg0, %eq3A_222 : i32
        %convert_element_type3A_224 = arith.extui %eq3A_223 : i1 to i32
        %cond3A_225 = arith.constant 0 : i32
        %cond3A_226 = arith.cmpi ne, %convert_element_type3A_224, %cond3A_225 : i32
        scf.if %cond3A_226 {
          %dma_start3A_232 = arith.constant 0 : i32
          %dma_start3A_233 = tpu.memref_slice %arg8[%add3A_157, %dma_start3A_232] : memref<250x80xi32, #tpu.memory_space<vmem>> -> memref<1x80xi32, #tpu.memory_space<vmem>>
          %dma_start3A_234 = tpu.memref_squeeze %dma_start3A_233 : memref<1x80xi32, #tpu.memory_space<vmem>> -> memref<80xi32, #tpu.memory_space<vmem>>
          %dma_start3A_235 = arith.constant 0 : i32
          %dma_start3A_236 = arith.constant 0 : i32
          %dma_start3A_237 = tpu.memref_slice %arg2[%dma_start3A_235, %dma_start3A_236] : memref<10000x32xf32, #tpu.memory_space<hbm>> -> memref<10000x32xf32, #tpu.memory_space<hbm>>
          tpu.enqueue_indirect_dma source(%dma_start3A_237 : memref<10000x32xf32, #tpu.memory_space<hbm>>) target(%arg11 : memref<80x32xf32, #tpu.memory_space<vmem>>) offsets(%dma_start3A_234 : memref<80xi32, #tpu.memory_space<vmem>>) semaphore(%arg17 : memref<!tpu.dma_semaphore, #tpu.memory_space<semaphore_mem>>)
        } else {
        }
        %eq3A_227 = arith.constant 1 : i32
        %eq3A_228 = arith.cmpi eq, %arg0, %eq3A_227 : i32
        %convert_element_type3A_229 = arith.extui %eq3A_228 : i1 to i32
        %cond3A_230 = arith.constant 0 : i32
        %cond3A_231 = arith.cmpi ne, %convert_element_type3A_229, %cond3A_230 : i32
        scf.if %cond3A_231 {
          %dma_start3A_232 = arith.constant 0 : i32
          %dma_start3A_233 = tpu.memref_slice %arg8[%add3A_157, %dma_start3A_232] : memref<250x80xi32, #tpu.memory_space<vmem>> -> memref<1x80xi32, #tpu.memory_space<vmem>>
          %dma_start3A_234 = tpu.memref_squeeze %dma_start3A_233 : memref<1x80xi32, #tpu.memory_space<vmem>> -> memref<80xi32, #tpu.memory_space<vmem>>
          %dma_start3A_235 = arith.constant 0 : i32
          %dma_start3A_236 = arith.constant 0 : i32
          %dma_start3A_237 = tpu.memref_slice %arg3[%dma_start3A_235, %dma_start3A_236] : memref<10000x32xf32, #tpu.memory_space<hbm>> -> memref<10000x32xf32, #tpu.memory_space<hbm>>
          tpu.enqueue_indirect_dma source(%dma_start3A_237 : memref<10000x32xf32, #tpu.memory_space<hbm>>) target(%arg11 : memref<80x32xf32, #tpu.memory_space<vmem>>) offsets(%dma_start3A_234 : memref<80xi32, #tpu.memory_space<vmem>>) semaphore(%arg17 : memref<!tpu.dma_semaphore, #tpu.memory_space<semaphore_mem>>)
        } else {
        }
      } else {
      }
      %mul3A_163 = arith.constant 5 : i32
      %mul3A_164 = arith.muli %scan3A_84, %mul3A_163 : i32
      %add3A_165 = arith.constant 3 : i32
      %add3A_166 = arith.addi %mul3A_164, %add3A_165 : i32
      %eq3A_167 = arith.constant 0 : i32
      %eq3A_168 = arith.cmpi eq, %arg0, %eq3A_167 : i32
      %convert_element_type3A_169 = arith.extui %eq3A_168 : i1 to i32
      %cond3A_170 = arith.constant 0 : i32
      %cond3A_171 = arith.cmpi ne, %convert_element_type3A_169, %cond3A_170 : i32
      scf.if %cond3A_171 {
        %dma_wait3A_217 = arith.constant 0 : i32
        %dma_wait3A_218 = tpu.memref_slice %arg8[%add3A_166, %dma_wait3A_217] : memref<250x80xi32, #tpu.memory_space<vmem>> -> memref<1x80xi32, #tpu.memory_space<vmem>>
        %dma_wait3A_219 = tpu.memref_squeeze %dma_wait3A_218 : memref<1x80xi32, #tpu.memory_space<vmem>> -> memref<80xi32, #tpu.memory_space<vmem>>
        %dma_wait3A_220 = arith.constant 0 : i32
        %dma_wait3A_221 = arith.constant 0 : i32
        %dma_wait3A_222 = tpu.memref_slice %arg2[%dma_wait3A_220, %dma_wait3A_221] : memref<10000x32xf32, #tpu.memory_space<hbm>> -> memref<10000x32xf32, #tpu.memory_space<hbm>>
        tpu.wait_indirect_dma semaphore(%arg19 : memref<!tpu.dma_semaphore, #tpu.memory_space<semaphore_mem>>) src(%dma_wait3A_222 : memref<10000x32xf32, #tpu.memory_space<hbm>>) dst(%arg13 : memref<80x32xf32, #tpu.memory_space<vmem>>)
      } else {
      }
      %eq3A_172 = arith.constant 1 : i32
      %eq3A_173 = arith.cmpi eq, %arg0, %eq3A_172 : i32
      %convert_element_type3A_174 = arith.extui %eq3A_173 : i1 to i32
      %cond3A_175 = arith.constant 0 : i32
      %cond3A_176 = arith.cmpi ne, %convert_element_type3A_174, %cond3A_175 : i32
      scf.if %cond3A_176 {
        %dma_wait3A_217 = arith.constant 0 : i32
        %dma_wait3A_218 = tpu.memref_slice %arg8[%add3A_166, %dma_wait3A_217] : memref<250x80xi32, #tpu.memory_space<vmem>> -> memref<1x80xi32, #tpu.memory_space<vmem>>
        %dma_wait3A_219 = tpu.memref_squeeze %dma_wait3A_218 : memref<1x80xi32, #tpu.memory_space<vmem>> -> memref<80xi32, #tpu.memory_space<vmem>>
        %dma_wait3A_220 = arith.constant 0 : i32
        %dma_wait3A_221 = arith.constant 0 : i32
        %dma_wait3A_222 = tpu.memref_slice %arg3[%dma_wait3A_220, %dma_wait3A_221] : memref<10000x32xf32, #tpu.memory_space<hbm>> -> memref<10000x32xf32, #tpu.memory_space<hbm>>
        tpu.wait_indirect_dma semaphore(%arg19 : memref<!tpu.dma_semaphore, #tpu.memory_space<semaphore_mem>>) src(%dma_wait3A_222 : memref<10000x32xf32, #tpu.memory_space<hbm>>) dst(%arg13 : memref<80x32xf32, #tpu.memory_space<vmem>>)
      } else {
      }
      %dma_start3A_177 = arith.constant 0 : i32
      %dma_start3A_178 = tpu.memref_slice %arg9[%add3A_166, %dma_start3A_177] : memref<250x80xi32, #tpu.memory_space<vmem>> -> memref<1x80xi32, #tpu.memory_space<vmem>>
      %dma_start3A_179 = tpu.memref_squeeze %dma_start3A_178 : memref<1x80xi32, #tpu.memory_space<vmem>> -> memref<80xi32, #tpu.memory_space<vmem>>
      %dma_start3A_180 = arith.constant 0 : i32
      %dma_start3A_181 = arith.constant 0 : i32
      %dma_start3A_182 = tpu.memref_slice %arg15[%dma_start3A_180, %dma_start3A_181] : memref<10240x32xf32, #tpu.memory_space<vmem_shared>> -> memref<10240x32xf32, #tpu.memory_space<vmem_shared>>
      tpu.enqueue_indirect_dma source(%arg13 : memref<80x32xf32, #tpu.memory_space<vmem>>) target(%dma_start3A_182 : memref<10240x32xf32, #tpu.memory_space<vmem_shared>>) offsets(%dma_start3A_179 : memref<80xi32, #tpu.memory_space<vmem>>) semaphore(%arg24 : memref<!tpu.dma_semaphore, #tpu.memory_space<semaphore_mem>>) {add = true}
      %add3A_183 = arith.constant 4 : i32
      %add3A_184 = arith.addi %add3A_166, %add3A_183 : i32
      %lt3A_185 = arith.constant 250 : i32
      %lt3A_186 = arith.cmpi slt, %add3A_184, %lt3A_185 : i32
      %convert_element_type3A_187 = arith.extui %lt3A_186 : i1 to i32
      %cond3A_188 = arith.constant 0 : i32
      %cond3A_189 = arith.cmpi ne, %convert_element_type3A_187, %cond3A_188 : i32
      scf.if %cond3A_189 {
        %sub3A = arith.constant 5 : i32
        %sub3A_217 = arith.subi %add3A_184, %sub3A : i32
        %ge3A = arith.constant 0 : i32
        %ge3A_218 = arith.cmpi sge, %sub3A_217, %ge3A : i32
        %convert_element_type3A_219 = arith.extui %ge3A_218 : i1 to i32
        %cond3A_220 = arith.constant 0 : i32
        %cond3A_221 = arith.cmpi ne, %convert_element_type3A_219, %cond3A_220 : i32
        scf.if %cond3A_221 {
          %sub3A_232 = arith.constant 5 : i32
          %sub3A_233 = arith.subi %add3A_184, %sub3A_232 : i32
          %dma_wait3A_234 = arith.constant 0 : i32
          %dma_wait3A_235 = tpu.memref_slice %arg9[%sub3A_233, %dma_wait3A_234] : memref<250x80xi32, #tpu.memory_space<vmem>> -> memref<1x80xi32, #tpu.memory_space<vmem>>
          %dma_wait3A_236 = tpu.memref_squeeze %dma_wait3A_235 : memref<1x80xi32, #tpu.memory_space<vmem>> -> memref<80xi32, #tpu.memory_space<vmem>>
          %dma_wait3A_237 = arith.constant 0 : i32
          %dma_wait3A_238 = arith.constant 0 : i32
          %dma_wait3A_239 = tpu.memref_slice %arg15[%dma_wait3A_237, %dma_wait3A_238] : memref<10240x32xf32, #tpu.memory_space<vmem_shared>> -> memref<10240x32xf32, #tpu.memory_space<vmem_shared>>
          tpu.wait_indirect_dma semaphore(%arg23 : memref<!tpu.dma_semaphore, #tpu.memory_space<semaphore_mem>>) src(%arg12 : memref<80x32xf32, #tpu.memory_space<vmem>>) dst(%dma_wait3A_239 : memref<10240x32xf32, #tpu.memory_space<vmem_shared>>)
        } else {
        }
        %eq3A_222 = arith.constant 0 : i32
        %eq3A_223 = arith.cmpi eq, %arg0, %eq3A_222 : i32
        %convert_element_type3A_224 = arith.extui %eq3A_223 : i1 to i32
        %cond3A_225 = arith.constant 0 : i32
        %cond3A_226 = arith.cmpi ne, %convert_element_type3A_224, %cond3A_225 : i32
        scf.if %cond3A_226 {
          %dma_start3A_232 = arith.constant 0 : i32
          %dma_start3A_233 = tpu.memref_slice %arg8[%add3A_184, %dma_start3A_232] : memref<250x80xi32, #tpu.memory_space<vmem>> -> memref<1x80xi32, #tpu.memory_space<vmem>>
          %dma_start3A_234 = tpu.memref_squeeze %dma_start3A_233 : memref<1x80xi32, #tpu.memory_space<vmem>> -> memref<80xi32, #tpu.memory_space<vmem>>
          %dma_start3A_235 = arith.constant 0 : i32
          %dma_start3A_236 = arith.constant 0 : i32
          %dma_start3A_237 = tpu.memref_slice %arg2[%dma_start3A_235, %dma_start3A_236] : memref<10000x32xf32, #tpu.memory_space<hbm>> -> memref<10000x32xf32, #tpu.memory_space<hbm>>
          tpu.enqueue_indirect_dma source(%dma_start3A_237 : memref<10000x32xf32, #tpu.memory_space<hbm>>) target(%arg12 : memref<80x32xf32, #tpu.memory_space<vmem>>) offsets(%dma_start3A_234 : memref<80xi32, #tpu.memory_space<vmem>>) semaphore(%arg18 : memref<!tpu.dma_semaphore, #tpu.memory_space<semaphore_mem>>)
        } else {
        }
        %eq3A_227 = arith.constant 1 : i32
        %eq3A_228 = arith.cmpi eq, %arg0, %eq3A_227 : i32
        %convert_element_type3A_229 = arith.extui %eq3A_228 : i1 to i32
        %cond3A_230 = arith.constant 0 : i32
        %cond3A_231 = arith.cmpi ne, %convert_element_type3A_229, %cond3A_230 : i32
        scf.if %cond3A_231 {
          %dma_start3A_232 = arith.constant 0 : i32
          %dma_start3A_233 = tpu.memref_slice %arg8[%add3A_184, %dma_start3A_232] : memref<250x80xi32, #tpu.memory_space<vmem>> -> memref<1x80xi32, #tpu.memory_space<vmem>>
          %dma_start3A_234 = tpu.memref_squeeze %dma_start3A_233 : memref<1x80xi32, #tpu.memory_space<vmem>> -> memref<80xi32, #tpu.memory_space<vmem>>
          %dma_start3A_235 = arith.constant 0 : i32
          %dma_start3A_236 = arith.constant 0 : i32
          %dma_start3A_237 = tpu.memref_slice %arg3[%dma_start3A_235, %dma_start3A_236] : memref<10000x32xf32, #tpu.memory_space<hbm>> -> memref<10000x32xf32, #tpu.memory_space<hbm>>
          tpu.enqueue_indirect_dma source(%dma_start3A_237 : memref<10000x32xf32, #tpu.memory_space<hbm>>) target(%arg12 : memref<80x32xf32, #tpu.memory_space<vmem>>) offsets(%dma_start3A_234 : memref<80xi32, #tpu.memory_space<vmem>>) semaphore(%arg18 : memref<!tpu.dma_semaphore, #tpu.memory_space<semaphore_mem>>)
        } else {
        }
      } else {
      }
      %mul3A_190 = arith.constant 5 : i32
      %mul3A_191 = arith.muli %scan3A_84, %mul3A_190 : i32
      %add3A_192 = arith.constant 4 : i32
      %add3A_193 = arith.addi %mul3A_191, %add3A_192 : i32
      %eq3A_194 = arith.constant 0 : i32
      %eq3A_195 = arith.cmpi eq, %arg0, %eq3A_194 : i32
      %convert_element_type3A_196 = arith.extui %eq3A_195 : i1 to i32
      %cond3A_197 = arith.constant 0 : i32
      %cond3A_198 = arith.cmpi ne, %convert_element_type3A_196, %cond3A_197 : i32
      scf.if %cond3A_198 {
        %dma_wait3A_217 = arith.constant 0 : i32
        %dma_wait3A_218 = tpu.memref_slice %arg8[%add3A_193, %dma_wait3A_217] : memref<250x80xi32, #tpu.memory_space<vmem>> -> memref<1x80xi32, #tpu.memory_space<vmem>>
        %dma_wait3A_219 = tpu.memref_squeeze %dma_wait3A_218 : memref<1x80xi32, #tpu.memory_space<vmem>> -> memref<80xi32, #tpu.memory_space<vmem>>
        %dma_wait3A_220 = arith.constant 0 : i32
        %dma_wait3A_221 = arith.constant 0 : i32
        %dma_wait3A_222 = tpu.memref_slice %arg2[%dma_wait3A_220, %dma_wait3A_221] : memref<10000x32xf32, #tpu.memory_space<hbm>> -> memref<10000x32xf32, #tpu.memory_space<hbm>>
        tpu.wait_indirect_dma semaphore(%arg20 : memref<!tpu.dma_semaphore, #tpu.memory_space<semaphore_mem>>) src(%dma_wait3A_222 : memref<10000x32xf32, #tpu.memory_space<hbm>>) dst(%arg14 : memref<80x32xf32, #tpu.memory_space<vmem>>)
      } else {
      }
      %eq3A_199 = arith.constant 1 : i32
      %eq3A_200 = arith.cmpi eq, %arg0, %eq3A_199 : i32
      %convert_element_type3A_201 = arith.extui %eq3A_200 : i1 to i32
      %cond3A_202 = arith.constant 0 : i32
      %cond3A_203 = arith.cmpi ne, %convert_element_type3A_201, %cond3A_202 : i32
      scf.if %cond3A_203 {
        %dma_wait3A_217 = arith.constant 0 : i32
        %dma_wait3A_218 = tpu.memref_slice %arg8[%add3A_193, %dma_wait3A_217] : memref<250x80xi32, #tpu.memory_space<vmem>> -> memref<1x80xi32, #tpu.memory_space<vmem>>
        %dma_wait3A_219 = tpu.memref_squeeze %dma_wait3A_218 : memref<1x80xi32, #tpu.memory_space<vmem>> -> memref<80xi32, #tpu.memory_space<vmem>>
        %dma_wait3A_220 = arith.constant 0 : i32
        %dma_wait3A_221 = arith.constant 0 : i32
        %dma_wait3A_222 = tpu.memref_slice %arg3[%dma_wait3A_220, %dma_wait3A_221] : memref<10000x32xf32, #tpu.memory_space<hbm>> -> memref<10000x32xf32, #tpu.memory_space<hbm>>
        tpu.wait_indirect_dma semaphore(%arg20 : memref<!tpu.dma_semaphore, #tpu.memory_space<semaphore_mem>>) src(%dma_wait3A_222 : memref<10000x32xf32, #tpu.memory_space<hbm>>) dst(%arg14 : memref<80x32xf32, #tpu.memory_space<vmem>>)
      } else {
      }
      %dma_start3A_204 = arith.constant 0 : i32
      %dma_start3A_205 = tpu.memref_slice %arg9[%add3A_193, %dma_start3A_204] : memref<250x80xi32, #tpu.memory_space<vmem>> -> memref<1x80xi32, #tpu.memory_space<vmem>>
      %dma_start3A_206 = tpu.memref_squeeze %dma_start3A_205 : memref<1x80xi32, #tpu.memory_space<vmem>> -> memref<80xi32, #tpu.memory_space<vmem>>
      %dma_start3A_207 = arith.constant 0 : i32
      %dma_start3A_208 = arith.constant 0 : i32
      %dma_start3A_209 = tpu.memref_slice %arg15[%dma_start3A_207, %dma_start3A_208] : memref<10240x32xf32, #tpu.memory_space<vmem_shared>> -> memref<10240x32xf32, #tpu.memory_space<vmem_shared>>
      tpu.enqueue_indirect_dma source(%arg14 : memref<80x32xf32, #tpu.memory_space<vmem>>) target(%dma_start3A_209 : memref<10240x32xf32, #tpu.memory_space<vmem_shared>>) offsets(%dma_start3A_206 : memref<80xi32, #tpu.memory_space<vmem>>) semaphore(%arg25 : memref<!tpu.dma_semaphore, #tpu.memory_space<semaphore_mem>>) {add = true}
      %add3A_210 = arith.constant 4 : i32
      %add3A_211 = arith.addi %add3A_193, %add3A_210 : i32
      %lt3A_212 = arith.constant 250 : i32
      %lt3A_213 = arith.cmpi slt, %add3A_211, %lt3A_212 : i32
      %convert_element_type3A_214 = arith.extui %lt3A_213 : i1 to i32
      %cond3A_215 = arith.constant 0 : i32
      %cond3A_216 = arith.cmpi ne, %convert_element_type3A_214, %cond3A_215 : i32
      scf.if %cond3A_216 {
        %sub3A = arith.constant 5 : i32
        %sub3A_217 = arith.subi %add3A_211, %sub3A : i32
        %ge3A = arith.constant 0 : i32
        %ge3A_218 = arith.cmpi sge, %sub3A_217, %ge3A : i32
        %convert_element_type3A_219 = arith.extui %ge3A_218 : i1 to i32
        %cond3A_220 = arith.constant 0 : i32
        %cond3A_221 = arith.cmpi ne, %convert_element_type3A_219, %cond3A_220 : i32
        scf.if %cond3A_221 {
          %sub3A_232 = arith.constant 5 : i32
          %sub3A_233 = arith.subi %add3A_211, %sub3A_232 : i32
          %dma_wait3A_234 = arith.constant 0 : i32
          %dma_wait3A_235 = tpu.memref_slice %arg9[%sub3A_233, %dma_wait3A_234] : memref<250x80xi32, #tpu.memory_space<vmem>> -> memref<1x80xi32, #tpu.memory_space<vmem>>
          %dma_wait3A_236 = tpu.memref_squeeze %dma_wait3A_235 : memref<1x80xi32, #tpu.memory_space<vmem>> -> memref<80xi32, #tpu.memory_space<vmem>>
          %dma_wait3A_237 = arith.constant 0 : i32
          %dma_wait3A_238 = arith.constant 0 : i32
          %dma_wait3A_239 = tpu.memref_slice %arg15[%dma_wait3A_237, %dma_wait3A_238] : memref<10240x32xf32, #tpu.memory_space<vmem_shared>> -> memref<10240x32xf32, #tpu.memory_space<vmem_shared>>
          tpu.wait_indirect_dma semaphore(%arg24 : memref<!tpu.dma_semaphore, #tpu.memory_space<semaphore_mem>>) src(%arg13 : memref<80x32xf32, #tpu.memory_space<vmem>>) dst(%dma_wait3A_239 : memref<10240x32xf32, #tpu.memory_space<vmem_shared>>)
        } else {
        }
        %eq3A_222 = arith.constant 0 : i32
        %eq3A_223 = arith.cmpi eq, %arg0, %eq3A_222 : i32
        %convert_element_type3A_224 = arith.extui %eq3A_223 : i1 to i32
        %cond3A_225 = arith.constant 0 : i32
        %cond3A_226 = arith.cmpi ne, %convert_element_type3A_224, %cond3A_225 : i32
        scf.if %cond3A_226 {
          %dma_start3A_232 = arith.constant 0 : i32
          %dma_start3A_233 = tpu.memref_slice %arg8[%add3A_211, %dma_start3A_232] : memref<250x80xi32, #tpu.memory_space<vmem>> -> memref<1x80xi32, #tpu.memory_space<vmem>>
          %dma_start3A_234 = tpu.memref_squeeze %dma_start3A_233 : memref<1x80xi32, #tpu.memory_space<vmem>> -> memref<80xi32, #tpu.memory_space<vmem>>
          %dma_start3A_235 = arith.constant 0 : i32
          %dma_start3A_236 = arith.constant 0 : i32
          %dma_start3A_237 = tpu.memref_slice %arg2[%dma_start3A_235, %dma_start3A_236] : memref<10000x32xf32, #tpu.memory_space<hbm>> -> memref<10000x32xf32, #tpu.memory_space<hbm>>
          tpu.enqueue_indirect_dma source(%dma_start3A_237 : memref<10000x32xf32, #tpu.memory_space<hbm>>) target(%arg13 : memref<80x32xf32, #tpu.memory_space<vmem>>) offsets(%dma_start3A_234 : memref<80xi32, #tpu.memory_space<vmem>>) semaphore(%arg19 : memref<!tpu.dma_semaphore, #tpu.memory_space<semaphore_mem>>)
        } else {
        }
        %eq3A_227 = arith.constant 1 : i32
        %eq3A_228 = arith.cmpi eq, %arg0, %eq3A_227 : i32
        %convert_element_type3A_229 = arith.extui %eq3A_228 : i1 to i32
        %cond3A_230 = arith.constant 0 : i32
        %cond3A_231 = arith.cmpi ne, %convert_element_type3A_229, %cond3A_230 : i32
        scf.if %cond3A_231 {
          %dma_start3A_232 = arith.constant 0 : i32
          %dma_start3A_233 = tpu.memref_slice %arg8[%add3A_211, %dma_start3A_232] : memref<250x80xi32, #tpu.memory_space<vmem>> -> memref<1x80xi32, #tpu.memory_space<vmem>>
          %dma_start3A_234 = tpu.memref_squeeze %dma_start3A_233 : memref<1x80xi32, #tpu.memory_space<vmem>> -> memref<80xi32, #tpu.memory_space<vmem>>
          %dma_start3A_235 = arith.constant 0 : i32
          %dma_start3A_236 = arith.constant 0 : i32
          %dma_start3A_237 = tpu.memref_slice %arg3[%dma_start3A_235, %dma_start3A_236] : memref<10000x32xf32, #tpu.memory_space<hbm>> -> memref<10000x32xf32, #tpu.memory_space<hbm>>
          tpu.enqueue_indirect_dma source(%dma_start3A_237 : memref<10000x32xf32, #tpu.memory_space<hbm>>) target(%arg13 : memref<80x32xf32, #tpu.memory_space<vmem>>) offsets(%dma_start3A_234 : memref<80xi32, #tpu.memory_space<vmem>>) semaphore(%arg19 : memref<!tpu.dma_semaphore, #tpu.memory_space<semaphore_mem>>)
        } else {
        }
      } else {
      }
    }
    %scan3A_44 = arith.constant 50 : i32
    %dma_wait3A = arith.constant 245 : i32
    %dma_wait3A_45 = arith.constant 0 : i32
    %dma_wait3A_46 = tpu.memref_slice %arg9[%dma_wait3A, %dma_wait3A_45] : memref<250x80xi32, #tpu.memory_space<vmem>> -> memref<1x80xi32, #tpu.memory_space<vmem>>
    %dma_wait3A_47 = tpu.memref_squeeze %dma_wait3A_46 : memref<1x80xi32, #tpu.memory_space<vmem>> -> memref<80xi32, #tpu.memory_space<vmem>>
    %dma_wait3A_48 = arith.constant 0 : i32
    %dma_wait3A_49 = arith.constant 0 : i32
    %dma_wait3A_50 = tpu.memref_slice %arg15[%dma_wait3A_48, %dma_wait3A_49] : memref<10240x32xf32, #tpu.memory_space<vmem_shared>> -> memref<10240x32xf32, #tpu.memory_space<vmem_shared>>
    tpu.wait_indirect_dma semaphore(%arg21 : memref<!tpu.dma_semaphore, #tpu.memory_space<semaphore_mem>>) src(%arg10 : memref<80x32xf32, #tpu.memory_space<vmem>>) dst(%dma_wait3A_50 : memref<10240x32xf32, #tpu.memory_space<vmem_shared>>)
    %dma_wait3A_51 = arith.constant 246 : i32
    %dma_wait3A_52 = arith.constant 0 : i32
    %dma_wait3A_53 = tpu.memref_slice %arg9[%dma_wait3A_51, %dma_wait3A_52] : memref<250x80xi32, #tpu.memory_space<vmem>> -> memref<1x80xi32, #tpu.memory_space<vmem>>
    %dma_wait3A_54 = tpu.memref_squeeze %dma_wait3A_53 : memref<1x80xi32, #tpu.memory_space<vmem>> -> memref<80xi32, #tpu.memory_space<vmem>>
    %dma_wait3A_55 = arith.constant 0 : i32
    %dma_wait3A_56 = arith.constant 0 : i32
    %dma_wait3A_57 = tpu.memref_slice %arg15[%dma_wait3A_55, %dma_wait3A_56] : memref<10240x32xf32, #tpu.memory_space<vmem_shared>> -> memref<10240x32xf32, #tpu.memory_space<vmem_shared>>
    tpu.wait_indirect_dma semaphore(%arg22 : memref<!tpu.dma_semaphore, #tpu.memory_space<semaphore_mem>>) src(%arg11 : memref<80x32xf32, #tpu.memory_space<vmem>>) dst(%dma_wait3A_57 : memref<10240x32xf32, #tpu.memory_space<vmem_shared>>)
    %dma_wait3A_58 = arith.constant 247 : i32
    %dma_wait3A_59 = arith.constant 0 : i32
    %dma_wait3A_60 = tpu.memref_slice %arg9[%dma_wait3A_58, %dma_wait3A_59] : memref<250x80xi32, #tpu.memory_space<vmem>> -> memref<1x80xi32, #tpu.memory_space<vmem>>
    %dma_wait3A_61 = tpu.memref_squeeze %dma_wait3A_60 : memref<1x80xi32, #tpu.memory_space<vmem>> -> memref<80xi32, #tpu.memory_space<vmem>>
    %dma_wait3A_62 = arith.constant 0 : i32
    %dma_wait3A_63 = arith.constant 0 : i32
    %dma_wait3A_64 = tpu.memref_slice %arg15[%dma_wait3A_62, %dma_wait3A_63] : memref<10240x32xf32, #tpu.memory_space<vmem_shared>> -> memref<10240x32xf32, #tpu.memory_space<vmem_shared>>
    tpu.wait_indirect_dma semaphore(%arg23 : memref<!tpu.dma_semaphore, #tpu.memory_space<semaphore_mem>>) src(%arg12 : memref<80x32xf32, #tpu.memory_space<vmem>>) dst(%dma_wait3A_64 : memref<10240x32xf32, #tpu.memory_space<vmem_shared>>)
    %dma_wait3A_65 = arith.constant 248 : i32
    %dma_wait3A_66 = arith.constant 0 : i32
    %dma_wait3A_67 = tpu.memref_slice %arg9[%dma_wait3A_65, %dma_wait3A_66] : memref<250x80xi32, #tpu.memory_space<vmem>> -> memref<1x80xi32, #tpu.memory_space<vmem>>
    %dma_wait3A_68 = tpu.memref_squeeze %dma_wait3A_67 : memref<1x80xi32, #tpu.memory_space<vmem>> -> memref<80xi32, #tpu.memory_space<vmem>>
    %dma_wait3A_69 = arith.constant 0 : i32
    %dma_wait3A_70 = arith.constant 0 : i32
    %dma_wait3A_71 = tpu.memref_slice %arg15[%dma_wait3A_69, %dma_wait3A_70] : memref<10240x32xf32, #tpu.memory_space<vmem_shared>> -> memref<10240x32xf32, #tpu.memory_space<vmem_shared>>
    tpu.wait_indirect_dma semaphore(%arg24 : memref<!tpu.dma_semaphore, #tpu.memory_space<semaphore_mem>>) src(%arg13 : memref<80x32xf32, #tpu.memory_space<vmem>>) dst(%dma_wait3A_71 : memref<10240x32xf32, #tpu.memory_space<vmem_shared>>)
    %dma_wait3A_72 = arith.constant 249 : i32
    %dma_wait3A_73 = arith.constant 0 : i32
    %dma_wait3A_74 = tpu.memref_slice %arg9[%dma_wait3A_72, %dma_wait3A_73] : memref<250x80xi32, #tpu.memory_space<vmem>> -> memref<1x80xi32, #tpu.memory_space<vmem>>
    %dma_wait3A_75 = tpu.memref_squeeze %dma_wait3A_74 : memref<1x80xi32, #tpu.memory_space<vmem>> -> memref<80xi32, #tpu.memory_space<vmem>>
    %dma_wait3A_76 = arith.constant 0 : i32
    %dma_wait3A_77 = arith.constant 0 : i32
    %dma_wait3A_78 = tpu.memref_slice %arg15[%dma_wait3A_76, %dma_wait3A_77] : memref<10240x32xf32, #tpu.memory_space<vmem_shared>> -> memref<10240x32xf32, #tpu.memory_space<vmem_shared>>
    tpu.wait_indirect_dma semaphore(%arg25 : memref<!tpu.dma_semaphore, #tpu.memory_space<semaphore_mem>>) src(%arg14 : memref<80x32xf32, #tpu.memory_space<vmem>>) dst(%dma_wait3A_78 : memref<10240x32xf32, #tpu.memory_space<vmem_shared>>)
    %barrier3A_79 = arith.constant 0 : index
    tpu.barrier barrier_id(%barrier3A_79)
    %mul3A_80 = arith.constant 640 : i32
    %mul3A_81 = arith.muli %arg1, %mul3A_80 : i32
    %mul3A_82 = arith.constant 640 : i32
    %mul3A_83 = arith.muli %arg1, %mul3A_82 : i32
    "tpu.region"() ({
      %run_scoped3A = tpu.sem_alloc : memref<!tpu.dma_semaphore, #tpu.memory_space<semaphore_mem>>
      %dma_start3A = arith.constant 0 : i32
      %dma_start3A_84 = tpu.memref_slice %arg7[%arg0, %mul3A_83, %dma_start3A] : memref<2x10240x32xf32, #tpu.memory_space<hbm>> -> memref<1x640x32xf32, #tpu.memory_space<hbm>>
      %dma_start3A_85 = tpu.memref_squeeze %dma_start3A_84 : memref<1x640x32xf32, #tpu.memory_space<hbm>> -> memref<640x32xf32, #tpu.memory_space<hbm>>
      %dma_start3A_86 = arith.constant 0 : i32
      %dma_start3A_87 = tpu.memref_slice %arg15[%mul3A_81, %dma_start3A_86] : memref<10240x32xf32, #tpu.memory_space<vmem_shared>> -> memref<640x32xf32, #tpu.memory_space<vmem_shared>>
      tpu.enqueue_dma source(%dma_start3A_87 : memref<640x32xf32, #tpu.memory_space<vmem_shared>>) target(%dma_start3A_85 : memref<640x32xf32, #tpu.memory_space<hbm>>) target_semaphore(%run_scoped3A : memref<!tpu.dma_semaphore, #tpu.memory_space<semaphore_mem>>)
      %dma_wait3A_88 = arith.constant 0 : i32
      %dma_wait3A_89 = tpu.memref_slice %arg7[%arg0, %mul3A_83, %dma_wait3A_88] : memref<2x10240x32xf32, #tpu.memory_space<hbm>> -> memref<1x640x32xf32, #tpu.memory_space<hbm>>
      %dma_wait3A_90 = tpu.memref_squeeze %dma_wait3A_89 : memref<1x640x32xf32, #tpu.memory_space<hbm>> -> memref<640x32xf32, #tpu.memory_space<hbm>>
      %dma_wait3A_91 = arith.constant 0 : i32
      %dma_wait3A_92 = tpu.memref_slice %arg15[%mul3A_81, %dma_wait3A_91] : memref<10240x32xf32, #tpu.memory_space<vmem_shared>> -> memref<640x32xf32, #tpu.memory_space<vmem_shared>>
      tpu.wait_dma2 semaphore(%run_scoped3A : memref<!tpu.dma_semaphore, #tpu.memory_space<semaphore_mem>>) src(%dma_wait3A_92 : memref<640x32xf32, #tpu.memory_space<vmem_shared>>) dst(%dma_wait3A_90 : memref<640x32xf32, #tpu.memory_space<hbm>>)
      tpu.yield
    }) : () -> ()
    return
  }
}

#map = affine_map<(d0, d1) -> (0, 0)>
#map1 = affine_map<(d0, d1) -> (0, 0, 0)>
module attributes {stable_mosaic.version = 14 : i64} {
  func.func @_gs_body(%arg0: i32, %arg1: i32, %arg2: memref<10000x64xf32, #tpu.memory_space<hbm>>, %arg3: memref<10000x64xf32, #tpu.memory_space<hbm>>, %arg4: memref<16x250x80xi32, #tpu.memory_space<hbm>>, %arg5: memref<16x250x80xi32, #tpu.memory_space<hbm>>, %arg6: memref<10240x64xf32, #tpu.memory_space<hbm>>, %arg7: memref<2x10240x64xf32, #tpu.memory_space<hbm>>, %arg8: memref<250x80xi32, #tpu.memory_space<vmem>>, %arg9: memref<250x80xi32, #tpu.memory_space<vmem>>, %arg10: memref<80x64xf32, #tpu.memory_space<vmem>>, %arg11: memref<80x64xf32, #tpu.memory_space<vmem>>, %arg12: memref<80x64xf32, #tpu.memory_space<vmem>>, %arg13: memref<80x64xf32, #tpu.memory_space<vmem>>, %arg14: memref<80x64xf32, #tpu.memory_space<vmem>>, %arg15: memref<10240x64xf32, #tpu.memory_space<vmem_shared>>, %arg16: memref<!tpu.dma_semaphore, #tpu.memory_space<semaphore_mem>>, %arg17: memref<!tpu.dma_semaphore, #tpu.memory_space<semaphore_mem>>, %arg18: memref<!tpu.dma_semaphore, #tpu.memory_space<semaphore_mem>>, %arg19: memref<!tpu.dma_semaphore, #tpu.memory_space<semaphore_mem>>, %arg20: memref<!tpu.dma_semaphore, #tpu.memory_space<semaphore_mem>>, %arg21: memref<!tpu.dma_semaphore, #tpu.memory_space<semaphore_mem>>, %arg22: memref<!tpu.dma_semaphore, #tpu.memory_space<semaphore_mem>>, %arg23: memref<!tpu.dma_semaphore, #tpu.memory_space<semaphore_mem>>, %arg24: memref<!tpu.dma_semaphore, #tpu.memory_space<semaphore_mem>>, %arg25: memref<!tpu.dma_semaphore, #tpu.memory_space<semaphore_mem>>) attributes {dimension_semantics = [#tpu.dimension_semantics<core_parallel>, #tpu.dimension_semantics<subcore_parallel>], iteration_bounds = array<i64: 2, 16>, scalar_prefetch = 0 : i64, scratch_operands = 18 : i64, tpu.core_type = #tpu.core_type<sc_vector_subcore>, window_params = [{transform_indices = #map}, {transform_indices = #map}, {transform_indices = #map1}, {transform_indices = #map1}, {transform_indices = #map}, {transform_indices = #map1}]} {
    %mul3A = arith.constant 640 : i32
    %mul3A_0 = arith.muli %arg1, %mul3A : i32
    %mul3A_1 = arith.constant 640 : i32
    %mul3A_2 = arith.muli %arg1, %mul3A_1 : i32
    "tpu.region"() ({
      %run_scoped3A = tpu.sem_alloc : memref<!tpu.dma_semaphore, #tpu.memory_space<semaphore_mem>>
      %dma_start3A = arith.constant 0 : i32
      %dma_start3A_84 = tpu.memref_slice %arg15[%mul3A_2, %dma_start3A] : memref<10240x64xf32, #tpu.memory_space<vmem_shared>> -> memref<640x64xf32, #tpu.memory_space<vmem_shared>>
      %dma_start3A_85 = arith.constant 0 : i32
      %dma_start3A_86 = tpu.memref_slice %arg6[%mul3A_0, %dma_start3A_85] : memref<10240x64xf32, #tpu.memory_space<hbm>> -> memref<640x64xf32, #tpu.memory_space<hbm>>
      tpu.enqueue_dma source(%dma_start3A_86 : memref<640x64xf32, #tpu.memory_space<hbm>>) target(%dma_start3A_84 : memref<640x64xf32, #tpu.memory_space<vmem_shared>>) target_semaphore(%run_scoped3A : memref<!tpu.dma_semaphore, #tpu.memory_space<semaphore_mem>>)
      %dma_wait3A_87 = arith.constant 0 : i32
      %dma_wait3A_88 = tpu.memref_slice %arg15[%mul3A_2, %dma_wait3A_87] : memref<10240x64xf32, #tpu.memory_space<vmem_shared>> -> memref<640x64xf32, #tpu.memory_space<vmem_shared>>
      %dma_wait3A_89 = arith.constant 0 : i32
      %dma_wait3A_90 = tpu.memref_slice %arg6[%mul3A_0, %dma_wait3A_89] : memref<10240x64xf32, #tpu.memory_space<hbm>> -> memref<640x64xf32, #tpu.memory_space<hbm>>
      tpu.wait_dma2 semaphore(%run_scoped3A : memref<!tpu.dma_semaphore, #tpu.memory_space<semaphore_mem>>) src(%dma_wait3A_90 : memref<640x64xf32, #tpu.memory_space<hbm>>) dst(%dma_wait3A_88 : memref<640x64xf32, #tpu.memory_space<vmem_shared>>)
      tpu.yield
    }) : () -> ()
    "tpu.region"() ({
      %run_scoped3A = tpu.sem_alloc : memref<!tpu.dma_semaphore, #tpu.memory_space<semaphore_mem>>
      %dma_start3A = arith.constant 0 : i32
      %dma_start3A_84 = arith.constant 0 : i32
      %dma_start3A_85 = tpu.memref_slice %arg4[%arg1, %dma_start3A, %dma_start3A_84] : memref<16x250x80xi32, #tpu.memory_space<hbm>> -> memref<1x250x80xi32, #tpu.memory_space<hbm>>
      %dma_start3A_86 = tpu.memref_squeeze %dma_start3A_85 : memref<1x250x80xi32, #tpu.memory_space<hbm>> -> memref<250x80xi32, #tpu.memory_space<hbm>>
      %dma_start3A_87 = arith.constant 0 : i32
      %dma_start3A_88 = arith.constant 0 : i32
      %dma_start3A_89 = tpu.memref_slice %arg4[%arg1, %dma_start3A_87, %dma_start3A_88] : memref<16x250x80xi32, #tpu.memory_space<hbm>> -> memref<1x250x80xi32, #tpu.memory_space<hbm>>
      %dma_start3A_90 = tpu.memref_squeeze %dma_start3A_89 : memref<1x250x80xi32, #tpu.memory_space<hbm>> -> memref<250x80xi32, #tpu.memory_space<hbm>>
      tpu.enqueue_dma source(%dma_start3A_90 : memref<250x80xi32, #tpu.memory_space<hbm>>) target(%arg8 : memref<250x80xi32, #tpu.memory_space<vmem>>) target_semaphore(%run_scoped3A : memref<!tpu.dma_semaphore, #tpu.memory_space<semaphore_mem>>)
      %dma_wait3A_91 = arith.constant 0 : i32
      %dma_wait3A_92 = arith.constant 0 : i32
      %dma_wait3A_93 = tpu.memref_slice %arg4[%arg1, %dma_wait3A_91, %dma_wait3A_92] : memref<16x250x80xi32, #tpu.memory_space<hbm>> -> memref<1x250x80xi32, #tpu.memory_space<hbm>>
      %dma_wait3A_94 = tpu.memref_squeeze %dma_wait3A_93 : memref<1x250x80xi32, #tpu.memory_space<hbm>> -> memref<250x80xi32, #tpu.memory_space<hbm>>
      %dma_wait3A_95 = arith.constant 0 : i32
      %dma_wait3A_96 = arith.constant 0 : i32
      %dma_wait3A_97 = tpu.memref_slice %arg4[%arg1, %dma_wait3A_95, %dma_wait3A_96] : memref<16x250x80xi32, #tpu.memory_space<hbm>> -> memref<1x250x80xi32, #tpu.memory_space<hbm>>
      %dma_wait3A_98 = tpu.memref_squeeze %dma_wait3A_97 : memref<1x250x80xi32, #tpu.memory_space<hbm>> -> memref<250x80xi32, #tpu.memory_space<hbm>>
      tpu.wait_dma2 semaphore(%run_scoped3A : memref<!tpu.dma_semaphore, #tpu.memory_space<semaphore_mem>>) src(%dma_wait3A_98 : memref<250x80xi32, #tpu.memory_space<hbm>>) dst(%arg8 : memref<250x80xi32, #tpu.memory_space<vmem>>)
      tpu.yield
    }) : () -> ()
    "tpu.region"() ({
      %run_scoped3A = tpu.sem_alloc : memref<!tpu.dma_semaphore, #tpu.memory_space<semaphore_mem>>
      %dma_start3A = arith.constant 0 : i32
      %dma_start3A_84 = arith.constant 0 : i32
      %dma_start3A_85 = tpu.memref_slice %arg5[%arg1, %dma_start3A, %dma_start3A_84] : memref<16x250x80xi32, #tpu.memory_space<hbm>> -> memref<1x250x80xi32, #tpu.memory_space<hbm>>
      %dma_start3A_86 = tpu.memref_squeeze %dma_start3A_85 : memref<1x250x80xi32, #tpu.memory_space<hbm>> -> memref<250x80xi32, #tpu.memory_space<hbm>>
      %dma_start3A_87 = arith.constant 0 : i32
      %dma_start3A_88 = arith.constant 0 : i32
      %dma_start3A_89 = tpu.memref_slice %arg5[%arg1, %dma_start3A_87, %dma_start3A_88] : memref<16x250x80xi32, #tpu.memory_space<hbm>> -> memref<1x250x80xi32, #tpu.memory_space<hbm>>
      %dma_start3A_90 = tpu.memref_squeeze %dma_start3A_89 : memref<1x250x80xi32, #tpu.memory_space<hbm>> -> memref<250x80xi32, #tpu.memory_space<hbm>>
      tpu.enqueue_dma source(%dma_start3A_90 : memref<250x80xi32, #tpu.memory_space<hbm>>) target(%arg9 : memref<250x80xi32, #tpu.memory_space<vmem>>) target_semaphore(%run_scoped3A : memref<!tpu.dma_semaphore, #tpu.memory_space<semaphore_mem>>)
      %dma_wait3A_91 = arith.constant 0 : i32
      %dma_wait3A_92 = arith.constant 0 : i32
      %dma_wait3A_93 = tpu.memref_slice %arg5[%arg1, %dma_wait3A_91, %dma_wait3A_92] : memref<16x250x80xi32, #tpu.memory_space<hbm>> -> memref<1x250x80xi32, #tpu.memory_space<hbm>>
      %dma_wait3A_94 = tpu.memref_squeeze %dma_wait3A_93 : memref<1x250x80xi32, #tpu.memory_space<hbm>> -> memref<250x80xi32, #tpu.memory_space<hbm>>
      %dma_wait3A_95 = arith.constant 0 : i32
      %dma_wait3A_96 = arith.constant 0 : i32
      %dma_wait3A_97 = tpu.memref_slice %arg5[%arg1, %dma_wait3A_95, %dma_wait3A_96] : memref<16x250x80xi32, #tpu.memory_space<hbm>> -> memref<1x250x80xi32, #tpu.memory_space<hbm>>
      %dma_wait3A_98 = tpu.memref_squeeze %dma_wait3A_97 : memref<1x250x80xi32, #tpu.memory_space<hbm>> -> memref<250x80xi32, #tpu.memory_space<hbm>>
      tpu.wait_dma2 semaphore(%run_scoped3A : memref<!tpu.dma_semaphore, #tpu.memory_space<semaphore_mem>>) src(%dma_wait3A_98 : memref<250x80xi32, #tpu.memory_space<hbm>>) dst(%arg9 : memref<250x80xi32, #tpu.memory_space<vmem>>)
      tpu.yield
    }) : () -> ()
    %barrier3A = arith.constant 0 : index
    tpu.barrier barrier_id(%barrier3A)
    %eq3A = arith.constant 0 : i32
    %eq3A_3 = arith.cmpi eq, %arg0, %eq3A : i32
    %convert_element_type3A = arith.extui %eq3A_3 : i1 to i32
    %cond3A = arith.constant 0 : i32
    %cond3A_4 = arith.cmpi ne, %convert_element_type3A, %cond3A : i32
    scf.if %cond3A_4 {
      %dma_start3A = arith.constant 0 : i32
      %dma_start3A_84 = arith.constant 0 : i32
      %dma_start3A_85 = tpu.memref_slice %arg8[%dma_start3A, %dma_start3A_84] : memref<250x80xi32, #tpu.memory_space<vmem>> -> memref<1x80xi32, #tpu.memory_space<vmem>>
      %dma_start3A_86 = tpu.memref_squeeze %dma_start3A_85 : memref<1x80xi32, #tpu.memory_space<vmem>> -> memref<80xi32, #tpu.memory_space<vmem>>
      %dma_start3A_87 = arith.constant 0 : i32
      %dma_start3A_88 = arith.constant 0 : i32
      %dma_start3A_89 = tpu.memref_slice %arg2[%dma_start3A_87, %dma_start3A_88] : memref<10000x64xf32, #tpu.memory_space<hbm>> -> memref<10000x64xf32, #tpu.memory_space<hbm>>
      tpu.enqueue_indirect_dma source(%dma_start3A_89 : memref<10000x64xf32, #tpu.memory_space<hbm>>) target(%arg10 : memref<80x64xf32, #tpu.memory_space<vmem>>) offsets(%dma_start3A_86 : memref<80xi32, #tpu.memory_space<vmem>>) semaphore(%arg16 : memref<!tpu.dma_semaphore, #tpu.memory_space<semaphore_mem>>)
    } else {
    }
    %eq3A_5 = arith.constant 1 : i32
    %eq3A_6 = arith.cmpi eq, %arg0, %eq3A_5 : i32
    %convert_element_type3A_7 = arith.extui %eq3A_6 : i1 to i32
    %cond3A_8 = arith.constant 0 : i32
    %cond3A_9 = arith.cmpi ne, %convert_element_type3A_7, %cond3A_8 : i32
    scf.if %cond3A_9 {
      %dma_start3A = arith.constant 0 : i32
      %dma_start3A_84 = arith.constant 0 : i32
      %dma_start3A_85 = tpu.memref_slice %arg8[%dma_start3A, %dma_start3A_84] : memref<250x80xi32, #tpu.memory_space<vmem>> -> memref<1x80xi32, #tpu.memory_space<vmem>>
      %dma_start3A_86 = tpu.memref_squeeze %dma_start3A_85 : memref<1x80xi32, #tpu.memory_space<vmem>> -> memref<80xi32, #tpu.memory_space<vmem>>
      %dma_start3A_87 = arith.constant 0 : i32
      %dma_start3A_88 = arith.constant 0 : i32
      %dma_start3A_89 = tpu.memref_slice %arg3[%dma_start3A_87, %dma_start3A_88] : memref<10000x64xf32, #tpu.memory_space<hbm>> -> memref<10000x64xf32, #tpu.memory_space<hbm>>
      tpu.enqueue_indirect_dma source(%dma_start3A_89 : memref<10000x64xf32, #tpu.memory_space<hbm>>) target(%arg10 : memref<80x64xf32, #tpu.memory_space<vmem>>) offsets(%dma_start3A_86 : memref<80xi32, #tpu.memory_space<vmem>>) semaphore(%arg16 : memref<!tpu.dma_semaphore, #tpu.memory_space<semaphore_mem>>)
    } else {
    }
    %eq3A_10 = arith.constant 0 : i32
    %eq3A_11 = arith.cmpi eq, %arg0, %eq3A_10 : i32
    %convert_element_type3A_12 = arith.extui %eq3A_11 : i1 to i32
    %cond3A_13 = arith.constant 0 : i32
    %cond3A_14 = arith.cmpi ne, %convert_element_type3A_12, %cond3A_13 : i32
    scf.if %cond3A_14 {
      %dma_start3A = arith.constant 1 : i32
      %dma_start3A_84 = arith.constant 0 : i32
      %dma_start3A_85 = tpu.memref_slice %arg8[%dma_start3A, %dma_start3A_84] : memref<250x80xi32, #tpu.memory_space<vmem>> -> memref<1x80xi32, #tpu.memory_space<vmem>>
      %dma_start3A_86 = tpu.memref_squeeze %dma_start3A_85 : memref<1x80xi32, #tpu.memory_space<vmem>> -> memref<80xi32, #tpu.memory_space<vmem>>
      %dma_start3A_87 = arith.constant 0 : i32
      %dma_start3A_88 = arith.constant 0 : i32
      %dma_start3A_89 = tpu.memref_slice %arg2[%dma_start3A_87, %dma_start3A_88] : memref<10000x64xf32, #tpu.memory_space<hbm>> -> memref<10000x64xf32, #tpu.memory_space<hbm>>
      tpu.enqueue_indirect_dma source(%dma_start3A_89 : memref<10000x64xf32, #tpu.memory_space<hbm>>) target(%arg11 : memref<80x64xf32, #tpu.memory_space<vmem>>) offsets(%dma_start3A_86 : memref<80xi32, #tpu.memory_space<vmem>>) semaphore(%arg17 : memref<!tpu.dma_semaphore, #tpu.memory_space<semaphore_mem>>)
    } else {
    }
    %eq3A_15 = arith.constant 1 : i32
    %eq3A_16 = arith.cmpi eq, %arg0, %eq3A_15 : i32
    %convert_element_type3A_17 = arith.extui %eq3A_16 : i1 to i32
    %cond3A_18 = arith.constant 0 : i32
    %cond3A_19 = arith.cmpi ne, %convert_element_type3A_17, %cond3A_18 : i32
    scf.if %cond3A_19 {
      %dma_start3A = arith.constant 1 : i32
      %dma_start3A_84 = arith.constant 0 : i32
      %dma_start3A_85 = tpu.memref_slice %arg8[%dma_start3A, %dma_start3A_84] : memref<250x80xi32, #tpu.memory_space<vmem>> -> memref<1x80xi32, #tpu.memory_space<vmem>>
      %dma_start3A_86 = tpu.memref_squeeze %dma_start3A_85 : memref<1x80xi32, #tpu.memory_space<vmem>> -> memref<80xi32, #tpu.memory_space<vmem>>
      %dma_start3A_87 = arith.constant 0 : i32
      %dma_start3A_88 = arith.constant 0 : i32
      %dma_start3A_89 = tpu.memref_slice %arg3[%dma_start3A_87, %dma_start3A_88] : memref<10000x64xf32, #tpu.memory_space<hbm>> -> memref<10000x64xf32, #tpu.memory_space<hbm>>
      tpu.enqueue_indirect_dma source(%dma_start3A_89 : memref<10000x64xf32, #tpu.memory_space<hbm>>) target(%arg11 : memref<80x64xf32, #tpu.memory_space<vmem>>) offsets(%dma_start3A_86 : memref<80xi32, #tpu.memory_space<vmem>>) semaphore(%arg17 : memref<!tpu.dma_semaphore, #tpu.memory_space<semaphore_mem>>)
    } else {
    }
    %eq3A_20 = arith.constant 0 : i32
    %eq3A_21 = arith.cmpi eq, %arg0, %eq3A_20 : i32
    %convert_element_type3A_22 = arith.extui %eq3A_21 : i1 to i32
    %cond3A_23 = arith.constant 0 : i32
    %cond3A_24 = arith.cmpi ne, %convert_element_type3A_22, %cond3A_23 : i32
    scf.if %cond3A_24 {
      %dma_start3A = arith.constant 2 : i32
      %dma_start3A_84 = arith.constant 0 : i32
      %dma_start3A_85 = tpu.memref_slice %arg8[%dma_start3A, %dma_start3A_84] : memref<250x80xi32, #tpu.memory_space<vmem>> -> memref<1x80xi32, #tpu.memory_space<vmem>>
      %dma_start3A_86 = tpu.memref_squeeze %dma_start3A_85 : memref<1x80xi32, #tpu.memory_space<vmem>> -> memref<80xi32, #tpu.memory_space<vmem>>
      %dma_start3A_87 = arith.constant 0 : i32
      %dma_start3A_88 = arith.constant 0 : i32
      %dma_start3A_89 = tpu.memref_slice %arg2[%dma_start3A_87, %dma_start3A_88] : memref<10000x64xf32, #tpu.memory_space<hbm>> -> memref<10000x64xf32, #tpu.memory_space<hbm>>
      tpu.enqueue_indirect_dma source(%dma_start3A_89 : memref<10000x64xf32, #tpu.memory_space<hbm>>) target(%arg12 : memref<80x64xf32, #tpu.memory_space<vmem>>) offsets(%dma_start3A_86 : memref<80xi32, #tpu.memory_space<vmem>>) semaphore(%arg18 : memref<!tpu.dma_semaphore, #tpu.memory_space<semaphore_mem>>)
    } else {
    }
    %eq3A_25 = arith.constant 1 : i32
    %eq3A_26 = arith.cmpi eq, %arg0, %eq3A_25 : i32
    %convert_element_type3A_27 = arith.extui %eq3A_26 : i1 to i32
    %cond3A_28 = arith.constant 0 : i32
    %cond3A_29 = arith.cmpi ne, %convert_element_type3A_27, %cond3A_28 : i32
    scf.if %cond3A_29 {
      %dma_start3A = arith.constant 2 : i32
      %dma_start3A_84 = arith.constant 0 : i32
      %dma_start3A_85 = tpu.memref_slice %arg8[%dma_start3A, %dma_start3A_84] : memref<250x80xi32, #tpu.memory_space<vmem>> -> memref<1x80xi32, #tpu.memory_space<vmem>>
      %dma_start3A_86 = tpu.memref_squeeze %dma_start3A_85 : memref<1x80xi32, #tpu.memory_space<vmem>> -> memref<80xi32, #tpu.memory_space<vmem>>
      %dma_start3A_87 = arith.constant 0 : i32
      %dma_start3A_88 = arith.constant 0 : i32
      %dma_start3A_89 = tpu.memref_slice %arg3[%dma_start3A_87, %dma_start3A_88] : memref<10000x64xf32, #tpu.memory_space<hbm>> -> memref<10000x64xf32, #tpu.memory_space<hbm>>
      tpu.enqueue_indirect_dma source(%dma_start3A_89 : memref<10000x64xf32, #tpu.memory_space<hbm>>) target(%arg12 : memref<80x64xf32, #tpu.memory_space<vmem>>) offsets(%dma_start3A_86 : memref<80xi32, #tpu.memory_space<vmem>>) semaphore(%arg18 : memref<!tpu.dma_semaphore, #tpu.memory_space<semaphore_mem>>)
    } else {
    }
    %eq3A_30 = arith.constant 0 : i32
    %eq3A_31 = arith.cmpi eq, %arg0, %eq3A_30 : i32
    %convert_element_type3A_32 = arith.extui %eq3A_31 : i1 to i32
    %cond3A_33 = arith.constant 0 : i32
    %cond3A_34 = arith.cmpi ne, %convert_element_type3A_32, %cond3A_33 : i32
    scf.if %cond3A_34 {
      %dma_start3A = arith.constant 3 : i32
      %dma_start3A_84 = arith.constant 0 : i32
      %dma_start3A_85 = tpu.memref_slice %arg8[%dma_start3A, %dma_start3A_84] : memref<250x80xi32, #tpu.memory_space<vmem>> -> memref<1x80xi32, #tpu.memory_space<vmem>>
      %dma_start3A_86 = tpu.memref_squeeze %dma_start3A_85 : memref<1x80xi32, #tpu.memory_space<vmem>> -> memref<80xi32, #tpu.memory_space<vmem>>
      %dma_start3A_87 = arith.constant 0 : i32
      %dma_start3A_88 = arith.constant 0 : i32
      %dma_start3A_89 = tpu.memref_slice %arg2[%dma_start3A_87, %dma_start3A_88] : memref<10000x64xf32, #tpu.memory_space<hbm>> -> memref<10000x64xf32, #tpu.memory_space<hbm>>
      tpu.enqueue_indirect_dma source(%dma_start3A_89 : memref<10000x64xf32, #tpu.memory_space<hbm>>) target(%arg13 : memref<80x64xf32, #tpu.memory_space<vmem>>) offsets(%dma_start3A_86 : memref<80xi32, #tpu.memory_space<vmem>>) semaphore(%arg19 : memref<!tpu.dma_semaphore, #tpu.memory_space<semaphore_mem>>)
    } else {
    }
    %eq3A_35 = arith.constant 1 : i32
    %eq3A_36 = arith.cmpi eq, %arg0, %eq3A_35 : i32
    %convert_element_type3A_37 = arith.extui %eq3A_36 : i1 to i32
    %cond3A_38 = arith.constant 0 : i32
    %cond3A_39 = arith.cmpi ne, %convert_element_type3A_37, %cond3A_38 : i32
    scf.if %cond3A_39 {
      %dma_start3A = arith.constant 3 : i32
      %dma_start3A_84 = arith.constant 0 : i32
      %dma_start3A_85 = tpu.memref_slice %arg8[%dma_start3A, %dma_start3A_84] : memref<250x80xi32, #tpu.memory_space<vmem>> -> memref<1x80xi32, #tpu.memory_space<vmem>>
      %dma_start3A_86 = tpu.memref_squeeze %dma_start3A_85 : memref<1x80xi32, #tpu.memory_space<vmem>> -> memref<80xi32, #tpu.memory_space<vmem>>
      %dma_start3A_87 = arith.constant 0 : i32
      %dma_start3A_88 = arith.constant 0 : i32
      %dma_start3A_89 = tpu.memref_slice %arg3[%dma_start3A_87, %dma_start3A_88] : memref<10000x64xf32, #tpu.memory_space<hbm>> -> memref<10000x64xf32, #tpu.memory_space<hbm>>
      tpu.enqueue_indirect_dma source(%dma_start3A_89 : memref<10000x64xf32, #tpu.memory_space<hbm>>) target(%arg13 : memref<80x64xf32, #tpu.memory_space<vmem>>) offsets(%dma_start3A_86 : memref<80xi32, #tpu.memory_space<vmem>>) semaphore(%arg19 : memref<!tpu.dma_semaphore, #tpu.memory_space<semaphore_mem>>)
    } else {
    }
    %scan3A = arith.constant 0 : i32
    %scan3A_40 = arith.constant 0 : i32
    %scan3A_41 = arith.constant 50 : i32
    %scan3A_42 = arith.addi %scan3A_40, %scan3A_41 : i32
    %scan3A_43 = arith.constant 1 : i32
    scf.for %scan3A_84 = %scan3A_40 to %scan3A_42 step %scan3A_43  : i32 {
      %mul3A_85 = arith.constant 5 : i32
      %mul3A_86 = arith.muli %scan3A_84, %mul3A_85 : i32
      %add3A = arith.constant 0 : i32
      %add3A_87 = arith.addi %mul3A_86, %add3A : i32
      %eq3A_88 = arith.constant 0 : i32
      %eq3A_89 = arith.cmpi eq, %arg0, %eq3A_88 : i32
      %convert_element_type3A_90 = arith.extui %eq3A_89 : i1 to i32
      %cond3A_91 = arith.constant 0 : i32
      %cond3A_92 = arith.cmpi ne, %convert_element_type3A_90, %cond3A_91 : i32
      scf.if %cond3A_92 {
        %dma_wait3A_217 = arith.constant 0 : i32
        %dma_wait3A_218 = tpu.memref_slice %arg8[%add3A_87, %dma_wait3A_217] : memref<250x80xi32, #tpu.memory_space<vmem>> -> memref<1x80xi32, #tpu.memory_space<vmem>>
        %dma_wait3A_219 = tpu.memref_squeeze %dma_wait3A_218 : memref<1x80xi32, #tpu.memory_space<vmem>> -> memref<80xi32, #tpu.memory_space<vmem>>
        %dma_wait3A_220 = arith.constant 0 : i32
        %dma_wait3A_221 = arith.constant 0 : i32
        %dma_wait3A_222 = tpu.memref_slice %arg2[%dma_wait3A_220, %dma_wait3A_221] : memref<10000x64xf32, #tpu.memory_space<hbm>> -> memref<10000x64xf32, #tpu.memory_space<hbm>>
        tpu.wait_indirect_dma semaphore(%arg16 : memref<!tpu.dma_semaphore, #tpu.memory_space<semaphore_mem>>) src(%dma_wait3A_222 : memref<10000x64xf32, #tpu.memory_space<hbm>>) dst(%arg10 : memref<80x64xf32, #tpu.memory_space<vmem>>)
      } else {
      }
      %eq3A_93 = arith.constant 1 : i32
      %eq3A_94 = arith.cmpi eq, %arg0, %eq3A_93 : i32
      %convert_element_type3A_95 = arith.extui %eq3A_94 : i1 to i32
      %cond3A_96 = arith.constant 0 : i32
      %cond3A_97 = arith.cmpi ne, %convert_element_type3A_95, %cond3A_96 : i32
      scf.if %cond3A_97 {
        %dma_wait3A_217 = arith.constant 0 : i32
        %dma_wait3A_218 = tpu.memref_slice %arg8[%add3A_87, %dma_wait3A_217] : memref<250x80xi32, #tpu.memory_space<vmem>> -> memref<1x80xi32, #tpu.memory_space<vmem>>
        %dma_wait3A_219 = tpu.memref_squeeze %dma_wait3A_218 : memref<1x80xi32, #tpu.memory_space<vmem>> -> memref<80xi32, #tpu.memory_space<vmem>>
        %dma_wait3A_220 = arith.constant 0 : i32
        %dma_wait3A_221 = arith.constant 0 : i32
        %dma_wait3A_222 = tpu.memref_slice %arg3[%dma_wait3A_220, %dma_wait3A_221] : memref<10000x64xf32, #tpu.memory_space<hbm>> -> memref<10000x64xf32, #tpu.memory_space<hbm>>
        tpu.wait_indirect_dma semaphore(%arg16 : memref<!tpu.dma_semaphore, #tpu.memory_space<semaphore_mem>>) src(%dma_wait3A_222 : memref<10000x64xf32, #tpu.memory_space<hbm>>) dst(%arg10 : memref<80x64xf32, #tpu.memory_space<vmem>>)
      } else {
      }
      %dma_start3A = arith.constant 0 : i32
      %dma_start3A_98 = tpu.memref_slice %arg9[%add3A_87, %dma_start3A] : memref<250x80xi32, #tpu.memory_space<vmem>> -> memref<1x80xi32, #tpu.memory_space<vmem>>
      %dma_start3A_99 = tpu.memref_squeeze %dma_start3A_98 : memref<1x80xi32, #tpu.memory_space<vmem>> -> memref<80xi32, #tpu.memory_space<vmem>>
      %dma_start3A_100 = arith.constant 0 : i32
      %dma_start3A_101 = arith.constant 0 : i32
      %dma_start3A_102 = tpu.memref_slice %arg15[%dma_start3A_100, %dma_start3A_101] : memref<10240x64xf32, #tpu.memory_space<vmem_shared>> -> memref<10240x64xf32, #tpu.memory_space<vmem_shared>>
      tpu.enqueue_indirect_dma source(%arg10 : memref<80x64xf32, #tpu.memory_space<vmem>>) target(%dma_start3A_102 : memref<10240x64xf32, #tpu.memory_space<vmem_shared>>) offsets(%dma_start3A_99 : memref<80xi32, #tpu.memory_space<vmem>>) semaphore(%arg21 : memref<!tpu.dma_semaphore, #tpu.memory_space<semaphore_mem>>) {add = true}
      %add3A_103 = arith.constant 4 : i32
      %add3A_104 = arith.addi %add3A_87, %add3A_103 : i32
      %lt3A = arith.constant 250 : i32
      %lt3A_105 = arith.cmpi slt, %add3A_104, %lt3A : i32
      %convert_element_type3A_106 = arith.extui %lt3A_105 : i1 to i32
      %cond3A_107 = arith.constant 0 : i32
      %cond3A_108 = arith.cmpi ne, %convert_element_type3A_106, %cond3A_107 : i32
      scf.if %cond3A_108 {
        %sub3A = arith.constant 5 : i32
        %sub3A_217 = arith.subi %add3A_104, %sub3A : i32
        %ge3A = arith.constant 0 : i32
        %ge3A_218 = arith.cmpi sge, %sub3A_217, %ge3A : i32
        %convert_element_type3A_219 = arith.extui %ge3A_218 : i1 to i32
        %cond3A_220 = arith.constant 0 : i32
        %cond3A_221 = arith.cmpi ne, %convert_element_type3A_219, %cond3A_220 : i32
        scf.if %cond3A_221 {
          %sub3A_232 = arith.constant 5 : i32
          %sub3A_233 = arith.subi %add3A_104, %sub3A_232 : i32
          %dma_wait3A_234 = arith.constant 0 : i32
          %dma_wait3A_235 = tpu.memref_slice %arg9[%sub3A_233, %dma_wait3A_234] : memref<250x80xi32, #tpu.memory_space<vmem>> -> memref<1x80xi32, #tpu.memory_space<vmem>>
          %dma_wait3A_236 = tpu.memref_squeeze %dma_wait3A_235 : memref<1x80xi32, #tpu.memory_space<vmem>> -> memref<80xi32, #tpu.memory_space<vmem>>
          %dma_wait3A_237 = arith.constant 0 : i32
          %dma_wait3A_238 = arith.constant 0 : i32
          %dma_wait3A_239 = tpu.memref_slice %arg15[%dma_wait3A_237, %dma_wait3A_238] : memref<10240x64xf32, #tpu.memory_space<vmem_shared>> -> memref<10240x64xf32, #tpu.memory_space<vmem_shared>>
          tpu.wait_indirect_dma semaphore(%arg25 : memref<!tpu.dma_semaphore, #tpu.memory_space<semaphore_mem>>) src(%arg14 : memref<80x64xf32, #tpu.memory_space<vmem>>) dst(%dma_wait3A_239 : memref<10240x64xf32, #tpu.memory_space<vmem_shared>>)
        } else {
        }
        %eq3A_222 = arith.constant 0 : i32
        %eq3A_223 = arith.cmpi eq, %arg0, %eq3A_222 : i32
        %convert_element_type3A_224 = arith.extui %eq3A_223 : i1 to i32
        %cond3A_225 = arith.constant 0 : i32
        %cond3A_226 = arith.cmpi ne, %convert_element_type3A_224, %cond3A_225 : i32
        scf.if %cond3A_226 {
          %dma_start3A_232 = arith.constant 0 : i32
          %dma_start3A_233 = tpu.memref_slice %arg8[%add3A_104, %dma_start3A_232] : memref<250x80xi32, #tpu.memory_space<vmem>> -> memref<1x80xi32, #tpu.memory_space<vmem>>
          %dma_start3A_234 = tpu.memref_squeeze %dma_start3A_233 : memref<1x80xi32, #tpu.memory_space<vmem>> -> memref<80xi32, #tpu.memory_space<vmem>>
          %dma_start3A_235 = arith.constant 0 : i32
          %dma_start3A_236 = arith.constant 0 : i32
          %dma_start3A_237 = tpu.memref_slice %arg2[%dma_start3A_235, %dma_start3A_236] : memref<10000x64xf32, #tpu.memory_space<hbm>> -> memref<10000x64xf32, #tpu.memory_space<hbm>>
          tpu.enqueue_indirect_dma source(%dma_start3A_237 : memref<10000x64xf32, #tpu.memory_space<hbm>>) target(%arg14 : memref<80x64xf32, #tpu.memory_space<vmem>>) offsets(%dma_start3A_234 : memref<80xi32, #tpu.memory_space<vmem>>) semaphore(%arg20 : memref<!tpu.dma_semaphore, #tpu.memory_space<semaphore_mem>>)
        } else {
        }
        %eq3A_227 = arith.constant 1 : i32
        %eq3A_228 = arith.cmpi eq, %arg0, %eq3A_227 : i32
        %convert_element_type3A_229 = arith.extui %eq3A_228 : i1 to i32
        %cond3A_230 = arith.constant 0 : i32
        %cond3A_231 = arith.cmpi ne, %convert_element_type3A_229, %cond3A_230 : i32
        scf.if %cond3A_231 {
          %dma_start3A_232 = arith.constant 0 : i32
          %dma_start3A_233 = tpu.memref_slice %arg8[%add3A_104, %dma_start3A_232] : memref<250x80xi32, #tpu.memory_space<vmem>> -> memref<1x80xi32, #tpu.memory_space<vmem>>
          %dma_start3A_234 = tpu.memref_squeeze %dma_start3A_233 : memref<1x80xi32, #tpu.memory_space<vmem>> -> memref<80xi32, #tpu.memory_space<vmem>>
          %dma_start3A_235 = arith.constant 0 : i32
          %dma_start3A_236 = arith.constant 0 : i32
          %dma_start3A_237 = tpu.memref_slice %arg3[%dma_start3A_235, %dma_start3A_236] : memref<10000x64xf32, #tpu.memory_space<hbm>> -> memref<10000x64xf32, #tpu.memory_space<hbm>>
          tpu.enqueue_indirect_dma source(%dma_start3A_237 : memref<10000x64xf32, #tpu.memory_space<hbm>>) target(%arg14 : memref<80x64xf32, #tpu.memory_space<vmem>>) offsets(%dma_start3A_234 : memref<80xi32, #tpu.memory_space<vmem>>) semaphore(%arg20 : memref<!tpu.dma_semaphore, #tpu.memory_space<semaphore_mem>>)
        } else {
        }
      } else {
      }
      %mul3A_109 = arith.constant 5 : i32
      %mul3A_110 = arith.muli %scan3A_84, %mul3A_109 : i32
      %add3A_111 = arith.constant 1 : i32
      %add3A_112 = arith.addi %mul3A_110, %add3A_111 : i32
      %eq3A_113 = arith.constant 0 : i32
      %eq3A_114 = arith.cmpi eq, %arg0, %eq3A_113 : i32
      %convert_element_type3A_115 = arith.extui %eq3A_114 : i1 to i32
      %cond3A_116 = arith.constant 0 : i32
      %cond3A_117 = arith.cmpi ne, %convert_element_type3A_115, %cond3A_116 : i32
      scf.if %cond3A_117 {
        %dma_wait3A_217 = arith.constant 0 : i32
        %dma_wait3A_218 = tpu.memref_slice %arg8[%add3A_112, %dma_wait3A_217] : memref<250x80xi32, #tpu.memory_space<vmem>> -> memref<1x80xi32, #tpu.memory_space<vmem>>
        %dma_wait3A_219 = tpu.memref_squeeze %dma_wait3A_218 : memref<1x80xi32, #tpu.memory_space<vmem>> -> memref<80xi32, #tpu.memory_space<vmem>>
        %dma_wait3A_220 = arith.constant 0 : i32
        %dma_wait3A_221 = arith.constant 0 : i32
        %dma_wait3A_222 = tpu.memref_slice %arg2[%dma_wait3A_220, %dma_wait3A_221] : memref<10000x64xf32, #tpu.memory_space<hbm>> -> memref<10000x64xf32, #tpu.memory_space<hbm>>
        tpu.wait_indirect_dma semaphore(%arg17 : memref<!tpu.dma_semaphore, #tpu.memory_space<semaphore_mem>>) src(%dma_wait3A_222 : memref<10000x64xf32, #tpu.memory_space<hbm>>) dst(%arg11 : memref<80x64xf32, #tpu.memory_space<vmem>>)
      } else {
      }
      %eq3A_118 = arith.constant 1 : i32
      %eq3A_119 = arith.cmpi eq, %arg0, %eq3A_118 : i32
      %convert_element_type3A_120 = arith.extui %eq3A_119 : i1 to i32
      %cond3A_121 = arith.constant 0 : i32
      %cond3A_122 = arith.cmpi ne, %convert_element_type3A_120, %cond3A_121 : i32
      scf.if %cond3A_122 {
        %dma_wait3A_217 = arith.constant 0 : i32
        %dma_wait3A_218 = tpu.memref_slice %arg8[%add3A_112, %dma_wait3A_217] : memref<250x80xi32, #tpu.memory_space<vmem>> -> memref<1x80xi32, #tpu.memory_space<vmem>>
        %dma_wait3A_219 = tpu.memref_squeeze %dma_wait3A_218 : memref<1x80xi32, #tpu.memory_space<vmem>> -> memref<80xi32, #tpu.memory_space<vmem>>
        %dma_wait3A_220 = arith.constant 0 : i32
        %dma_wait3A_221 = arith.constant 0 : i32
        %dma_wait3A_222 = tpu.memref_slice %arg3[%dma_wait3A_220, %dma_wait3A_221] : memref<10000x64xf32, #tpu.memory_space<hbm>> -> memref<10000x64xf32, #tpu.memory_space<hbm>>
        tpu.wait_indirect_dma semaphore(%arg17 : memref<!tpu.dma_semaphore, #tpu.memory_space<semaphore_mem>>) src(%dma_wait3A_222 : memref<10000x64xf32, #tpu.memory_space<hbm>>) dst(%arg11 : memref<80x64xf32, #tpu.memory_space<vmem>>)
      } else {
      }
      %dma_start3A_123 = arith.constant 0 : i32
      %dma_start3A_124 = tpu.memref_slice %arg9[%add3A_112, %dma_start3A_123] : memref<250x80xi32, #tpu.memory_space<vmem>> -> memref<1x80xi32, #tpu.memory_space<vmem>>
      %dma_start3A_125 = tpu.memref_squeeze %dma_start3A_124 : memref<1x80xi32, #tpu.memory_space<vmem>> -> memref<80xi32, #tpu.memory_space<vmem>>
      %dma_start3A_126 = arith.constant 0 : i32
      %dma_start3A_127 = arith.constant 0 : i32
      %dma_start3A_128 = tpu.memref_slice %arg15[%dma_start3A_126, %dma_start3A_127] : memref<10240x64xf32, #tpu.memory_space<vmem_shared>> -> memref<10240x64xf32, #tpu.memory_space<vmem_shared>>
      tpu.enqueue_indirect_dma source(%arg11 : memref<80x64xf32, #tpu.memory_space<vmem>>) target(%dma_start3A_128 : memref<10240x64xf32, #tpu.memory_space<vmem_shared>>) offsets(%dma_start3A_125 : memref<80xi32, #tpu.memory_space<vmem>>) semaphore(%arg22 : memref<!tpu.dma_semaphore, #tpu.memory_space<semaphore_mem>>) {add = true}
      %add3A_129 = arith.constant 4 : i32
      %add3A_130 = arith.addi %add3A_112, %add3A_129 : i32
      %lt3A_131 = arith.constant 250 : i32
      %lt3A_132 = arith.cmpi slt, %add3A_130, %lt3A_131 : i32
      %convert_element_type3A_133 = arith.extui %lt3A_132 : i1 to i32
      %cond3A_134 = arith.constant 0 : i32
      %cond3A_135 = arith.cmpi ne, %convert_element_type3A_133, %cond3A_134 : i32
      scf.if %cond3A_135 {
        %sub3A = arith.constant 5 : i32
        %sub3A_217 = arith.subi %add3A_130, %sub3A : i32
        %ge3A = arith.constant 0 : i32
        %ge3A_218 = arith.cmpi sge, %sub3A_217, %ge3A : i32
        %convert_element_type3A_219 = arith.extui %ge3A_218 : i1 to i32
        %cond3A_220 = arith.constant 0 : i32
        %cond3A_221 = arith.cmpi ne, %convert_element_type3A_219, %cond3A_220 : i32
        scf.if %cond3A_221 {
          %sub3A_232 = arith.constant 5 : i32
          %sub3A_233 = arith.subi %add3A_130, %sub3A_232 : i32
          %dma_wait3A_234 = arith.constant 0 : i32
          %dma_wait3A_235 = tpu.memref_slice %arg9[%sub3A_233, %dma_wait3A_234] : memref<250x80xi32, #tpu.memory_space<vmem>> -> memref<1x80xi32, #tpu.memory_space<vmem>>
          %dma_wait3A_236 = tpu.memref_squeeze %dma_wait3A_235 : memref<1x80xi32, #tpu.memory_space<vmem>> -> memref<80xi32, #tpu.memory_space<vmem>>
          %dma_wait3A_237 = arith.constant 0 : i32
          %dma_wait3A_238 = arith.constant 0 : i32
          %dma_wait3A_239 = tpu.memref_slice %arg15[%dma_wait3A_237, %dma_wait3A_238] : memref<10240x64xf32, #tpu.memory_space<vmem_shared>> -> memref<10240x64xf32, #tpu.memory_space<vmem_shared>>
          tpu.wait_indirect_dma semaphore(%arg21 : memref<!tpu.dma_semaphore, #tpu.memory_space<semaphore_mem>>) src(%arg10 : memref<80x64xf32, #tpu.memory_space<vmem>>) dst(%dma_wait3A_239 : memref<10240x64xf32, #tpu.memory_space<vmem_shared>>)
        } else {
        }
        %eq3A_222 = arith.constant 0 : i32
        %eq3A_223 = arith.cmpi eq, %arg0, %eq3A_222 : i32
        %convert_element_type3A_224 = arith.extui %eq3A_223 : i1 to i32
        %cond3A_225 = arith.constant 0 : i32
        %cond3A_226 = arith.cmpi ne, %convert_element_type3A_224, %cond3A_225 : i32
        scf.if %cond3A_226 {
          %dma_start3A_232 = arith.constant 0 : i32
          %dma_start3A_233 = tpu.memref_slice %arg8[%add3A_130, %dma_start3A_232] : memref<250x80xi32, #tpu.memory_space<vmem>> -> memref<1x80xi32, #tpu.memory_space<vmem>>
          %dma_start3A_234 = tpu.memref_squeeze %dma_start3A_233 : memref<1x80xi32, #tpu.memory_space<vmem>> -> memref<80xi32, #tpu.memory_space<vmem>>
          %dma_start3A_235 = arith.constant 0 : i32
          %dma_start3A_236 = arith.constant 0 : i32
          %dma_start3A_237 = tpu.memref_slice %arg2[%dma_start3A_235, %dma_start3A_236] : memref<10000x64xf32, #tpu.memory_space<hbm>> -> memref<10000x64xf32, #tpu.memory_space<hbm>>
          tpu.enqueue_indirect_dma source(%dma_start3A_237 : memref<10000x64xf32, #tpu.memory_space<hbm>>) target(%arg10 : memref<80x64xf32, #tpu.memory_space<vmem>>) offsets(%dma_start3A_234 : memref<80xi32, #tpu.memory_space<vmem>>) semaphore(%arg16 : memref<!tpu.dma_semaphore, #tpu.memory_space<semaphore_mem>>)
        } else {
        }
        %eq3A_227 = arith.constant 1 : i32
        %eq3A_228 = arith.cmpi eq, %arg0, %eq3A_227 : i32
        %convert_element_type3A_229 = arith.extui %eq3A_228 : i1 to i32
        %cond3A_230 = arith.constant 0 : i32
        %cond3A_231 = arith.cmpi ne, %convert_element_type3A_229, %cond3A_230 : i32
        scf.if %cond3A_231 {
          %dma_start3A_232 = arith.constant 0 : i32
          %dma_start3A_233 = tpu.memref_slice %arg8[%add3A_130, %dma_start3A_232] : memref<250x80xi32, #tpu.memory_space<vmem>> -> memref<1x80xi32, #tpu.memory_space<vmem>>
          %dma_start3A_234 = tpu.memref_squeeze %dma_start3A_233 : memref<1x80xi32, #tpu.memory_space<vmem>> -> memref<80xi32, #tpu.memory_space<vmem>>
          %dma_start3A_235 = arith.constant 0 : i32
          %dma_start3A_236 = arith.constant 0 : i32
          %dma_start3A_237 = tpu.memref_slice %arg3[%dma_start3A_235, %dma_start3A_236] : memref<10000x64xf32, #tpu.memory_space<hbm>> -> memref<10000x64xf32, #tpu.memory_space<hbm>>
          tpu.enqueue_indirect_dma source(%dma_start3A_237 : memref<10000x64xf32, #tpu.memory_space<hbm>>) target(%arg10 : memref<80x64xf32, #tpu.memory_space<vmem>>) offsets(%dma_start3A_234 : memref<80xi32, #tpu.memory_space<vmem>>) semaphore(%arg16 : memref<!tpu.dma_semaphore, #tpu.memory_space<semaphore_mem>>)
        } else {
        }
      } else {
      }
      %mul3A_136 = arith.constant 5 : i32
      %mul3A_137 = arith.muli %scan3A_84, %mul3A_136 : i32
      %add3A_138 = arith.constant 2 : i32
      %add3A_139 = arith.addi %mul3A_137, %add3A_138 : i32
      %eq3A_140 = arith.constant 0 : i32
      %eq3A_141 = arith.cmpi eq, %arg0, %eq3A_140 : i32
      %convert_element_type3A_142 = arith.extui %eq3A_141 : i1 to i32
      %cond3A_143 = arith.constant 0 : i32
      %cond3A_144 = arith.cmpi ne, %convert_element_type3A_142, %cond3A_143 : i32
      scf.if %cond3A_144 {
        %dma_wait3A_217 = arith.constant 0 : i32
        %dma_wait3A_218 = tpu.memref_slice %arg8[%add3A_139, %dma_wait3A_217] : memref<250x80xi32, #tpu.memory_space<vmem>> -> memref<1x80xi32, #tpu.memory_space<vmem>>
        %dma_wait3A_219 = tpu.memref_squeeze %dma_wait3A_218 : memref<1x80xi32, #tpu.memory_space<vmem>> -> memref<80xi32, #tpu.memory_space<vmem>>
        %dma_wait3A_220 = arith.constant 0 : i32
        %dma_wait3A_221 = arith.constant 0 : i32
        %dma_wait3A_222 = tpu.memref_slice %arg2[%dma_wait3A_220, %dma_wait3A_221] : memref<10000x64xf32, #tpu.memory_space<hbm>> -> memref<10000x64xf32, #tpu.memory_space<hbm>>
        tpu.wait_indirect_dma semaphore(%arg18 : memref<!tpu.dma_semaphore, #tpu.memory_space<semaphore_mem>>) src(%dma_wait3A_222 : memref<10000x64xf32, #tpu.memory_space<hbm>>) dst(%arg12 : memref<80x64xf32, #tpu.memory_space<vmem>>)
      } else {
      }
      %eq3A_145 = arith.constant 1 : i32
      %eq3A_146 = arith.cmpi eq, %arg0, %eq3A_145 : i32
      %convert_element_type3A_147 = arith.extui %eq3A_146 : i1 to i32
      %cond3A_148 = arith.constant 0 : i32
      %cond3A_149 = arith.cmpi ne, %convert_element_type3A_147, %cond3A_148 : i32
      scf.if %cond3A_149 {
        %dma_wait3A_217 = arith.constant 0 : i32
        %dma_wait3A_218 = tpu.memref_slice %arg8[%add3A_139, %dma_wait3A_217] : memref<250x80xi32, #tpu.memory_space<vmem>> -> memref<1x80xi32, #tpu.memory_space<vmem>>
        %dma_wait3A_219 = tpu.memref_squeeze %dma_wait3A_218 : memref<1x80xi32, #tpu.memory_space<vmem>> -> memref<80xi32, #tpu.memory_space<vmem>>
        %dma_wait3A_220 = arith.constant 0 : i32
        %dma_wait3A_221 = arith.constant 0 : i32
        %dma_wait3A_222 = tpu.memref_slice %arg3[%dma_wait3A_220, %dma_wait3A_221] : memref<10000x64xf32, #tpu.memory_space<hbm>> -> memref<10000x64xf32, #tpu.memory_space<hbm>>
        tpu.wait_indirect_dma semaphore(%arg18 : memref<!tpu.dma_semaphore, #tpu.memory_space<semaphore_mem>>) src(%dma_wait3A_222 : memref<10000x64xf32, #tpu.memory_space<hbm>>) dst(%arg12 : memref<80x64xf32, #tpu.memory_space<vmem>>)
      } else {
      }
      %dma_start3A_150 = arith.constant 0 : i32
      %dma_start3A_151 = tpu.memref_slice %arg9[%add3A_139, %dma_start3A_150] : memref<250x80xi32, #tpu.memory_space<vmem>> -> memref<1x80xi32, #tpu.memory_space<vmem>>
      %dma_start3A_152 = tpu.memref_squeeze %dma_start3A_151 : memref<1x80xi32, #tpu.memory_space<vmem>> -> memref<80xi32, #tpu.memory_space<vmem>>
      %dma_start3A_153 = arith.constant 0 : i32
      %dma_start3A_154 = arith.constant 0 : i32
      %dma_start3A_155 = tpu.memref_slice %arg15[%dma_start3A_153, %dma_start3A_154] : memref<10240x64xf32, #tpu.memory_space<vmem_shared>> -> memref<10240x64xf32, #tpu.memory_space<vmem_shared>>
      tpu.enqueue_indirect_dma source(%arg12 : memref<80x64xf32, #tpu.memory_space<vmem>>) target(%dma_start3A_155 : memref<10240x64xf32, #tpu.memory_space<vmem_shared>>) offsets(%dma_start3A_152 : memref<80xi32, #tpu.memory_space<vmem>>) semaphore(%arg23 : memref<!tpu.dma_semaphore, #tpu.memory_space<semaphore_mem>>) {add = true}
      %add3A_156 = arith.constant 4 : i32
      %add3A_157 = arith.addi %add3A_139, %add3A_156 : i32
      %lt3A_158 = arith.constant 250 : i32
      %lt3A_159 = arith.cmpi slt, %add3A_157, %lt3A_158 : i32
      %convert_element_type3A_160 = arith.extui %lt3A_159 : i1 to i32
      %cond3A_161 = arith.constant 0 : i32
      %cond3A_162 = arith.cmpi ne, %convert_element_type3A_160, %cond3A_161 : i32
      scf.if %cond3A_162 {
        %sub3A = arith.constant 5 : i32
        %sub3A_217 = arith.subi %add3A_157, %sub3A : i32
        %ge3A = arith.constant 0 : i32
        %ge3A_218 = arith.cmpi sge, %sub3A_217, %ge3A : i32
        %convert_element_type3A_219 = arith.extui %ge3A_218 : i1 to i32
        %cond3A_220 = arith.constant 0 : i32
        %cond3A_221 = arith.cmpi ne, %convert_element_type3A_219, %cond3A_220 : i32
        scf.if %cond3A_221 {
          %sub3A_232 = arith.constant 5 : i32
          %sub3A_233 = arith.subi %add3A_157, %sub3A_232 : i32
          %dma_wait3A_234 = arith.constant 0 : i32
          %dma_wait3A_235 = tpu.memref_slice %arg9[%sub3A_233, %dma_wait3A_234] : memref<250x80xi32, #tpu.memory_space<vmem>> -> memref<1x80xi32, #tpu.memory_space<vmem>>
          %dma_wait3A_236 = tpu.memref_squeeze %dma_wait3A_235 : memref<1x80xi32, #tpu.memory_space<vmem>> -> memref<80xi32, #tpu.memory_space<vmem>>
          %dma_wait3A_237 = arith.constant 0 : i32
          %dma_wait3A_238 = arith.constant 0 : i32
          %dma_wait3A_239 = tpu.memref_slice %arg15[%dma_wait3A_237, %dma_wait3A_238] : memref<10240x64xf32, #tpu.memory_space<vmem_shared>> -> memref<10240x64xf32, #tpu.memory_space<vmem_shared>>
          tpu.wait_indirect_dma semaphore(%arg22 : memref<!tpu.dma_semaphore, #tpu.memory_space<semaphore_mem>>) src(%arg11 : memref<80x64xf32, #tpu.memory_space<vmem>>) dst(%dma_wait3A_239 : memref<10240x64xf32, #tpu.memory_space<vmem_shared>>)
        } else {
        }
        %eq3A_222 = arith.constant 0 : i32
        %eq3A_223 = arith.cmpi eq, %arg0, %eq3A_222 : i32
        %convert_element_type3A_224 = arith.extui %eq3A_223 : i1 to i32
        %cond3A_225 = arith.constant 0 : i32
        %cond3A_226 = arith.cmpi ne, %convert_element_type3A_224, %cond3A_225 : i32
        scf.if %cond3A_226 {
          %dma_start3A_232 = arith.constant 0 : i32
          %dma_start3A_233 = tpu.memref_slice %arg8[%add3A_157, %dma_start3A_232] : memref<250x80xi32, #tpu.memory_space<vmem>> -> memref<1x80xi32, #tpu.memory_space<vmem>>
          %dma_start3A_234 = tpu.memref_squeeze %dma_start3A_233 : memref<1x80xi32, #tpu.memory_space<vmem>> -> memref<80xi32, #tpu.memory_space<vmem>>
          %dma_start3A_235 = arith.constant 0 : i32
          %dma_start3A_236 = arith.constant 0 : i32
          %dma_start3A_237 = tpu.memref_slice %arg2[%dma_start3A_235, %dma_start3A_236] : memref<10000x64xf32, #tpu.memory_space<hbm>> -> memref<10000x64xf32, #tpu.memory_space<hbm>>
          tpu.enqueue_indirect_dma source(%dma_start3A_237 : memref<10000x64xf32, #tpu.memory_space<hbm>>) target(%arg11 : memref<80x64xf32, #tpu.memory_space<vmem>>) offsets(%dma_start3A_234 : memref<80xi32, #tpu.memory_space<vmem>>) semaphore(%arg17 : memref<!tpu.dma_semaphore, #tpu.memory_space<semaphore_mem>>)
        } else {
        }
        %eq3A_227 = arith.constant 1 : i32
        %eq3A_228 = arith.cmpi eq, %arg0, %eq3A_227 : i32
        %convert_element_type3A_229 = arith.extui %eq3A_228 : i1 to i32
        %cond3A_230 = arith.constant 0 : i32
        %cond3A_231 = arith.cmpi ne, %convert_element_type3A_229, %cond3A_230 : i32
        scf.if %cond3A_231 {
          %dma_start3A_232 = arith.constant 0 : i32
          %dma_start3A_233 = tpu.memref_slice %arg8[%add3A_157, %dma_start3A_232] : memref<250x80xi32, #tpu.memory_space<vmem>> -> memref<1x80xi32, #tpu.memory_space<vmem>>
          %dma_start3A_234 = tpu.memref_squeeze %dma_start3A_233 : memref<1x80xi32, #tpu.memory_space<vmem>> -> memref<80xi32, #tpu.memory_space<vmem>>
          %dma_start3A_235 = arith.constant 0 : i32
          %dma_start3A_236 = arith.constant 0 : i32
          %dma_start3A_237 = tpu.memref_slice %arg3[%dma_start3A_235, %dma_start3A_236] : memref<10000x64xf32, #tpu.memory_space<hbm>> -> memref<10000x64xf32, #tpu.memory_space<hbm>>
          tpu.enqueue_indirect_dma source(%dma_start3A_237 : memref<10000x64xf32, #tpu.memory_space<hbm>>) target(%arg11 : memref<80x64xf32, #tpu.memory_space<vmem>>) offsets(%dma_start3A_234 : memref<80xi32, #tpu.memory_space<vmem>>) semaphore(%arg17 : memref<!tpu.dma_semaphore, #tpu.memory_space<semaphore_mem>>)
        } else {
        }
      } else {
      }
      %mul3A_163 = arith.constant 5 : i32
      %mul3A_164 = arith.muli %scan3A_84, %mul3A_163 : i32
      %add3A_165 = arith.constant 3 : i32
      %add3A_166 = arith.addi %mul3A_164, %add3A_165 : i32
      %eq3A_167 = arith.constant 0 : i32
      %eq3A_168 = arith.cmpi eq, %arg0, %eq3A_167 : i32
      %convert_element_type3A_169 = arith.extui %eq3A_168 : i1 to i32
      %cond3A_170 = arith.constant 0 : i32
      %cond3A_171 = arith.cmpi ne, %convert_element_type3A_169, %cond3A_170 : i32
      scf.if %cond3A_171 {
        %dma_wait3A_217 = arith.constant 0 : i32
        %dma_wait3A_218 = tpu.memref_slice %arg8[%add3A_166, %dma_wait3A_217] : memref<250x80xi32, #tpu.memory_space<vmem>> -> memref<1x80xi32, #tpu.memory_space<vmem>>
        %dma_wait3A_219 = tpu.memref_squeeze %dma_wait3A_218 : memref<1x80xi32, #tpu.memory_space<vmem>> -> memref<80xi32, #tpu.memory_space<vmem>>
        %dma_wait3A_220 = arith.constant 0 : i32
        %dma_wait3A_221 = arith.constant 0 : i32
        %dma_wait3A_222 = tpu.memref_slice %arg2[%dma_wait3A_220, %dma_wait3A_221] : memref<10000x64xf32, #tpu.memory_space<hbm>> -> memref<10000x64xf32, #tpu.memory_space<hbm>>
        tpu.wait_indirect_dma semaphore(%arg19 : memref<!tpu.dma_semaphore, #tpu.memory_space<semaphore_mem>>) src(%dma_wait3A_222 : memref<10000x64xf32, #tpu.memory_space<hbm>>) dst(%arg13 : memref<80x64xf32, #tpu.memory_space<vmem>>)
      } else {
      }
      %eq3A_172 = arith.constant 1 : i32
      %eq3A_173 = arith.cmpi eq, %arg0, %eq3A_172 : i32
      %convert_element_type3A_174 = arith.extui %eq3A_173 : i1 to i32
      %cond3A_175 = arith.constant 0 : i32
      %cond3A_176 = arith.cmpi ne, %convert_element_type3A_174, %cond3A_175 : i32
      scf.if %cond3A_176 {
        %dma_wait3A_217 = arith.constant 0 : i32
        %dma_wait3A_218 = tpu.memref_slice %arg8[%add3A_166, %dma_wait3A_217] : memref<250x80xi32, #tpu.memory_space<vmem>> -> memref<1x80xi32, #tpu.memory_space<vmem>>
        %dma_wait3A_219 = tpu.memref_squeeze %dma_wait3A_218 : memref<1x80xi32, #tpu.memory_space<vmem>> -> memref<80xi32, #tpu.memory_space<vmem>>
        %dma_wait3A_220 = arith.constant 0 : i32
        %dma_wait3A_221 = arith.constant 0 : i32
        %dma_wait3A_222 = tpu.memref_slice %arg3[%dma_wait3A_220, %dma_wait3A_221] : memref<10000x64xf32, #tpu.memory_space<hbm>> -> memref<10000x64xf32, #tpu.memory_space<hbm>>
        tpu.wait_indirect_dma semaphore(%arg19 : memref<!tpu.dma_semaphore, #tpu.memory_space<semaphore_mem>>) src(%dma_wait3A_222 : memref<10000x64xf32, #tpu.memory_space<hbm>>) dst(%arg13 : memref<80x64xf32, #tpu.memory_space<vmem>>)
      } else {
      }
      %dma_start3A_177 = arith.constant 0 : i32
      %dma_start3A_178 = tpu.memref_slice %arg9[%add3A_166, %dma_start3A_177] : memref<250x80xi32, #tpu.memory_space<vmem>> -> memref<1x80xi32, #tpu.memory_space<vmem>>
      %dma_start3A_179 = tpu.memref_squeeze %dma_start3A_178 : memref<1x80xi32, #tpu.memory_space<vmem>> -> memref<80xi32, #tpu.memory_space<vmem>>
      %dma_start3A_180 = arith.constant 0 : i32
      %dma_start3A_181 = arith.constant 0 : i32
      %dma_start3A_182 = tpu.memref_slice %arg15[%dma_start3A_180, %dma_start3A_181] : memref<10240x64xf32, #tpu.memory_space<vmem_shared>> -> memref<10240x64xf32, #tpu.memory_space<vmem_shared>>
      tpu.enqueue_indirect_dma source(%arg13 : memref<80x64xf32, #tpu.memory_space<vmem>>) target(%dma_start3A_182 : memref<10240x64xf32, #tpu.memory_space<vmem_shared>>) offsets(%dma_start3A_179 : memref<80xi32, #tpu.memory_space<vmem>>) semaphore(%arg24 : memref<!tpu.dma_semaphore, #tpu.memory_space<semaphore_mem>>) {add = true}
      %add3A_183 = arith.constant 4 : i32
      %add3A_184 = arith.addi %add3A_166, %add3A_183 : i32
      %lt3A_185 = arith.constant 250 : i32
      %lt3A_186 = arith.cmpi slt, %add3A_184, %lt3A_185 : i32
      %convert_element_type3A_187 = arith.extui %lt3A_186 : i1 to i32
      %cond3A_188 = arith.constant 0 : i32
      %cond3A_189 = arith.cmpi ne, %convert_element_type3A_187, %cond3A_188 : i32
      scf.if %cond3A_189 {
        %sub3A = arith.constant 5 : i32
        %sub3A_217 = arith.subi %add3A_184, %sub3A : i32
        %ge3A = arith.constant 0 : i32
        %ge3A_218 = arith.cmpi sge, %sub3A_217, %ge3A : i32
        %convert_element_type3A_219 = arith.extui %ge3A_218 : i1 to i32
        %cond3A_220 = arith.constant 0 : i32
        %cond3A_221 = arith.cmpi ne, %convert_element_type3A_219, %cond3A_220 : i32
        scf.if %cond3A_221 {
          %sub3A_232 = arith.constant 5 : i32
          %sub3A_233 = arith.subi %add3A_184, %sub3A_232 : i32
          %dma_wait3A_234 = arith.constant 0 : i32
          %dma_wait3A_235 = tpu.memref_slice %arg9[%sub3A_233, %dma_wait3A_234] : memref<250x80xi32, #tpu.memory_space<vmem>> -> memref<1x80xi32, #tpu.memory_space<vmem>>
          %dma_wait3A_236 = tpu.memref_squeeze %dma_wait3A_235 : memref<1x80xi32, #tpu.memory_space<vmem>> -> memref<80xi32, #tpu.memory_space<vmem>>
          %dma_wait3A_237 = arith.constant 0 : i32
          %dma_wait3A_238 = arith.constant 0 : i32
          %dma_wait3A_239 = tpu.memref_slice %arg15[%dma_wait3A_237, %dma_wait3A_238] : memref<10240x64xf32, #tpu.memory_space<vmem_shared>> -> memref<10240x64xf32, #tpu.memory_space<vmem_shared>>
          tpu.wait_indirect_dma semaphore(%arg23 : memref<!tpu.dma_semaphore, #tpu.memory_space<semaphore_mem>>) src(%arg12 : memref<80x64xf32, #tpu.memory_space<vmem>>) dst(%dma_wait3A_239 : memref<10240x64xf32, #tpu.memory_space<vmem_shared>>)
        } else {
        }
        %eq3A_222 = arith.constant 0 : i32
        %eq3A_223 = arith.cmpi eq, %arg0, %eq3A_222 : i32
        %convert_element_type3A_224 = arith.extui %eq3A_223 : i1 to i32
        %cond3A_225 = arith.constant 0 : i32
        %cond3A_226 = arith.cmpi ne, %convert_element_type3A_224, %cond3A_225 : i32
        scf.if %cond3A_226 {
          %dma_start3A_232 = arith.constant 0 : i32
          %dma_start3A_233 = tpu.memref_slice %arg8[%add3A_184, %dma_start3A_232] : memref<250x80xi32, #tpu.memory_space<vmem>> -> memref<1x80xi32, #tpu.memory_space<vmem>>
          %dma_start3A_234 = tpu.memref_squeeze %dma_start3A_233 : memref<1x80xi32, #tpu.memory_space<vmem>> -> memref<80xi32, #tpu.memory_space<vmem>>
          %dma_start3A_235 = arith.constant 0 : i32
          %dma_start3A_236 = arith.constant 0 : i32
          %dma_start3A_237 = tpu.memref_slice %arg2[%dma_start3A_235, %dma_start3A_236] : memref<10000x64xf32, #tpu.memory_space<hbm>> -> memref<10000x64xf32, #tpu.memory_space<hbm>>
          tpu.enqueue_indirect_dma source(%dma_start3A_237 : memref<10000x64xf32, #tpu.memory_space<hbm>>) target(%arg12 : memref<80x64xf32, #tpu.memory_space<vmem>>) offsets(%dma_start3A_234 : memref<80xi32, #tpu.memory_space<vmem>>) semaphore(%arg18 : memref<!tpu.dma_semaphore, #tpu.memory_space<semaphore_mem>>)
        } else {
        }
        %eq3A_227 = arith.constant 1 : i32
        %eq3A_228 = arith.cmpi eq, %arg0, %eq3A_227 : i32
        %convert_element_type3A_229 = arith.extui %eq3A_228 : i1 to i32
        %cond3A_230 = arith.constant 0 : i32
        %cond3A_231 = arith.cmpi ne, %convert_element_type3A_229, %cond3A_230 : i32
        scf.if %cond3A_231 {
          %dma_start3A_232 = arith.constant 0 : i32
          %dma_start3A_233 = tpu.memref_slice %arg8[%add3A_184, %dma_start3A_232] : memref<250x80xi32, #tpu.memory_space<vmem>> -> memref<1x80xi32, #tpu.memory_space<vmem>>
          %dma_start3A_234 = tpu.memref_squeeze %dma_start3A_233 : memref<1x80xi32, #tpu.memory_space<vmem>> -> memref<80xi32, #tpu.memory_space<vmem>>
          %dma_start3A_235 = arith.constant 0 : i32
          %dma_start3A_236 = arith.constant 0 : i32
          %dma_start3A_237 = tpu.memref_slice %arg3[%dma_start3A_235, %dma_start3A_236] : memref<10000x64xf32, #tpu.memory_space<hbm>> -> memref<10000x64xf32, #tpu.memory_space<hbm>>
          tpu.enqueue_indirect_dma source(%dma_start3A_237 : memref<10000x64xf32, #tpu.memory_space<hbm>>) target(%arg12 : memref<80x64xf32, #tpu.memory_space<vmem>>) offsets(%dma_start3A_234 : memref<80xi32, #tpu.memory_space<vmem>>) semaphore(%arg18 : memref<!tpu.dma_semaphore, #tpu.memory_space<semaphore_mem>>)
        } else {
        }
      } else {
      }
      %mul3A_190 = arith.constant 5 : i32
      %mul3A_191 = arith.muli %scan3A_84, %mul3A_190 : i32
      %add3A_192 = arith.constant 4 : i32
      %add3A_193 = arith.addi %mul3A_191, %add3A_192 : i32
      %eq3A_194 = arith.constant 0 : i32
      %eq3A_195 = arith.cmpi eq, %arg0, %eq3A_194 : i32
      %convert_element_type3A_196 = arith.extui %eq3A_195 : i1 to i32
      %cond3A_197 = arith.constant 0 : i32
      %cond3A_198 = arith.cmpi ne, %convert_element_type3A_196, %cond3A_197 : i32
      scf.if %cond3A_198 {
        %dma_wait3A_217 = arith.constant 0 : i32
        %dma_wait3A_218 = tpu.memref_slice %arg8[%add3A_193, %dma_wait3A_217] : memref<250x80xi32, #tpu.memory_space<vmem>> -> memref<1x80xi32, #tpu.memory_space<vmem>>
        %dma_wait3A_219 = tpu.memref_squeeze %dma_wait3A_218 : memref<1x80xi32, #tpu.memory_space<vmem>> -> memref<80xi32, #tpu.memory_space<vmem>>
        %dma_wait3A_220 = arith.constant 0 : i32
        %dma_wait3A_221 = arith.constant 0 : i32
        %dma_wait3A_222 = tpu.memref_slice %arg2[%dma_wait3A_220, %dma_wait3A_221] : memref<10000x64xf32, #tpu.memory_space<hbm>> -> memref<10000x64xf32, #tpu.memory_space<hbm>>
        tpu.wait_indirect_dma semaphore(%arg20 : memref<!tpu.dma_semaphore, #tpu.memory_space<semaphore_mem>>) src(%dma_wait3A_222 : memref<10000x64xf32, #tpu.memory_space<hbm>>) dst(%arg14 : memref<80x64xf32, #tpu.memory_space<vmem>>)
      } else {
      }
      %eq3A_199 = arith.constant 1 : i32
      %eq3A_200 = arith.cmpi eq, %arg0, %eq3A_199 : i32
      %convert_element_type3A_201 = arith.extui %eq3A_200 : i1 to i32
      %cond3A_202 = arith.constant 0 : i32
      %cond3A_203 = arith.cmpi ne, %convert_element_type3A_201, %cond3A_202 : i32
      scf.if %cond3A_203 {
        %dma_wait3A_217 = arith.constant 0 : i32
        %dma_wait3A_218 = tpu.memref_slice %arg8[%add3A_193, %dma_wait3A_217] : memref<250x80xi32, #tpu.memory_space<vmem>> -> memref<1x80xi32, #tpu.memory_space<vmem>>
        %dma_wait3A_219 = tpu.memref_squeeze %dma_wait3A_218 : memref<1x80xi32, #tpu.memory_space<vmem>> -> memref<80xi32, #tpu.memory_space<vmem>>
        %dma_wait3A_220 = arith.constant 0 : i32
        %dma_wait3A_221 = arith.constant 0 : i32
        %dma_wait3A_222 = tpu.memref_slice %arg3[%dma_wait3A_220, %dma_wait3A_221] : memref<10000x64xf32, #tpu.memory_space<hbm>> -> memref<10000x64xf32, #tpu.memory_space<hbm>>
        tpu.wait_indirect_dma semaphore(%arg20 : memref<!tpu.dma_semaphore, #tpu.memory_space<semaphore_mem>>) src(%dma_wait3A_222 : memref<10000x64xf32, #tpu.memory_space<hbm>>) dst(%arg14 : memref<80x64xf32, #tpu.memory_space<vmem>>)
      } else {
      }
      %dma_start3A_204 = arith.constant 0 : i32
      %dma_start3A_205 = tpu.memref_slice %arg9[%add3A_193, %dma_start3A_204] : memref<250x80xi32, #tpu.memory_space<vmem>> -> memref<1x80xi32, #tpu.memory_space<vmem>>
      %dma_start3A_206 = tpu.memref_squeeze %dma_start3A_205 : memref<1x80xi32, #tpu.memory_space<vmem>> -> memref<80xi32, #tpu.memory_space<vmem>>
      %dma_start3A_207 = arith.constant 0 : i32
      %dma_start3A_208 = arith.constant 0 : i32
      %dma_start3A_209 = tpu.memref_slice %arg15[%dma_start3A_207, %dma_start3A_208] : memref<10240x64xf32, #tpu.memory_space<vmem_shared>> -> memref<10240x64xf32, #tpu.memory_space<vmem_shared>>
      tpu.enqueue_indirect_dma source(%arg14 : memref<80x64xf32, #tpu.memory_space<vmem>>) target(%dma_start3A_209 : memref<10240x64xf32, #tpu.memory_space<vmem_shared>>) offsets(%dma_start3A_206 : memref<80xi32, #tpu.memory_space<vmem>>) semaphore(%arg25 : memref<!tpu.dma_semaphore, #tpu.memory_space<semaphore_mem>>) {add = true}
      %add3A_210 = arith.constant 4 : i32
      %add3A_211 = arith.addi %add3A_193, %add3A_210 : i32
      %lt3A_212 = arith.constant 250 : i32
      %lt3A_213 = arith.cmpi slt, %add3A_211, %lt3A_212 : i32
      %convert_element_type3A_214 = arith.extui %lt3A_213 : i1 to i32
      %cond3A_215 = arith.constant 0 : i32
      %cond3A_216 = arith.cmpi ne, %convert_element_type3A_214, %cond3A_215 : i32
      scf.if %cond3A_216 {
        %sub3A = arith.constant 5 : i32
        %sub3A_217 = arith.subi %add3A_211, %sub3A : i32
        %ge3A = arith.constant 0 : i32
        %ge3A_218 = arith.cmpi sge, %sub3A_217, %ge3A : i32
        %convert_element_type3A_219 = arith.extui %ge3A_218 : i1 to i32
        %cond3A_220 = arith.constant 0 : i32
        %cond3A_221 = arith.cmpi ne, %convert_element_type3A_219, %cond3A_220 : i32
        scf.if %cond3A_221 {
          %sub3A_232 = arith.constant 5 : i32
          %sub3A_233 = arith.subi %add3A_211, %sub3A_232 : i32
          %dma_wait3A_234 = arith.constant 0 : i32
          %dma_wait3A_235 = tpu.memref_slice %arg9[%sub3A_233, %dma_wait3A_234] : memref<250x80xi32, #tpu.memory_space<vmem>> -> memref<1x80xi32, #tpu.memory_space<vmem>>
          %dma_wait3A_236 = tpu.memref_squeeze %dma_wait3A_235 : memref<1x80xi32, #tpu.memory_space<vmem>> -> memref<80xi32, #tpu.memory_space<vmem>>
          %dma_wait3A_237 = arith.constant 0 : i32
          %dma_wait3A_238 = arith.constant 0 : i32
          %dma_wait3A_239 = tpu.memref_slice %arg15[%dma_wait3A_237, %dma_wait3A_238] : memref<10240x64xf32, #tpu.memory_space<vmem_shared>> -> memref<10240x64xf32, #tpu.memory_space<vmem_shared>>
          tpu.wait_indirect_dma semaphore(%arg24 : memref<!tpu.dma_semaphore, #tpu.memory_space<semaphore_mem>>) src(%arg13 : memref<80x64xf32, #tpu.memory_space<vmem>>) dst(%dma_wait3A_239 : memref<10240x64xf32, #tpu.memory_space<vmem_shared>>)
        } else {
        }
        %eq3A_222 = arith.constant 0 : i32
        %eq3A_223 = arith.cmpi eq, %arg0, %eq3A_222 : i32
        %convert_element_type3A_224 = arith.extui %eq3A_223 : i1 to i32
        %cond3A_225 = arith.constant 0 : i32
        %cond3A_226 = arith.cmpi ne, %convert_element_type3A_224, %cond3A_225 : i32
        scf.if %cond3A_226 {
          %dma_start3A_232 = arith.constant 0 : i32
          %dma_start3A_233 = tpu.memref_slice %arg8[%add3A_211, %dma_start3A_232] : memref<250x80xi32, #tpu.memory_space<vmem>> -> memref<1x80xi32, #tpu.memory_space<vmem>>
          %dma_start3A_234 = tpu.memref_squeeze %dma_start3A_233 : memref<1x80xi32, #tpu.memory_space<vmem>> -> memref<80xi32, #tpu.memory_space<vmem>>
          %dma_start3A_235 = arith.constant 0 : i32
          %dma_start3A_236 = arith.constant 0 : i32
          %dma_start3A_237 = tpu.memref_slice %arg2[%dma_start3A_235, %dma_start3A_236] : memref<10000x64xf32, #tpu.memory_space<hbm>> -> memref<10000x64xf32, #tpu.memory_space<hbm>>
          tpu.enqueue_indirect_dma source(%dma_start3A_237 : memref<10000x64xf32, #tpu.memory_space<hbm>>) target(%arg13 : memref<80x64xf32, #tpu.memory_space<vmem>>) offsets(%dma_start3A_234 : memref<80xi32, #tpu.memory_space<vmem>>) semaphore(%arg19 : memref<!tpu.dma_semaphore, #tpu.memory_space<semaphore_mem>>)
        } else {
        }
        %eq3A_227 = arith.constant 1 : i32
        %eq3A_228 = arith.cmpi eq, %arg0, %eq3A_227 : i32
        %convert_element_type3A_229 = arith.extui %eq3A_228 : i1 to i32
        %cond3A_230 = arith.constant 0 : i32
        %cond3A_231 = arith.cmpi ne, %convert_element_type3A_229, %cond3A_230 : i32
        scf.if %cond3A_231 {
          %dma_start3A_232 = arith.constant 0 : i32
          %dma_start3A_233 = tpu.memref_slice %arg8[%add3A_211, %dma_start3A_232] : memref<250x80xi32, #tpu.memory_space<vmem>> -> memref<1x80xi32, #tpu.memory_space<vmem>>
          %dma_start3A_234 = tpu.memref_squeeze %dma_start3A_233 : memref<1x80xi32, #tpu.memory_space<vmem>> -> memref<80xi32, #tpu.memory_space<vmem>>
          %dma_start3A_235 = arith.constant 0 : i32
          %dma_start3A_236 = arith.constant 0 : i32
          %dma_start3A_237 = tpu.memref_slice %arg3[%dma_start3A_235, %dma_start3A_236] : memref<10000x64xf32, #tpu.memory_space<hbm>> -> memref<10000x64xf32, #tpu.memory_space<hbm>>
          tpu.enqueue_indirect_dma source(%dma_start3A_237 : memref<10000x64xf32, #tpu.memory_space<hbm>>) target(%arg13 : memref<80x64xf32, #tpu.memory_space<vmem>>) offsets(%dma_start3A_234 : memref<80xi32, #tpu.memory_space<vmem>>) semaphore(%arg19 : memref<!tpu.dma_semaphore, #tpu.memory_space<semaphore_mem>>)
        } else {
        }
      } else {
      }
    }
    %scan3A_44 = arith.constant 50 : i32
    %dma_wait3A = arith.constant 245 : i32
    %dma_wait3A_45 = arith.constant 0 : i32
    %dma_wait3A_46 = tpu.memref_slice %arg9[%dma_wait3A, %dma_wait3A_45] : memref<250x80xi32, #tpu.memory_space<vmem>> -> memref<1x80xi32, #tpu.memory_space<vmem>>
    %dma_wait3A_47 = tpu.memref_squeeze %dma_wait3A_46 : memref<1x80xi32, #tpu.memory_space<vmem>> -> memref<80xi32, #tpu.memory_space<vmem>>
    %dma_wait3A_48 = arith.constant 0 : i32
    %dma_wait3A_49 = arith.constant 0 : i32
    %dma_wait3A_50 = tpu.memref_slice %arg15[%dma_wait3A_48, %dma_wait3A_49] : memref<10240x64xf32, #tpu.memory_space<vmem_shared>> -> memref<10240x64xf32, #tpu.memory_space<vmem_shared>>
    tpu.wait_indirect_dma semaphore(%arg21 : memref<!tpu.dma_semaphore, #tpu.memory_space<semaphore_mem>>) src(%arg10 : memref<80x64xf32, #tpu.memory_space<vmem>>) dst(%dma_wait3A_50 : memref<10240x64xf32, #tpu.memory_space<vmem_shared>>)
    %dma_wait3A_51 = arith.constant 246 : i32
    %dma_wait3A_52 = arith.constant 0 : i32
    %dma_wait3A_53 = tpu.memref_slice %arg9[%dma_wait3A_51, %dma_wait3A_52] : memref<250x80xi32, #tpu.memory_space<vmem>> -> memref<1x80xi32, #tpu.memory_space<vmem>>
    %dma_wait3A_54 = tpu.memref_squeeze %dma_wait3A_53 : memref<1x80xi32, #tpu.memory_space<vmem>> -> memref<80xi32, #tpu.memory_space<vmem>>
    %dma_wait3A_55 = arith.constant 0 : i32
    %dma_wait3A_56 = arith.constant 0 : i32
    %dma_wait3A_57 = tpu.memref_slice %arg15[%dma_wait3A_55, %dma_wait3A_56] : memref<10240x64xf32, #tpu.memory_space<vmem_shared>> -> memref<10240x64xf32, #tpu.memory_space<vmem_shared>>
    tpu.wait_indirect_dma semaphore(%arg22 : memref<!tpu.dma_semaphore, #tpu.memory_space<semaphore_mem>>) src(%arg11 : memref<80x64xf32, #tpu.memory_space<vmem>>) dst(%dma_wait3A_57 : memref<10240x64xf32, #tpu.memory_space<vmem_shared>>)
    %dma_wait3A_58 = arith.constant 247 : i32
    %dma_wait3A_59 = arith.constant 0 : i32
    %dma_wait3A_60 = tpu.memref_slice %arg9[%dma_wait3A_58, %dma_wait3A_59] : memref<250x80xi32, #tpu.memory_space<vmem>> -> memref<1x80xi32, #tpu.memory_space<vmem>>
    %dma_wait3A_61 = tpu.memref_squeeze %dma_wait3A_60 : memref<1x80xi32, #tpu.memory_space<vmem>> -> memref<80xi32, #tpu.memory_space<vmem>>
    %dma_wait3A_62 = arith.constant 0 : i32
    %dma_wait3A_63 = arith.constant 0 : i32
    %dma_wait3A_64 = tpu.memref_slice %arg15[%dma_wait3A_62, %dma_wait3A_63] : memref<10240x64xf32, #tpu.memory_space<vmem_shared>> -> memref<10240x64xf32, #tpu.memory_space<vmem_shared>>
    tpu.wait_indirect_dma semaphore(%arg23 : memref<!tpu.dma_semaphore, #tpu.memory_space<semaphore_mem>>) src(%arg12 : memref<80x64xf32, #tpu.memory_space<vmem>>) dst(%dma_wait3A_64 : memref<10240x64xf32, #tpu.memory_space<vmem_shared>>)
    %dma_wait3A_65 = arith.constant 248 : i32
    %dma_wait3A_66 = arith.constant 0 : i32
    %dma_wait3A_67 = tpu.memref_slice %arg9[%dma_wait3A_65, %dma_wait3A_66] : memref<250x80xi32, #tpu.memory_space<vmem>> -> memref<1x80xi32, #tpu.memory_space<vmem>>
    %dma_wait3A_68 = tpu.memref_squeeze %dma_wait3A_67 : memref<1x80xi32, #tpu.memory_space<vmem>> -> memref<80xi32, #tpu.memory_space<vmem>>
    %dma_wait3A_69 = arith.constant 0 : i32
    %dma_wait3A_70 = arith.constant 0 : i32
    %dma_wait3A_71 = tpu.memref_slice %arg15[%dma_wait3A_69, %dma_wait3A_70] : memref<10240x64xf32, #tpu.memory_space<vmem_shared>> -> memref<10240x64xf32, #tpu.memory_space<vmem_shared>>
    tpu.wait_indirect_dma semaphore(%arg24 : memref<!tpu.dma_semaphore, #tpu.memory_space<semaphore_mem>>) src(%arg13 : memref<80x64xf32, #tpu.memory_space<vmem>>) dst(%dma_wait3A_71 : memref<10240x64xf32, #tpu.memory_space<vmem_shared>>)
    %dma_wait3A_72 = arith.constant 249 : i32
    %dma_wait3A_73 = arith.constant 0 : i32
    %dma_wait3A_74 = tpu.memref_slice %arg9[%dma_wait3A_72, %dma_wait3A_73] : memref<250x80xi32, #tpu.memory_space<vmem>> -> memref<1x80xi32, #tpu.memory_space<vmem>>
    %dma_wait3A_75 = tpu.memref_squeeze %dma_wait3A_74 : memref<1x80xi32, #tpu.memory_space<vmem>> -> memref<80xi32, #tpu.memory_space<vmem>>
    %dma_wait3A_76 = arith.constant 0 : i32
    %dma_wait3A_77 = arith.constant 0 : i32
    %dma_wait3A_78 = tpu.memref_slice %arg15[%dma_wait3A_76, %dma_wait3A_77] : memref<10240x64xf32, #tpu.memory_space<vmem_shared>> -> memref<10240x64xf32, #tpu.memory_space<vmem_shared>>
    tpu.wait_indirect_dma semaphore(%arg25 : memref<!tpu.dma_semaphore, #tpu.memory_space<semaphore_mem>>) src(%arg14 : memref<80x64xf32, #tpu.memory_space<vmem>>) dst(%dma_wait3A_78 : memref<10240x64xf32, #tpu.memory_space<vmem_shared>>)
    %barrier3A_79 = arith.constant 0 : index
    tpu.barrier barrier_id(%barrier3A_79)
    %mul3A_80 = arith.constant 640 : i32
    %mul3A_81 = arith.muli %arg1, %mul3A_80 : i32
    %mul3A_82 = arith.constant 640 : i32
    %mul3A_83 = arith.muli %arg1, %mul3A_82 : i32
    "tpu.region"() ({
      %run_scoped3A = tpu.sem_alloc : memref<!tpu.dma_semaphore, #tpu.memory_space<semaphore_mem>>
      %dma_start3A = arith.constant 0 : i32
      %dma_start3A_84 = tpu.memref_slice %arg7[%arg0, %mul3A_83, %dma_start3A] : memref<2x10240x64xf32, #tpu.memory_space<hbm>> -> memref<1x640x64xf32, #tpu.memory_space<hbm>>
      %dma_start3A_85 = tpu.memref_squeeze %dma_start3A_84 : memref<1x640x64xf32, #tpu.memory_space<hbm>> -> memref<640x64xf32, #tpu.memory_space<hbm>>
      %dma_start3A_86 = arith.constant 0 : i32
      %dma_start3A_87 = tpu.memref_slice %arg15[%mul3A_81, %dma_start3A_86] : memref<10240x64xf32, #tpu.memory_space<vmem_shared>> -> memref<640x64xf32, #tpu.memory_space<vmem_shared>>
      tpu.enqueue_dma source(%dma_start3A_87 : memref<640x64xf32, #tpu.memory_space<vmem_shared>>) target(%dma_start3A_85 : memref<640x64xf32, #tpu.memory_space<hbm>>) target_semaphore(%run_scoped3A : memref<!tpu.dma_semaphore, #tpu.memory_space<semaphore_mem>>)
      %dma_wait3A_88 = arith.constant 0 : i32
      %dma_wait3A_89 = tpu.memref_slice %arg7[%arg0, %mul3A_83, %dma_wait3A_88] : memref<2x10240x64xf32, #tpu.memory_space<hbm>> -> memref<1x640x64xf32, #tpu.memory_space<hbm>>
      %dma_wait3A_90 = tpu.memref_squeeze %dma_wait3A_89 : memref<1x640x64xf32, #tpu.memory_space<hbm>> -> memref<640x64xf32, #tpu.memory_space<hbm>>
      %dma_wait3A_91 = arith.constant 0 : i32
      %dma_wait3A_92 = tpu.memref_slice %arg15[%mul3A_81, %dma_wait3A_91] : memref<10240x64xf32, #tpu.memory_space<vmem_shared>> -> memref<640x64xf32, #tpu.memory_space<vmem_shared>>
      tpu.wait_dma2 semaphore(%run_scoped3A : memref<!tpu.dma_semaphore, #tpu.memory_space<semaphore_mem>>) src(%dma_wait3A_92 : memref<640x64xf32, #tpu.memory_space<vmem_shared>>) dst(%dma_wait3A_90 : memref<640x64xf32, #tpu.memory_space<hbm>>)
      tpu.yield
    }) : () -> ()
    return
  }
}

module attributes {stable_mosaic.version = 14 : i64} {
  func.func @_lin1_body(%arg0: i32, %arg1: memref<1000x128xf32, #tpu.memory_space<vmem>>, %arg2: memref<2x1000x16xf32, #tpu.memory_space<vmem>>, %arg3: memref<128x128xf32, #tpu.memory_space<vmem>>, %arg4: memref<1000x64xf32, #tpu.memory_space<vmem>>, %arg5: memref<1000x64xf32, #tpu.memory_space<vmem>>, %arg6: memref<1000x1xf32, #tpu.memory_space<vmem>>) attributes {dimension_semantics = [#tpu.dimension_semantics<arbitrary>], iteration_bounds = array<i64: 10>, scalar_prefetch = 0 : i64, scratch_operands = 0 : i64, tpu.core_type = #tpu.core_type<tc>, window_params = [{transform_indices = @transform_0, window_bounds = array<i64: 1000, 128>}, {transform_indices = @transform_1, window_bounds = array<i64: 2, 1000, 16>}, {pipeline_mode = #tpu.pipeline_mode<synchronous>, transform_indices = @transform_2, window_bounds = array<i64: 128, 128>}, {transform_indices = @transform_3, window_bounds = array<i64: 1000, 64>}, {transform_indices = @transform_4, window_bounds = array<i64: 1000, 64>}, {transform_indices = @transform_5, window_bounds = array<i64: 1000, 1>}]} {
    %get3A = arith.constant 0 : index
    %get3A_0 = arith.constant 0 : index
    %get3A_1 = arith.constant 0 : index
    %get3A_2 = vector.load %arg2[%get3A, %get3A_0, %get3A_1] : memref<2x1000x16xf32, #tpu.memory_space<vmem>>, vector<1x1000x1xf32>
    %get3A_3 = vector.shape_cast %get3A_2 : vector<1x1000x1xf32> to vector<1000x1xf32>
    %get3A_4 = arith.constant 1 : index
    %get3A_5 = arith.constant 0 : index
    %get3A_6 = arith.constant 0 : index
    %get3A_7 = vector.load %arg2[%get3A_4, %get3A_5, %get3A_6] : memref<2x1000x16xf32, #tpu.memory_space<vmem>>, vector<1x1000x1xf32>
    %get3A_8 = vector.shape_cast %get3A_7 : vector<1x1000x1xf32> to vector<1000x1xf32>
    %add3A = arith.addf %get3A_3, %get3A_8 : vector<1000x1xf32>
    %add3A_9 = arith.constant 1.000000e+00 : f32
    %add3A_10 = vector.broadcast %add3A_9 : f32 to vector<1000x1xf32>
    %add3A_11 = arith.addf %add3A, %add3A_10 : vector<1000x1xf32>
    %rsqrt3A = math.rsqrt %add3A_11 : vector<1000x1xf32>
    %get3A_12 = arith.constant 0 : index
    %get3A_13 = arith.constant 0 : index
    %get3A_14 = vector.load %arg1[%get3A_12, %get3A_13] : memref<1000x128xf32, #tpu.memory_space<vmem>>, vector<1000x128xf32>
    %get3A_15 = arith.constant 0 : index
    %get3A_16 = arith.constant 0 : index
    %get3A_17 = vector.load %arg3[%get3A_15, %get3A_16] : memref<128x128xf32, #tpu.memory_space<vmem>>, vector<128x128xf32>
    %dot_general3A = arith.constant dense<0.000000e+00> : vector<1000x128xf32>
    %dot_general3A_18 = tpu.matmul %get3A_14, %get3A_17, %dot_general3A {dimension_numbers = #tpu.dot_dimension_numbers<[1], [0], [0], [1], [0, 0, 1, 1], [], []>, transpose_lhs_hint = false} : vector<1000x128xf32>, vector<128x128xf32>, vector<1000x128xf32> -> vector<1000x128xf32>
    %mul3A = vector.broadcast %rsqrt3A : vector<1000x1xf32> to vector<1000x128xf32>
    %mul3A_19 = arith.mulf %dot_general3A_18, %mul3A : vector<1000x128xf32>
    %slice3A = vector.extract_strided_slice %mul3A_19 {offsets = [0, 0], sizes = [1000, 64], strides = [1, 1]} : vector<1000x128xf32> to vector<1000x64xf32>
    %swap3A = arith.constant 0 : index
    %swap3A_20 = arith.constant 0 : index
    %swap3A_21 = vector.load %arg4[%swap3A, %swap3A_20] : memref<1000x64xf32, #tpu.memory_space<vmem>>, vector<1000x64xf32>
    tpu.vector_store %arg4[%swap3A, %swap3A_20], %slice3A {strides = array<i32>} : memref<1000x64xf32, #tpu.memory_space<vmem>>, vector<1000x64xf32>,
    %slice3A_22 = vector.extract_strided_slice %mul3A_19 {offsets = [0, 64], sizes = [1000, 64], strides = [1, 1]} : vector<1000x128xf32> to vector<1000x64xf32>
    %swap3A_23 = arith.constant 0 : index
    %swap3A_24 = arith.constant 0 : index
    %swap3A_25 = vector.load %arg5[%swap3A_23, %swap3A_24] : memref<1000x64xf32, #tpu.memory_space<vmem>>, vector<1000x64xf32>
    tpu.vector_store %arg5[%swap3A_23, %swap3A_24], %slice3A_22 {strides = array<i32>} : memref<1000x64xf32, #tpu.memory_space<vmem>>, vector<1000x64xf32>,
    %swap3A_26 = arith.constant 0 : index
    %swap3A_27 = arith.constant 0 : index
    %swap3A_28 = vector.load %arg6[%swap3A_26, %swap3A_27] : memref<1000x1xf32, #tpu.memory_space<vmem>>, vector<1000x1xf32>
    tpu.vector_store %arg6[%swap3A_26, %swap3A_27], %rsqrt3A {strides = array<i32>} : memref<1000x1xf32, #tpu.memory_space<vmem>>, vector<1000x1xf32>,
    return
  }
  func.func @transform_0(%arg0: i32) -> (i32, i32) {
    %c0_i32 = arith.constant 0 : i32
    %c0_i32_0 = arith.constant 0 : i32
    return %arg0, %c0_i32 : i32, i32
  }
  func.func @transform_1(%arg0: i32) -> (i32, i32, i32) {
    %c0_i32 = arith.constant 0 : i32
    %c0_i32_0 = arith.constant 0 : i32
    %c0_i32_1 = arith.constant 0 : i32
    return %c0_i32, %arg0, %c0_i32_0 : i32, i32, i32
  }
  func.func @transform_2(%arg0: i32) -> (i32, i32) {
    %c0_i32 = arith.constant 0 : i32
    %c0_i32_0 = arith.constant 0 : i32
    %c0_i32_1 = arith.constant 0 : i32
    return %c0_i32, %c0_i32_0 : i32, i32
  }
  func.func @transform_3(%arg0: i32) -> (i32, i32) {
    %c0_i32 = arith.constant 0 : i32
    %c0_i32_0 = arith.constant 0 : i32
    return %arg0, %c0_i32 : i32, i32
  }
  func.func @transform_4(%arg0: i32) -> (i32, i32) {
    %c0_i32 = arith.constant 0 : i32
    %c0_i32_0 = arith.constant 0 : i32
    return %arg0, %c0_i32 : i32, i32
  }
  func.func @transform_5(%arg0: i32) -> (i32, i32) {
    %c0_i32 = arith.constant 0 : i32
    %c0_i32_0 = arith.constant 0 : i32
    return %arg0, %c0_i32 : i32, i32
  }
}

module attributes {stable_mosaic.version = 14 : i64} {
  func.func @_lin2_body(%arg0: i32, %arg1: memref<2x1000x64xf32, #tpu.memory_space<vmem>>, %arg2: memref<1000x64xf32, #tpu.memory_space<vmem>>, %arg3: memref<1000x64xf32, #tpu.memory_space<vmem>>, %arg4: memref<1000x1xf32, #tpu.memory_space<vmem>>, %arg5: memref<128x64xf32, #tpu.memory_space<vmem>>, %arg6: memref<1x128xf32, #tpu.memory_space<vmem>>, %arg7: memref<1000x32xf32, #tpu.memory_space<vmem>>, %arg8: memref<1000x32xf32, #tpu.memory_space<vmem>>) attributes {dimension_semantics = [#tpu.dimension_semantics<arbitrary>], iteration_bounds = array<i64: 10>, scalar_prefetch = 0 : i64, scratch_operands = 0 : i64, tpu.core_type = #tpu.core_type<tc>, window_params = [{transform_indices = @transform_0, window_bounds = array<i64: 2, 1000, 64>}, {transform_indices = @transform_1, window_bounds = array<i64: 1000, 64>}, {transform_indices = @transform_2, window_bounds = array<i64: 1000, 64>}, {transform_indices = @transform_3, window_bounds = array<i64: 1000, 1>}, {pipeline_mode = #tpu.pipeline_mode<synchronous>, transform_indices = @transform_4, window_bounds = array<i64: 128, 64>}, {pipeline_mode = #tpu.pipeline_mode<synchronous>, transform_indices = @transform_5, window_bounds = array<i64: 1, 128>}, {transform_indices = @transform_6, window_bounds = array<i64: 1000, 32>}, {transform_indices = @transform_7, window_bounds = array<i64: 1000, 32>}]} {
    %get3A = arith.constant 0 : index
    %get3A_0 = arith.constant 0 : index
    %get3A_1 = vector.load %arg4[%get3A, %get3A_0] : memref<1000x1xf32, #tpu.memory_space<vmem>>, vector<1000x1xf32>
    %get3A_2 = arith.constant 0 : index
    %get3A_3 = arith.constant 0 : index
    %get3A_4 = vector.load %arg2[%get3A_2, %get3A_3] : memref<1000x64xf32, #tpu.memory_space<vmem>>, vector<1000x64xf32>
    %get3A_5 = arith.constant 0 : index
    %get3A_6 = arith.constant 0 : index
    %get3A_7 = vector.load %arg3[%get3A_5, %get3A_6] : memref<1000x64xf32, #tpu.memory_space<vmem>>, vector<1000x64xf32>
    %concatenate3A = tpu.concatenate %get3A_4, %get3A_7 in 1 : vector<1000x64xf32>, vector<1000x64xf32> -> vector<1000x128xf32>
    %get3A_8 = arith.constant 0 : index
    %get3A_9 = arith.constant 0 : index
    %get3A_10 = arith.constant 0 : index
    %get3A_11 = vector.load %arg1[%get3A_8, %get3A_9, %get3A_10] : memref<2x1000x64xf32, #tpu.memory_space<vmem>>, vector<1x1000x64xf32>
    %get3A_12 = vector.shape_cast %get3A_11 : vector<1x1000x64xf32> to vector<1000x64xf32>
    %get3A_13 = arith.constant 1 : index
    %get3A_14 = arith.constant 0 : index
    %get3A_15 = arith.constant 0 : index
    %get3A_16 = vector.load %arg1[%get3A_13, %get3A_14, %get3A_15] : memref<2x1000x64xf32, #tpu.memory_space<vmem>>, vector<1x1000x64xf32>
    %get3A_17 = vector.shape_cast %get3A_16 : vector<1x1000x64xf32> to vector<1000x64xf32>
    %concatenate3A_18 = tpu.concatenate %get3A_12, %get3A_17 in 1 : vector<1000x64xf32>, vector<1000x64xf32> -> vector<1000x128xf32>
    %add3A = arith.addf %concatenate3A_18, %concatenate3A : vector<1000x128xf32>
    %mul3A = vector.broadcast %get3A_1 : vector<1000x1xf32> to vector<1000x128xf32>
    %mul3A_19 = arith.mulf %add3A, %mul3A : vector<1000x128xf32>
    %get3A_20 = arith.constant 0 : index
    %get3A_21 = arith.constant 0 : index
    %get3A_22 = vector.load %arg6[%get3A_20, %get3A_21] : memref<1x128xf32, #tpu.memory_space<vmem>>, vector<1x128xf32>
    %add3A_23 = vector.broadcast %get3A_22 : vector<1x128xf32> to vector<1000x128xf32>
    %add3A_24 = arith.addf %mul3A_19, %add3A_23 : vector<1000x128xf32>
    %max3A = arith.constant 0.000000e+00 : f32
    %max3A_25 = vector.broadcast %max3A : f32 to vector<1000x128xf32>
    %max3A_26 = arith.maximumf %add3A_24, %max3A_25 : vector<1000x128xf32>
    %get3A_27 = arith.constant 0 : index
    %get3A_28 = arith.constant 0 : index
    %get3A_29 = vector.load %arg5[%get3A_27, %get3A_28] : memref<128x64xf32, #tpu.memory_space<vmem>>, vector<128x64xf32>
    %dot_general3A = arith.constant dense<0.000000e+00> : vector<1000x64xf32>
    %dot_general3A_30 = tpu.matmul %max3A_26, %get3A_29, %dot_general3A {dimension_numbers = #tpu.dot_dimension_numbers<[1], [0], [0], [1], [0, 0, 1, 1], [], []>, transpose_lhs_hint = false} : vector<1000x128xf32>, vector<128x64xf32>, vector<1000x64xf32> -> vector<1000x64xf32>
    %mul3A_31 = vector.broadcast %get3A_1 : vector<1000x1xf32> to vector<1000x64xf32>
    %mul3A_32 = arith.mulf %dot_general3A_30, %mul3A_31 : vector<1000x64xf32>
    %slice3A = vector.extract_strided_slice %mul3A_32 {offsets = [0, 0], sizes = [1000, 32], strides = [1, 1]} : vector<1000x64xf32> to vector<1000x32xf32>
    %swap3A = arith.constant 0 : index
    %swap3A_33 = arith.constant 0 : index
    %swap3A_34 = vector.load %arg7[%swap3A, %swap3A_33] : memref<1000x32xf32, #tpu.memory_space<vmem>>, vector<1000x32xf32>
    tpu.vector_store %arg7[%swap3A, %swap3A_33], %slice3A {strides = array<i32>} : memref<1000x32xf32, #tpu.memory_space<vmem>>, vector<1000x32xf32>,
    %slice3A_35 = vector.extract_strided_slice %mul3A_32 {offsets = [0, 32], sizes = [1000, 32], strides = [1, 1]} : vector<1000x64xf32> to vector<1000x32xf32>
    %swap3A_36 = arith.constant 0 : index
    %swap3A_37 = arith.constant 0 : index
    %swap3A_38 = vector.load %arg8[%swap3A_36, %swap3A_37] : memref<1000x32xf32, #tpu.memory_space<vmem>>, vector<1000x32xf32>
    tpu.vector_store %arg8[%swap3A_36, %swap3A_37], %slice3A_35 {strides = array<i32>} : memref<1000x32xf32, #tpu.memory_space<vmem>>, vector<1000x32xf32>,
    return
  }
  func.func @transform_0(%arg0: i32) -> (i32, i32, i32) {
    %c0_i32 = arith.constant 0 : i32
    %c0_i32_0 = arith.constant 0 : i32
    %c0_i32_1 = arith.constant 0 : i32
    return %c0_i32, %arg0, %c0_i32_0 : i32, i32, i32
  }
  func.func @transform_1(%arg0: i32) -> (i32, i32) {
    %c0_i32 = arith.constant 0 : i32
    %c0_i32_0 = arith.constant 0 : i32
    return %arg0, %c0_i32 : i32, i32
  }
  func.func @transform_2(%arg0: i32) -> (i32, i32) {
    %c0_i32 = arith.constant 0 : i32
    %c0_i32_0 = arith.constant 0 : i32
    return %arg0, %c0_i32 : i32, i32
  }
  func.func @transform_3(%arg0: i32) -> (i32, i32) {
    %c0_i32 = arith.constant 0 : i32
    %c0_i32_0 = arith.constant 0 : i32
    return %arg0, %c0_i32 : i32, i32
  }
  func.func @transform_4(%arg0: i32) -> (i32, i32) {
    %c0_i32 = arith.constant 0 : i32
    %c0_i32_0 = arith.constant 0 : i32
    %c0_i32_1 = arith.constant 0 : i32
    return %c0_i32, %c0_i32_0 : i32, i32
  }
  func.func @transform_5(%arg0: i32) -> (i32, i32) {
    %c0_i32 = arith.constant 0 : i32
    %c0_i32_0 = arith.constant 0 : i32
    %c0_i32_1 = arith.constant 0 : i32
    return %c0_i32, %c0_i32_0 : i32, i32
  }
  func.func @transform_6(%arg0: i32) -> (i32, i32) {
    %c0_i32 = arith.constant 0 : i32
    %c0_i32_0 = arith.constant 0 : i32
    return %arg0, %c0_i32 : i32, i32
  }
  func.func @transform_7(%arg0: i32) -> (i32, i32) {
    %c0_i32 = arith.constant 0 : i32
    %c0_i32_0 = arith.constant 0 : i32
    return %arg0, %c0_i32 : i32, i32
  }
}

module attributes {stable_mosaic.version = 14 : i64} {
  func.func @_final_body(%arg0: i32, %arg1: memref<2x1000x32xf32, #tpu.memory_space<vmem>>, %arg2: memref<1000x32xf32, #tpu.memory_space<vmem>>, %arg3: memref<1000x32xf32, #tpu.memory_space<vmem>>, %arg4: memref<1000x1xf32, #tpu.memory_space<vmem>>, %arg5: memref<1x64xf32, #tpu.memory_space<vmem>>, %arg6: memref<1000x64xf32, #tpu.memory_space<vmem>>) attributes {dimension_semantics = [#tpu.dimension_semantics<arbitrary>], iteration_bounds = array<i64: 10>, scalar_prefetch = 0 : i64, scratch_operands = 0 : i64, tpu.core_type = #tpu.core_type<tc>, window_params = [{transform_indices = @transform_0, window_bounds = array<i64: 2, 1000, 32>}, {transform_indices = @transform_1, window_bounds = array<i64: 1000, 32>}, {transform_indices = @transform_2, window_bounds = array<i64: 1000, 32>}, {transform_indices = @transform_3, window_bounds = array<i64: 1000, 1>}, {pipeline_mode = #tpu.pipeline_mode<synchronous>, transform_indices = @transform_4, window_bounds = array<i64: 1, 64>}, {transform_indices = @transform_5, window_bounds = array<i64: 1000, 64>}]} {
    %get3A = arith.constant 0 : index
    %get3A_0 = arith.constant 0 : index
    %get3A_1 = vector.load %arg2[%get3A, %get3A_0] : memref<1000x32xf32, #tpu.memory_space<vmem>>, vector<1000x32xf32>
    %get3A_2 = arith.constant 0 : index
    %get3A_3 = arith.constant 0 : index
    %get3A_4 = vector.load %arg3[%get3A_2, %get3A_3] : memref<1000x32xf32, #tpu.memory_space<vmem>>, vector<1000x32xf32>
    %concatenate3A = tpu.concatenate %get3A_1, %get3A_4 in 1 : vector<1000x32xf32>, vector<1000x32xf32> -> vector<1000x64xf32>
    %get3A_5 = arith.constant 0 : index
    %get3A_6 = arith.constant 0 : index
    %get3A_7 = arith.constant 0 : index
    %get3A_8 = vector.load %arg1[%get3A_5, %get3A_6, %get3A_7] : memref<2x1000x32xf32, #tpu.memory_space<vmem>>, vector<1x1000x32xf32>
    %get3A_9 = vector.shape_cast %get3A_8 : vector<1x1000x32xf32> to vector<1000x32xf32>
    %get3A_10 = arith.constant 1 : index
    %get3A_11 = arith.constant 0 : index
    %get3A_12 = arith.constant 0 : index
    %get3A_13 = vector.load %arg1[%get3A_10, %get3A_11, %get3A_12] : memref<2x1000x32xf32, #tpu.memory_space<vmem>>, vector<1x1000x32xf32>
    %get3A_14 = vector.shape_cast %get3A_13 : vector<1x1000x32xf32> to vector<1000x32xf32>
    %concatenate3A_15 = tpu.concatenate %get3A_9, %get3A_14 in 1 : vector<1000x32xf32>, vector<1000x32xf32> -> vector<1000x64xf32>
    %add3A = arith.addf %concatenate3A_15, %concatenate3A : vector<1000x64xf32>
    %get3A_16 = arith.constant 0 : index
    %get3A_17 = arith.constant 0 : index
    %get3A_18 = vector.load %arg4[%get3A_16, %get3A_17] : memref<1000x1xf32, #tpu.memory_space<vmem>>, vector<1000x1xf32>
    %mul3A = vector.broadcast %get3A_18 : vector<1000x1xf32> to vector<1000x64xf32>
    %mul3A_19 = arith.mulf %add3A, %mul3A : vector<1000x64xf32>
    %get3A_20 = arith.constant 0 : index
    %get3A_21 = arith.constant 0 : index
    %get3A_22 = vector.load %arg5[%get3A_20, %get3A_21] : memref<1x64xf32, #tpu.memory_space<vmem>>, vector<1x64xf32>
    %add3A_23 = vector.broadcast %get3A_22 : vector<1x64xf32> to vector<1000x64xf32>
    %add3A_24 = arith.addf %mul3A_19, %add3A_23 : vector<1000x64xf32>
    %swap3A = arith.constant 0 : index
    %swap3A_25 = arith.constant 0 : index
    %swap3A_26 = vector.load %arg6[%swap3A, %swap3A_25] : memref<1000x64xf32, #tpu.memory_space<vmem>>, vector<1000x64xf32>
    tpu.vector_store %arg6[%swap3A, %swap3A_25], %add3A_24 {strides = array<i32>} : memref<1000x64xf32, #tpu.memory_space<vmem>>, vector<1000x64xf32>,
    return
  }
  func.func @transform_0(%arg0: i32) -> (i32, i32, i32) {
    %c0_i32 = arith.constant 0 : i32
    %c0_i32_0 = arith.constant 0 : i32
    %c0_i32_1 = arith.constant 0 : i32
    return %c0_i32, %arg0, %c0_i32_0 : i32, i32, i32
  }
  func.func @transform_1(%arg0: i32) -> (i32, i32) {
    %c0_i32 = arith.constant 0 : i32
    %c0_i32_0 = arith.constant 0 : i32
    return %arg0, %c0_i32 : i32, i32
  }
  func.func @transform_2(%arg0: i32) -> (i32, i32) {
    %c0_i32 = arith.constant 0 : i32
    %c0_i32_0 = arith.constant 0 : i32
    return %arg0, %c0_i32 : i32, i32
  }
  func.func @transform_3(%arg0: i32) -> (i32, i32) {
    %c0_i32 = arith.constant 0 : i32
    %c0_i32_0 = arith.constant 0 : i32
    return %arg0, %c0_i32 : i32, i32
  }
  func.func @transform_4(%arg0: i32) -> (i32, i32) {
    %c0_i32 = arith.constant 0 : i32
    %c0_i32_0 = arith.constant 0 : i32
    %c0_i32_1 = arith.constant 0 : i32
    return %c0_i32, %c0_i32_0 : i32, i32
  }
  func.func @transform_5(%arg0: i32) -> (i32, i32) {
    %c0_i32 = arith.constant 0 : i32
    %c0_i32_0 = arith.constant 0 : i32
    return %arg0, %c0_i32 : i32, i32
  }
}

</mosaic_0001>

<sc_bundles>
// kernel: kernel.11.cloned.1.call-start
scs
__scs_entry_jumppad:
0x0: {  	(pc) =	sbr.rel $0x88, $3  }
0x1: {  	(tag) =	ssettag $0x0;
	lr =	simm.s32 $0x1  }
0x2: {  	[smem:$0x3F9B] =	sst lr;
	_ =	strace $0xD0000000  }
0x3: {  	_ = 	snop  }
0x4: {  	_ = 	snop  }
0x5: {  	_ = 	snop  }
0x6: {  	_ = 	snop  }
0x7: {  	_ = 	snop  }
__scs_overlays_trampoline_lowered:
0x8: {  	[smem:$0x3FAA] =	sst s0  }
0x9: {  	[smem:$0x3FAB] =	sst s1  }
0xa: {  	[smem:$0x3FAC] =	sst s2  }
0xb: {  	[smem:$0x3FAD] =	sst s3  }
0xc: {  	[smem:$0x3FAE] =	sst s4  }
0xd: {  	[smem:$0x3FAF] =	sst s5  }
0xe: {  	[smem:$0x3FB0] =	sst s6  }
0xf: {  	[smem:$0x3FB1] =	sst s7  }
0x10: {  	[smem:$0x3FB2] =	sst s8  }
0x11: {  	[smem:$0x3FB3] =	sst s9;
	s0 =	simm.s32 @!p0 $0x0  }
0x12: {  	s1 =	sld [smem:$0x3F99];
	s0 =	simm.s32 @p0 $0x1  }
0x13: {  	[smem:$0x3FB4] =	sst s0;
	s0 =	simm.s32 @!p1 $0x0  }
0x14: {  	s2 =	sld [smem:$0x3F98];
	s0 =	simm.s32 @p1 $0x1  }
0x15: {  	[smem:$0x3FB5] =	sst s0;
	s0 =	simm.s32 @!p2 $0x0  }
0x16: {  	s3 =	sld [smem:$0x3FDB];
	s0 =	simm.s32 @p2 $0x1  }
0x17: {  	s4 =	simm.s32 $0x1BF5;
	[smem:$0x3FB7] =	sst s0  }
0x18: {  	s0 =	sld [smem:$0x3F9A];
	_ =	swait.ge [sflag:s4], $0x0  }
0x19: {  	s7 =	sld [smem:$0x3F9B]  }
0x1a: {  	s8 =	sadd.s32 $0xFFFFE003, lr  }
0x1b: {  	s9 =	sadd.s32 $0xFFFFFEF7, lr;
	s5 =	simm.s32 $0xFFFFFFFF;
	p2 =	slt.u32 s8, $0xFFFFF086  }
0x1c: {  	p1 =	slt.u32 s9, $0xF7A;
	s5 =	simm.s32 @!p2 $0x0  }
0x1d: {  	s5 =	simm.s32 @p1 $0x1;
	p0 =	seq.s32 s7, s2  }
0x1e: {  	s7 =	smul.u32 @!p0 $0xF7A, s2;
	p2 =	seq.s32 @!p0 s5, $0x0  }
0x1f: {  	s9 =	smul.u32 $0xF7A, s1;
	s8 =	simm.s32 @!p0 $0x1BF5;
	p2 =	por !p2, p0  }
0x20: {  	[sflag:s8] =	ssyncset.s32 @!p0 $0xFFFFF086;
	s6 =	sadd.s32 @!p0 s3, s7;
	s7 =	simm.s32 @!p0 $0x108  }
0x21: {  	s3 =	sadd.s32 s3, s9;
	s6 =	sadd.s32 @!p0 $0x88, s6;
	s7 =	simm.s32 @p2 $0x1082  }
0x22: {  	[simem:s7], [sflag:s8] =	dma.local @!p0 [hbm:s6], $0xF7A  }
0x23: {  	s9 =	sor.u32 $0xD0000000, s2;
	s6 =	simm.s32 $0x108;
	_ =	swait.ge @!p0 [sflag:s8], $0x0  }
0x24: {  	s3 =	sadd.s32 $0x88, s3;
	s6 =	simm.s32 @!p1 $0x1082;
	[sflag:s4] =	ssyncset.s32 $0xFFFFF086  }
0x25: {  	[simem:s6], [sflag:s4] =	dma.local [hbm:s3], $0xF7A  }
0x26: {  	[smem:$0x3F9B] =	sst s1;
	(tag) =	ssettag s2;
	_ =	strace s9  }
0x27: {  	s1 =	sld [smem:$0x3FAB]  }
0x28: {  	s2 =	sld [smem:$0x3FAC]  }
0x29: {  	s4 =	sld [smem:$0x3FAE]  }
0x2a: {  	p0 =	seq.s32 s5, $0x0;
	s5 =	sld [smem:$0x3FAF]  }
0x2b: {  	s6 =	sld [smem:$0x3FB0]  }
0x2c: {  	s7 =	sld [smem:$0x3FB1]  }
0x2d: {  	s3 =	simm.s32 $0x108;
	s8 =	sld [smem:$0x3FB2]  }
0x2e: {  	s3 =	simm.s32 @!p0 $0x1082;
	s9 =	sld [smem:$0x3FB3]  }
0x2f: {  	lr =	sadd.s32 s0, s3;
	s0 =	sld [smem:$0x3FAA]  }
0x30: {  	s3 =	sld [smem:$0x3FAD]  }
0x31: {  	[smem:$0x3FB6] =	sst s10  }
0x32: {  	s10 =	sld [smem:$0x3FB4];
	_ =	sdelay $0x3  }
0x33: {  	p0 =	seq.s32 s10, $0x1;
	s10 =	sld [smem:$0x3FB6];
	_ =	sdelay $0x3  }
0x34: {  	[smem:$0x3FB6] =	sst s10  }
0x35: {  	s10 =	sld [smem:$0x3FB5];
	_ =	sdelay $0x3  }
0x36: {  	p1 =	seq.s32 s10, $0x1;
	s10 =	sld [smem:$0x3FB6];
	_ =	sdelay $0x3  }
0x37: {  	[smem:$0x3FB6] =	sst s10  }
0x38: {  	s10 =	sld [smem:$0x3FB7]  }
0x39: {  	_ = 	snop;
	(pc) =	sbr.ind lr, $3  }
0x3a: {  	_ = 	snop  }
0x3b: {  	_ = 	snop  }
0x3c: {  	p2 =	seq.s32 s10, $0x1;
	s10 =	sld [smem:$0x3FB6]  }
0x3d: {  	_ =	shalt  }
0x3e: {  	_ =	shalt  }
0x3f: {  	_ =	shalt  }
0x40: {  	_ =	shalt  }
0x41: {  	_ =	shalt  }
0x42: {  	_ =	shalt  }
0x43: {  	_ =	shalt  }
0x44: {  	_ =	shalt  }
0x45: {  	_ =	shalt  }
0x46: {  	_ =	shalt  }
0x47: {  	_ =	shalt  }
0x48: {  	_ =	shalt  }
0x49: {  	_ =	shalt  }
0x4a: {  	_ =	shalt  }
0x4b: {  	_ =	shalt  }
0x4c: {  	_ =	shalt  }
0x4d: {  	_ =	shalt  }
0x4e: {  	_ =	shalt  }
0x4f: {  	_ =	shalt  }
0x50: {  	_ =	shalt  }
0x51: {  	_ =	shalt  }
0x52: {  	_ =	shalt  }
0x53: {  	_ =	shalt  }
0x54: {  	_ =	shalt  }
0x55: {  	_ =	shalt  }
0x56: {  	_ =	shalt  }
0x57: {  	_ =	shalt  }
0x58: {  	_ =	shalt  }
0x59: {  	_ =	shalt  }
0x5a: {  	_ =	shalt  }
0x5b: {  	_ =	shalt  }
0x5c: {  	_ =	shalt  }
0x5d: {  	_ =	shalt  }
0x5e: {  	_ =	shalt  }
0x5f: {  	_ =	shalt  }
0x60: {  	_ =	shalt  }
0x61: {  	_ =	shalt  }
0x62: {  	_ =	shalt  }
0x63: {  	_ =	shalt  }
0x64: {  	_ =	shalt  }
0x65: {  	_ =	shalt  }
0x66: {  	_ =	shalt  }
0x67: {  	_ =	shalt  }
0x68: {  	_ =	shalt  }
0x69: {  	_ =	shalt  }
0x6a: {  	_ =	shalt  }
0x6b: {  	_ =	shalt  }
0x6c: {  	_ =	shalt  }
0x6d: {  	_ =	shalt  }
0x6e: {  	_ =	shalt  }
0x6f: {  	_ =	shalt  }
0x70: {  	_ =	shalt  }
0x71: {  	_ =	shalt  }
0x72: {  	_ =	shalt  }
0x73: {  	_ =	shalt  }
0x74: {  	_ =	shalt  }
0x75: {  	_ =	shalt  }
0x76: {  	_ =	shalt  }
0x77: {  	_ =	shalt  }
0x78: {  	_ =	shalt  }
0x79: {  	_ =	shalt  }
0x7a: {  	_ =	shalt  }
0x7b: {  	_ =	shalt  }
0x7c: {  	_ =	shalt  }
0x7d: {  	_ =	shalt  }
0x7e: {  	_ =	shalt  }
0x7f: {  	_ =	shalt  }
0x80: {  	_ =	shalt  }
0x81: {  	_ =	shalt  }
0x82: {  	_ =	shalt  }
0x83: {  	_ =	shalt  }
0x84: {  	_ =	shalt  }
0x85: {  	_ =	shalt  }
0x86: {  	_ =	shalt  }
0x87: {  	_ =	shalt  }
.Lfunc_end0:
.L_simem_size_0:
called_computation.1_lowered:
.L_overlay_start_0:
0x88: {  	s2 =	sld [smem:$0x3FD9]  }
0x89: {  	s3 =	sld [smem:$0x3FFE];
	_ =	sdelay $0x1  }
0x8a: {  	s1 =	srdreg.scid  }
0x8b: {  	s0 =	sand.u32 $0x1, s1  }
0x8c: {  	s17 =	sshll.u32 s0, $0xA;
	s2 =	sadd.s32 s3, s2  }
0x8d: {  	s2 =	sadd.s32 s2, s17  }
0x8e: {  	[smem:$0x3FC2] =	sst s2  }
0x8f: {  	_ = 	snop  }
0x90: {  	s2 =	sld [smem:$0x3FD0];
	(tm) =	ssettm $0x1  }
0x91: {  	s18 =	sld [smem:$0x3FFB];
	_ =	sdelay $0x3  }
0x92: {  	_ =	strace s18  }
0x93: {  	s3 =	sld [smem:$0x3FFC];
	_ =	sdelay $0x3  }
0x94: {  	_ =	strace s3  }
0x95: {  	s3 =	sld [smem:$0x3FFD];
	_ =	sdelay $0x3  }
0x96: {  	_ =	strace s3  }
0x97: {  	_ =	strace $0x8FFFFFFF  }
0x98: {  	s19 =	sld [smem:$0x3FDB];
	_ =	sdelay $0x1  }
0x99: {  	s4 =	simm.s32 $_scs_section_size  }
0x9a: {  	s5 =	simm.s32 $_size__tile_overlayer_lowered;
	s6 =	simm.s32 $_tile_overlayer_lowered  }
0x9b: {  	s22 =	simm.s32 $0x1BFF;
	s21 =	sshll.u32 s6, $0x1;
	s3 =	sadd.s32 s4, s19  }
0x9c: {  	s7 =	simm.s32 $0x0;
	s20 =	sshll.u32 s5, $0x1;
	s5 =	sadd.s32 s21, s3  }
0x9d: {  	[timem:s7], [sflag:s22] =	dma.local [hbm:s5], s20  }
0x9e: {  	_ =	swait.ge [sflag:s22], s20  }
0x9f: {  	s4 =	ssub.s32 $0x0, s20;
	[sflag:s22] =	ssyncset.done $0x0  }
0xa0: {  	[sflag:s22] =	ssyncadd.s32 s4;
	_ =	sdelay $0x1  }
0xa1: {  	s23 =	simm.s32 $0x1B8B  }
0xa2: {  	_ =	swait.ge [sflag:s23], $0x1  }
0xa3: {  	[sflag:s23] =	ssyncset.done $0x0  }
0xa4: {  	s25 =	simm.s32 $0x1B8E;
	s24 =	sld [smem:$0x3FFE];
	[sflag:s23] =	ssyncadd.s32 $0xFFFFFFFF  }
0xa5: {  	s26 =	simm.s32 $execute0_lowered;
	[smem:$0x3FD2] =	sst s25  }
0xa6: {  	s5 =	sshll.u32 s26, $0x1;
	_ =	strace $0x80000049;
	[dreg:$0x1] =	wrdreg $0xFFFFFFFF  }
0xa7: {  	s28 =	simm.s32 $_size_execute0_lowered;
	s3 =	sadd.s32 s3, s5;
	[dreg:$0x0] =	wrdreg $0x0  }
0xa8: {  	s5 =	sshll.u32 s28, $0x1;
	[dreg:$0x2] =	wrdreg s3  }
0xa9: {  	[dreg:$0x3] =	wrdreg s5  }
0xaa: {  	[dreg:$0x4] =	wrdreg $0xC0  }
0xab: {  	_ =	task [dreg:s7], $0x5FFFF  }
0xac: {  	[dreg:$0x1] =	wrdreg $0xFFFFFFFF  }
0xad: {  	[dreg:$0x0] =	wrdreg $0x60  }
0xae: {  	[dreg:$0x2] =	wrdreg s2  }
0xaf: {  	[dreg:$0x3] =	wrdreg s24  }
0xb0: {  	[dreg:$0x4] =	wrdreg $0x100400  }
0xb1: {  	[dreg:$0x5] =	wrdreg $0x9  }
0xb2: {  	_ =	task.clear_ibuf [dreg:s7], $0x6FFFF;
	_ =	strace $0x90000049  }
0xb3: {  	s29 =	simm.s32 $0x9;
	_ =	strace $0x8000004B  }
0xb4: {  	_ =	swait.ge [sflag:s29], $0x1  }
0xb5: {  	[sflag:s29] =	ssyncadd.s32 $0xFFFFFFFF  }
0xb6: {  	_ =	strace $0x9000004B  }
0xb7: {  	_ =	sfence  }
0xb8: {  	s30 =	sld [smem:$0x0];
	_ =	sdelay $0x2  }
0xb9: {  	s31 =	sshll.u32 s1, $0xD;
	s1 =	sshrl.u32 s1, $0x2  }
0xba: {  	s3 =	sand.u32 $0x4000, s31;
	s1 =	sadd.s32 s1, s30  }
0xbb: {  	s0 =	sor.u32 s3, s0;
	s1 =	sshll.u32 s1, $0x11  }
0xbc: {  	s0 =	sor.u32 s1, s0  }
0xbd: {  	s0 =	sadd.s32 $0x8F2B, s0  }
0xbe: {  	[sflag:s0] =	ssyncadd.remote.s32 $0x1  }
0xbf: {  	_ =	sfence.sel $0xFFFF  }
0xc0: {  	[dreg:$0x0] =	wrdreg $0xFFFFFFFF;
	(pc) =	sbr.abs _section_cstart, $3  }
0xc1: {  	[dreg:$0x1] =	wrdreg $0xFFFFFFFF  }
0xc2: {  	_ =	task.clear_ibuf [dreg:s7], $0x2FFFF;
	_ =	strace $0x9FFFFFFF  }
0xc3: {  	(tm) =	ssettm $0x7FFFFFFF  }
tec
execute0_lowered:
.L_overlay_start_1:
0x0: {  	(tag) =	ssettag $0x1  }
0x1: {  	s2 =	rddreg [dreg:$0x0]  }
0x2: {  	s0 =	rddreg [dreg:$0x1]  }
0x3: {  	s3 =	rddreg [dreg:$0x2];
	s4 =	stileid.u32  }
0x4: {  	s5 =	srdreg.scid;
	s7 =	simm.s32 $0x0;
	s14 =	simm.s32 $0xB  }
0x5: {  	s16 =	simm.s32 $0x50;
	s17 =	simm.s32 $0x9C40;
	s18 =	simm.s32 $0xB040  }
0x6: {  	s20 =	simm.s32 $0xC440;
	s28 =	simm.s32 $0x6;
	s29 =	simm.s32 $0x7  }
0x7: {  	s30 =	simm.s32 $0x8;
	s31 =	simm.s32 $0x9;
	s1 =	smul.u32 $0x9C4, s4  }
0x8: {  	s15 =	simm.s32 $0x4;
	s19 =	simm.s32 $0x0;
	s6 =	smul.u32 $0xA000, s4  }
0x9: {  	s8 =	sand.u32 $0x1, s5;
	[smem:$0x7FF] =	sst s7;
	s5 =	sadd.s32 $0x3E400, s0  }
0xa: {  	s24 =	sshll.u32 s4, $0x6;
	s22 =	smul.u32 $0xA0000, s8;
	_ =	strace $0x8000004A  }
0xb: {  	s9 =	ssub.s32 $0x2, s8;
	p0 =	seq.s32 s8, $0x0;
	s12 =	smov.u32 s5  }
0xc: {  	s1 =	sadd.s32 s1, s0;
	s10 =	sshrl.u32 s6, $0x3;
	s11 =	sshrl.u32 s9, $0x1  }
0xd: {  	s12 =	smov.u32 @p0 s2;
	p0 =	sne.s32 s8, $0x0;
	s7 =	sadd.s32 s6, s22  }
0xe: {  	s10 =	sadd.s32 s10, s0;
	s9 =	ssub.s32 s9, s11;
	s6 =	sadd.s32 s6, s3  }
0xf: {  	s25 =	sadd.s32 $0x3600, s1;
	s1 =	sadd.s32 $0xD400, s1;
	s22 =	simm.s32 $0xD840  }
0x10: {  	s7 =	sshrl.u32 s7, $0x3;
	s23 =	sadd.s32 $0xA0200, s10;
	[dreg:$0x5] =	wrdreg s25  }
.Ltmp0:
0x11: {  	[dreg:$0x6] =	wrdreg s1;
	s26 =	smax.u32 s9, $0x1;
	(pc) =	sbr.rel .LBB2_1-.Ltmp0, $4  }
0x12: {  	s13 =	sshrl.u32 s6, $0x3;
	s25 =	simm.s32 $0x2;
	s1 =	simm.s32 $0x3  }
0x13: {  	s0 =	sadd.s32 s7, s0;
	[dreg:$0x4] =	wrdreg s23;
	s7 =	sor.u32 $0x1C0B, s24  }
0x14: {  	[dreg:$0x8] =	wrdreg s26;
	s23 =	simm.s32 $0x1;
	s0 =	sadd.s32 $0xB4200, s0  }
0x15: {  	s24 =	simm.s32 $0xEC40;
	s26 =	simm.s32 $0x5;
	[dreg:$0x7] =	wrdreg s0  }
.LBB2_7:
0x16: {  	_ =	swait.ge [sflag:s1], $0x1400  }
0x17: {  	[sflag:s1] =	ssyncset.done $0x0  }
0x18: {  	[sflag:s1] =	ssyncadd.s32 $0xFFFFEC00  }
0x19: {  	[spmem:s3] =	stream.indirect.scatter.add.f32 [tilespmem:s20], [sflag:$0x8], $0x40, s9, s16, $0xb8;
	[tilespmem:$0x1A040] =	vst v63  }
0x1a: {  	_ =	swait.ge [sflag:s15], $0x1400  }
0x1b: {  	[sflag:s15] =	ssyncset.done $0x0  }
0x1c: {  	s0 =	sadd.s32 $0x4F10, s21;
	[sflag:s15] =	ssyncadd.s32 $0xFFFFEC00  }
0x1d: {  	[spmem:s3] =	stream.indirect.scatter.add.f32 [tilespmem:s22], [sflag:$0x9], $0x40, s0, s16, $0xb8;
	[tilespmem:$0x1A040] =	vst v63  }
0x1e: {  	_ =	swait.ge [sflag:s26], $0x1400  }
0x1f: {  	[sflag:s26] =	ssyncset.done $0x0  }
0x20: {  	s21 =	sadd.s32 $0x4F60, s21;
	[sflag:s26] =	ssyncadd.s32 $0xFFFFEC00  }
0x21: {  	[spmem:s3] =	stream.indirect.scatter.add.f32 [tilespmem:s24], [sflag:$0xA], $0x40, s21, s16, $0xb8;
	[tilespmem:$0x1A040] =	vst v63  }
.LBB2_8:
0x22: {  	_ =	swait.ge [sflag:s28], $0x1400  }
0x23: {  	[sflag:s28] =	ssyncset.done $0x0  }
0x24: {  	[sflag:s28] =	ssyncadd.s32 $0xFFFFEC00  }
0x25: {  	_ =	swait.ge [sflag:s29], $0x1400  }
0x26: {  	[sflag:s29] =	ssyncset.done $0x0  }
0x27: {  	[sflag:s29] =	ssyncadd.s32 $0xFFFFEC00  }
0x28: {  	_ =	swait.ge [sflag:s30], $0x1400  }
0x29: {  	[sflag:s30] =	ssyncset.done $0x0  }
0x2a: {  	[sflag:s30] =	ssyncadd.s32 $0xFFFFEC00  }
0x2b: {  	_ =	swait.ge [sflag:s31], $0x1400  }
0x2c: {  	[sflag:s31] =	ssyncset.done $0x0  }
0x2d: {  	s0 =	simm.s32 $0xA;
	[sflag:s31] =	ssyncadd.s32 $0xFFFFEC00  }
0x2e: {  	_ =	swait.ge [sflag:s0], $0x1400  }
0x2f: {  	[sflag:s0] =	ssyncset.done $0x0  }
0x30: {  	[sflag:s0] =	ssyncadd.s32 $0xFFFFEC00  }
0x31: {  	[bflag:$0x0] =	sbarrier.arrive $0xFFFF  }
0x32: {  	s11 =	rddreg [dreg:$0x7]  }
0x33: {  	[hbm:s11], [sflag:s7] =	dma.local [spmem:s13], $0x1400  }
0x34: {  	_ =	swait.ge [sflag:s14], $0x1400  }
0x35: {  	s19 =	sadd.s32 $0x1, s19;
	s21 =	rddreg [dreg:$0x8]  }
0x36: {  	p1 =	sne.s32 s19, s21  }
.Ltmp1:
0x37: {  	_ = 	snop;
	(pc) =	sbr.rel @!p1 .LBB2_9-.Ltmp1, $3  }
0x38: {  	_ =	sdelay $0x1  }
0x39: {  	[sflag:s14] =	ssyncset.done $0x0  }
0x3a: {  	[sflag:s14] =	ssyncadd.s32 $0xFFFFEC00  }
.LBB2_1:
0x3b: {  	s0 =	rddreg [dreg:$0x4]  }
0x3c: {  	[spmem:s13], [sflag:s7] =	dma.local [hbm:s0], $0x1400  }
0x3d: {  	_ =	swait.ge [sflag:s14], $0x1400  }
0x3e: {  	[sflag:s14] =	ssyncset.done $0x0  }
0x3f: {  	s9 =	simm.s32 $0x0;
	s4 =	rddreg [dreg:$0x5];
	[sflag:s14] =	ssyncadd.s32 $0xFFFFEC00  }
0x40: {  	[tilespmem:s9], [sflag:$0xB] =	stream.linear.gather [hbm4b:s4+s9], $0x4E20, $0x38;
	[tilespmem:$0x1A040] =	vst v63  }
0x41: {  	_ =	swait.ge [sflag:s14], $0x4E20  }
0x42: {  	[sflag:s14] =	ssyncset.done $0x0  }
0x43: {  	s6 =	simm.s32 $0x4E20;
	s10 =	rddreg [dreg:$0x6];
	[sflag:s14] =	ssyncadd.s32 $0xFFFFB1E0  }
0x44: {  	[tilespmem:s6], [sflag:$0xB] =	stream.linear.gather [hbm4b:s10+s9], $0x4E20, $0x38;
	[tilespmem:$0x1A040] =	vst v63  }
0x45: {  	_ =	swait.ge [sflag:s14], $0x4E20  }
0x46: {  	[sflag:s14] =	ssyncset.done $0x0  }
0x47: {  	[sflag:s14] =	ssyncadd.s32 $0xFFFFB1E0  }
0x48: {  	[bflag:$0x0] =	sbarrier.arrive $0xFFFF  }
0x49: {  	[tilespmem:s17], [sflag:$0x1] =	stream.indirect.gather [hbm4b:s12+s16], $0x40, s9, s16, $0xb8;
	[tilespmem:$0x1A040] =	vst v63  }
0x4a: {  	_ = 	snop  }
0x4b: {  	[tilespmem:s18], [sflag:$0x2] =	stream.indirect.gather [hbm4b:s12+s16], $0x40, s16, s16, $0xb8;
	[tilespmem:$0x1A040] =	vst v63  }
.Ltmp2:
0x4c: {  	_ = 	snop;
	(pc) =	sbr.rel .LBB2_2-.Ltmp2, $4  }
0x4d: {  	s11 =	simm.s32 $0xA0  }
0x4e: {  	[tilespmem:s20], [sflag:$0x3] =	stream.indirect.gather [hbm4b:s12+s16], $0x40, s11, s16, $0xb8;
	[tilespmem:$0x1A040] =	vst v63  }
0x4f: {  	s21 =	simm.s32 $0xF0;
	s8 =	simm.s32 $0x0;
	s6 =	simm.s32 $0x0  }
0x50: {  	[tilespmem:s22], [sflag:$0x4] =	stream.indirect.gather [hbm4b:s12+s16], $0x40, s21, s16, $0xb8;
	[tilespmem:$0x1A040] =	vst v63  }
.LBB2_3:
0x51: {  	[tilespmem:s24], [sflag:$0x5] =	stream.indirect.gather [hbm4b:s2+s16], $0x40, s10, s16, $0xb8;
	[tilespmem:$0x1A040] =	vst v63  }
0x52: {  	_ =	swait.ge [sflag:s25], $0x1400  }
0x53: {  	[sflag:s25] =	ssyncset.done $0x0  }
0x54: {  	[sflag:s25] =	ssyncadd.s32 $0xFFFFEC00  }
0x55: {  	[spmem:s3] =	stream.indirect.scatter.add.f32 [tilespmem:s18], [sflag:$0x7], $0x40, s9, s16, $0xb8;
	[tilespmem:$0x1A040] =	vst v63  }
0x56: {  	s9 =	simm.s32 @p1 $0x3  }
0x57: {  	_ =	swait.ge @p1 [sflag:s9], $0x1400  }
0x58: {  	[sflag:s9] =	ssyncset.done @p1 $0x0  }
0x59: {  	[sflag:s9] =	ssyncadd.s32 @p1 $0xFFFFEC00;
	s9 =	sshra.s32 @p1 s8, $0x2  }
0x5a: {  	s11 =	simm.s32 @p1 $0x50;
	s4 =	simm.s32 @p1 $0xC440;
	s10 =	sadd.s32 @p1 $0x4EC0, s9  }
0x5b: {  	[spmem:s3] =	stream.indirect.scatter.add.f32 @p1 [tilespmem:s4], [sflag:$0x8], $0x40, s10, s11, $0xb8;
	[tilespmem:$0x1A040] =	vst v63  }
0x5c: {  	s4 =	simm.s32 @p1 $0x4  }
0x5d: {  	_ =	swait.ge @p1 [sflag:s4], $0x1400  }
0x5e: {  	[sflag:s4] =	ssyncset.done @p1 $0x0  }
0x5f: {  	[sflag:s4] =	ssyncadd.s32 @p1 $0xFFFFEC00;
	s4 =	sadd.s32 @p1 $0x4F10, s9;
	s9 =	simm.s32 @p1 $0xD840  }
0x60: {  	[spmem:s3] =	stream.indirect.scatter.add.f32 @p1 [tilespmem:s9], [sflag:$0x9], $0x40, s4, s11, $0xb8;
	[tilespmem:$0x1A040] =	vst v63  }
0x61: {  	s4 =	simm.s32 @!p1 $0x6  }
0x62: {  	_ =	swait.ge @!p1 [sflag:s4], $0x1400  }
0x63: {  	[sflag:s4] =	ssyncset.done @!p1 $0x0  }
0x64: {  	[sflag:s4] =	ssyncadd.s32 @!p1 $0xFFFFEC00;
	s4 =	sshra.s32 @!p1 s8, $0x2  }
0x65: {  	s10 =	simm.s32 @!p1 $0x50;
	s11 =	simm.s32 @!p1 $0x9C40;
	s9 =	sadd.s32 @!p1 $0x190, s4  }
0x66: {  	[tilespmem:s11], [sflag:$0x1] =	stream.indirect.gather @!p1 [hbm4b:s2+s10], $0x40, s9, s10, $0xb8;
	[tilespmem:$0x1A040] =	vst v63  }
0x67: {  	s9 =	simm.s32 @!p1 $0x3  }
0x68: {  	_ =	swait.ge @!p1 [sflag:s9], $0x1400  }
0x69: {  	[sflag:s9] =	ssyncset.done @!p1 $0x0  }
0x6a: {  	s11 =	simm.s32 @!p1 $0xC440;
	[sflag:s9] =	ssyncadd.s32 @!p1 $0xFFFFEC00;
	s9 =	sadd.s32 @!p1 $0x4EC0, s4  }
0x6b: {  	[spmem:s3] =	stream.indirect.scatter.add.f32 @!p1 [tilespmem:s11], [sflag:$0x8], $0x40, s9, s10, $0xb8;
	[tilespmem:$0x1A040] =	vst v63  }
0x6c: {  	s9 =	simm.s32 @!p1 $0x7  }
0x6d: {  	_ =	swait.ge @!p1 [sflag:s9], $0x1400  }
0x6e: {  	[sflag:s9] =	ssyncset.done @!p1 $0x0  }
0x6f: {  	s0 =	simm.s32 @!p1 $0xB040;
	[sflag:s9] =	ssyncadd.s32 @!p1 $0xFFFFEC00;
	s9 =	sadd.s32 @!p1 $0x1E0, s4  }
0x70: {  	[tilespmem:s0], [sflag:$0x2] =	stream.indirect.gather @!p1 [hbm4b:s2+s10], $0x40, s9, s10, $0xb8;
	[tilespmem:$0x1A040] =	vst v63  }
0x71: {  	s0 =	simm.s32 @!p1 $0x4  }
0x72: {  	_ =	swait.ge @!p1 [sflag:s0], $0x1400  }
0x73: {  	[sflag:s0] =	ssyncset.done @!p1 $0x0  }
0x74: {  	s9 =	simm.s32 @!p1 $0xD840;
	[sflag:s0] =	ssyncadd.s32 @!p1 $0xFFFFEC00;
	s0 =	sadd.s32 @!p1 $0x4F10, s4  }
0x75: {  	[spmem:s3] =	stream.indirect.scatter.add.f32 @!p1 [tilespmem:s9], [sflag:$0x9], $0x40, s0, s10, $0xb8;
	[tilespmem:$0x1A040] =	vst v63  }
0x76: {  	s0 =	simm.s32 @!p1 $0x8  }
0x77: {  	_ =	swait.ge @!p1 [sflag:s0], $0x1400  }
0x78: {  	[sflag:s0] =	ssyncset.done @!p1 $0x0  }
0x79: {  	[sflag:s0] =	ssyncadd.s32 @!p1 $0xFFFFEC00;
	s0 =	sadd.s32 @!p1 $0x230, s4  }
0x7a: {  	[tilespmem:s11], [sflag:$0x3] =	stream.indirect.gather @!p1 [hbm4b:s2+s10], $0x40, s0, s10, $0xb8;
	[tilespmem:$0x1A040] =	vst v63  }
.Ltmp3:
0x7b: {  	_ = 	snop;
	(pc) =	sbr.rel @p1 .LBB2_8-.Ltmp3, $4  }
0x7c: {  	_ =	swait.ge [sflag:s26], $0x1400  }
0x7d: {  	[sflag:s26] =	ssyncset.done $0x0  }
0x7e: {  	s9 =	smov.u32 s2;
	s11 =	sadd.s32 $0x4F60, s21;
	[sflag:s26] =	ssyncadd.s32 $0xFFFFEC00  }
0x7f: {  	[spmem:s3] =	stream.indirect.scatter.add.f32 [tilespmem:s24], [sflag:$0xA], $0x40, s11, s16, $0xb8;
	[tilespmem:$0x1A040] =	vst v63  }
.LBB2_6:
0x80: {  	_ =	swait.ge [sflag:s31], $0x1400  }
0x81: {  	s0 =	sadd.s32 $0x280, s21;
	[sflag:s31] =	ssyncset.done $0x0  }
0x82: {  	s8 =	sadd.s32 $0x640, s8;
	s6 =	sadd.s32 $0xFFFFFFFF, s6;
	[sflag:s31] =	ssyncadd.s32 $0xFFFFEC00  }
0x83: {  	[tilespmem:s22], [sflag:$0x4] =	stream.indirect.gather [hbm4b:s9+s16], $0x40, s0, s16, $0xb8;
	[tilespmem:$0x1A040] =	vst v63  }
.LBB2_2:
0x84: {  	_ =	swait.ge [sflag:s23], $0x1400  }
0x85: {  	s21 =	sshra.s32 s8, $0x2;
	[sflag:s23] =	ssyncset.done $0x0  }
0x86: {  	s9 =	sadd.s32 $0x4E20, s21;
	[sflag:s23] =	ssyncadd.s32 $0xFFFFEC00  }
0x87: {  	[spmem:s3] =	stream.indirect.scatter.add.f32 [tilespmem:s17], [sflag:$0x6], $0x40, s9, s16, $0xb8;
	[tilespmem:$0x1A040] =	vst v63  }
.Ltmp4:
0x88: {  	p1 =	seq.s32 s6, $0x0;
	(pc) =	sbr.rel @!p0 .LBB2_3-.Ltmp4, $4  }
0x89: {  	s9 =	simm.s32 @!p1 $0xA  }
0x8a: {  	_ =	swait.ge @!p1 [sflag:s9], $0x1400  }
0x8b: {  	s10 =	sadd.s32 $0x140, s21;
	[sflag:s9] =	ssyncset.done @!p1 $0x0  }
0x8c: {  	[sflag:s9] =	ssyncadd.s32 @!p1 $0xFFFFEC00;
	s9 =	sadd.s32 $0x4E70, s21;
	p1 =	seq.s32 s6, $0xFFFFFFCF  }
0x8d: {  	[tilespmem:s24], [sflag:$0x5] =	stream.indirect.gather [hbm4b:s5+s16], $0x40, s10, s16, $0xb8;
	[tilespmem:$0x1A040] =	vst v63  }
.Ltmp5:
0x8e: {  	_ =	swait.ge [sflag:s25], $0x1400;
	(pc) =	sbr.rel @p1 .LBB2_7-.Ltmp5, $4  }
0x8f: {  	[sflag:s25] =	ssyncset.done $0x0  }
0x90: {  	[sflag:s25] =	ssyncadd.s32 $0xFFFFEC00  }
0x91: {  	[spmem:s3] =	stream.indirect.scatter.add.f32 [tilespmem:s18], [sflag:$0x7], $0x40, s9, s16, $0xb8;
	[tilespmem:$0x1A040] =	vst v63  }
0x92: {  	s9 =	sadd.s32 $0x4EC0, s21  }
0x93: {  	_ =	swait.ge [sflag:s28], $0x1400  }
0x94: {  	[sflag:s28] =	ssyncset.done $0x0  }
0x95: {  	s0 =	sadd.s32 $0x190, s21;
	[sflag:s28] =	ssyncadd.s32 $0xFFFFEC00  }
0x96: {  	[tilespmem:s17], [sflag:$0x1] =	stream.indirect.gather [hbm4b:s5+s16], $0x40, s0, s16, $0xb8;
	[tilespmem:$0x1A040] =	vst v63  }
0x97: {  	_ =	swait.ge [sflag:s1], $0x1400  }
0x98: {  	[sflag:s1] =	ssyncset.done $0x0  }
0x99: {  	[sflag:s1] =	ssyncadd.s32 $0xFFFFEC00  }
0x9a: {  	[spmem:s3] =	stream.indirect.scatter.add.f32 [tilespmem:s20], [sflag:$0x8], $0x40, s9, s16, $0xb8;
	[tilespmem:$0x1A040] =	vst v63  }
0x9b: {  	_ =	swait.ge [sflag:s29], $0x1400  }
0x9c: {  	[sflag:s29] =	ssyncset.done $0x0  }
0x9d: {  	s4 =	sadd.s32 $0x1E0, s21;
	[sflag:s29] =	ssyncadd.s32 $0xFFFFEC00  }
0x9e: {  	[tilespmem:s18], [sflag:$0x2] =	stream.indirect.gather [hbm4b:s5+s16], $0x40, s4, s16, $0xb8;
	[tilespmem:$0x1A040] =	vst v63  }
0x9f: {  	_ =	swait.ge [sflag:s15], $0x1400  }
0xa0: {  	[sflag:s15] =	ssyncset.done $0x0  }
0xa1: {  	s9 =	sadd.s32 $0x4F10, s21;
	[sflag:s15] =	ssyncadd.s32 $0xFFFFEC00  }
0xa2: {  	[spmem:s3] =	stream.indirect.scatter.add.f32 [tilespmem:s22], [sflag:$0x9], $0x40, s9, s16, $0xb8;
	[tilespmem:$0x1A040] =	vst v63  }
0xa3: {  	_ =	swait.ge [sflag:s30], $0x1400  }
0xa4: {  	[sflag:s30] =	ssyncset.done $0x0  }
0xa5: {  	s10 =	sadd.s32 $0x230, s21;
	[sflag:s30] =	ssyncadd.s32 $0xFFFFEC00  }
0xa6: {  	[tilespmem:s20], [sflag:$0x3] =	stream.indirect.gather [hbm4b:s5+s16], $0x40, s10, s16, $0xb8;
	[tilespmem:$0x1A040] =	vst v63  }
.Ltmp6:
0xa7: {  	_ = 	snop;
	(pc) =	sbr.rel .LBB2_6-.Ltmp6, $4  }
0xa8: {  	_ =	swait.ge [sflag:s26], $0x1400  }
0xa9: {  	[sflag:s26] =	ssyncset.done $0x0  }
0xaa: {  	s11 =	sadd.s32 $0x4F60, s21;
	s9 =	smov.u32 s5;
	[sflag:s26] =	ssyncadd.s32 $0xFFFFEC00  }
0xab: {  	[spmem:s3] =	stream.indirect.scatter.add.f32 [tilespmem:s24], [sflag:$0xA], $0x40, s11, s16, $0xb8;
	[tilespmem:$0x1A040] =	vst v63  }
.LBB2_9:
0xac: {  	_ =	sfence.sel $0x180000  }
0xad: {  	[bflag:$0x0] =	sbarrier.arrive $0xFFFF  }
0xae: {  	_ =	strace $0x9000004A  }
0xaf: {  	s0 =	stileid.u32;
	[bflag:$0x2] =	sbarrier.arrive $0xFFFF  }
0xb0: {  	p0 =	sne.s32 s0, $0x0;
	s0 =	rddreg [dreg:$0x3]  }
0xb1: {  	s0 =	sadd.s32 @!p0 $0x100000, s0  }
0xb2: {  	[sflag:s0] =	ssyncadd.tile.s32 @!p0 $0x1;
	_ =	shalt  }
.Lfunc_end2:
_tile_overlayer_lowered:
.L_overlay_start_2:
0xb3: {  	(tag) =	ssettag $0x2  }
0xb4: {  	s0 =	rddreg [dreg:$0x0];
	s2 =	stileid.u32  }
0xb5: {  	s1 =	rddreg [dreg:$0x1];
	p0 =	sne.s32 s2, $0x0  }
0xb6: {  	s3 =	rddreg [dreg:$0x2];
	[bflag:$0x3] =	sbarrier.arrive $0xFFFF;
	s2 =	simm.s32 @!p0 $0x1C0B  }
0xb7: {  	[timem:s3], [sflag:s2] =	dma.local @!p0 [hbm:s0], s1  }
0xb8: {  	s0 =	simm.s32 @!p0 $0xB  }
0xb9: {  	_ =	swait.ge @!p0 [sflag:s0], s1  }
0xba: {  	s1 =	ssub.s32 @!p0 $0x0, s1;
	[sflag:s0] =	ssyncset.done @!p0 $0x0  }
0xbb: {  	[sflag:s0] =	ssyncadd.s32 @!p0 s1  }
0xbc: {  	[bflag:$0x3] =	sbarrier.arrive $0xFFFF  }
0xbd: {  	_ =	shalt  }

// kernel: kernel.14.cloned.1.call-start
scs
__scs_entry_jumppad:
0x0: {  	(pc) =	sbr.rel $0x88, $3  }
0x1: {  	(tag) =	ssettag $0x0;
	lr =	simm.s32 $0x1  }
0x2: {  	[smem:$0x3F9B] =	sst lr;
	_ =	strace $0xD0000000  }
0x3: {  	_ = 	snop  }
0x4: {  	_ = 	snop  }
0x5: {  	_ = 	snop  }
0x6: {  	_ = 	snop  }
0x7: {  	_ = 	snop  }
__scs_overlays_trampoline_lowered:
0x8: {  	[smem:$0x3FAA] =	sst s0  }
0x9: {  	[smem:$0x3FAB] =	sst s1  }
0xa: {  	[smem:$0x3FAC] =	sst s2  }
0xb: {  	[smem:$0x3FAD] =	sst s3  }
0xc: {  	[smem:$0x3FAE] =	sst s4  }
0xd: {  	[smem:$0x3FAF] =	sst s5  }
0xe: {  	[smem:$0x3FB0] =	sst s6  }
0xf: {  	[smem:$0x3FB1] =	sst s7  }
0x10: {  	[smem:$0x3FB2] =	sst s8  }
0x11: {  	[smem:$0x3FB3] =	sst s9;
	s0 =	simm.s32 @!p0 $0x0  }
0x12: {  	s1 =	sld [smem:$0x3F99];
	s0 =	simm.s32 @p0 $0x1  }
0x13: {  	[smem:$0x3FB4] =	sst s0;
	s0 =	simm.s32 @!p1 $0x0  }
0x14: {  	s2 =	sld [smem:$0x3F98];
	s0 =	simm.s32 @p1 $0x1  }
0x15: {  	[smem:$0x3FB5] =	sst s0;
	s0 =	simm.s32 @!p2 $0x0  }
0x16: {  	s3 =	sld [smem:$0x3FDB];
	s0 =	simm.s32 @p2 $0x1  }
0x17: {  	s4 =	simm.s32 $0x1BF5;
	[smem:$0x3FB7] =	sst s0  }
0x18: {  	s0 =	sld [smem:$0x3F9A];
	_ =	swait.ge [sflag:s4], $0x0  }
0x19: {  	s7 =	sld [smem:$0x3F9B]  }
0x1a: {  	s8 =	sadd.s32 $0xFFFFE003, lr  }
0x1b: {  	s9 =	sadd.s32 $0xFFFFFEF7, lr;
	s5 =	simm.s32 $0xFFFFFFFF;
	p2 =	slt.u32 s8, $0xFFFFF086  }
0x1c: {  	p1 =	slt.u32 s9, $0xF7A;
	s5 =	simm.s32 @!p2 $0x0  }
0x1d: {  	s5 =	simm.s32 @p1 $0x1;
	p0 =	seq.s32 s7, s2  }
0x1e: {  	s7 =	smul.u32 @!p0 $0xF7A, s2;
	p2 =	seq.s32 @!p0 s5, $0x0  }
0x1f: {  	s9 =	smul.u32 $0xF7A, s1;
	s8 =	simm.s32 @!p0 $0x1BF5;
	p2 =	por !p2, p0  }
0x20: {  	[sflag:s8] =	ssyncset.s32 @!p0 $0xFFFFF086;
	s6 =	sadd.s32 @!p0 s3, s7;
	s7 =	simm.s32 @!p0 $0x108  }
0x21: {  	s3 =	sadd.s32 s3, s9;
	s6 =	sadd.s32 @!p0 $0x88, s6;
	s7 =	simm.s32 @p2 $0x1082  }
0x22: {  	[simem:s7], [sflag:s8] =	dma.local @!p0 [hbm:s6], $0xF7A  }
0x23: {  	s9 =	sor.u32 $0xD0000000, s2;
	s6 =	simm.s32 $0x108;
	_ =	swait.ge @!p0 [sflag:s8], $0x0  }
0x24: {  	s3 =	sadd.s32 $0x88, s3;
	s6 =	simm.s32 @!p1 $0x1082;
	[sflag:s4] =	ssyncset.s32 $0xFFFFF086  }
0x25: {  	[simem:s6], [sflag:s4] =	dma.local [hbm:s3], $0xF7A  }
0x26: {  	[smem:$0x3F9B] =	sst s1;
	(tag) =	ssettag s2;
	_ =	strace s9  }
0x27: {  	s1 =	sld [smem:$0x3FAB]  }
0x28: {  	s2 =	sld [smem:$0x3FAC]  }
0x29: {  	s4 =	sld [smem:$0x3FAE]  }
0x2a: {  	p0 =	seq.s32 s5, $0x0;
	s5 =	sld [smem:$0x3FAF]  }
0x2b: {  	s6 =	sld [smem:$0x3FB0]  }
0x2c: {  	s7 =	sld [smem:$0x3FB1]  }
0x2d: {  	s3 =	simm.s32 $0x108;
	s8 =	sld [smem:$0x3FB2]  }
0x2e: {  	s3 =	simm.s32 @!p0 $0x1082;
	s9 =	sld [smem:$0x3FB3]  }
0x2f: {  	lr =	sadd.s32 s0, s3;
	s0 =	sld [smem:$0x3FAA]  }
0x30: {  	s3 =	sld [smem:$0x3FAD]  }
0x31: {  	[smem:$0x3FB6] =	sst s10  }
0x32: {  	s10 =	sld [smem:$0x3FB4];
	_ =	sdelay $0x3  }
0x33: {  	p0 =	seq.s32 s10, $0x1;
	s10 =	sld [smem:$0x3FB6];
	_ =	sdelay $0x3  }
0x34: {  	[smem:$0x3FB6] =	sst s10  }
0x35: {  	s10 =	sld [smem:$0x3FB5];
	_ =	sdelay $0x3  }
0x36: {  	p1 =	seq.s32 s10, $0x1;
	s10 =	sld [smem:$0x3FB6];
	_ =	sdelay $0x3  }
0x37: {  	[smem:$0x3FB6] =	sst s10  }
0x38: {  	s10 =	sld [smem:$0x3FB7]  }
0x39: {  	_ = 	snop;
	(pc) =	sbr.ind lr, $3  }
0x3a: {  	_ = 	snop  }
0x3b: {  	_ = 	snop  }
0x3c: {  	p2 =	seq.s32 s10, $0x1;
	s10 =	sld [smem:$0x3FB6]  }
0x3d: {  	_ =	shalt  }
0x3e: {  	_ =	shalt  }
0x3f: {  	_ =	shalt  }
0x40: {  	_ =	shalt  }
0x41: {  	_ =	shalt  }
0x42: {  	_ =	shalt  }
0x43: {  	_ =	shalt  }
0x44: {  	_ =	shalt  }
0x45: {  	_ =	shalt  }
0x46: {  	_ =	shalt  }
0x47: {  	_ =	shalt  }
0x48: {  	_ =	shalt  }
0x49: {  	_ =	shalt  }
0x4a: {  	_ =	shalt  }
0x4b: {  	_ =	shalt  }
0x4c: {  	_ =	shalt  }
0x4d: {  	_ =	shalt  }
0x4e: {  	_ =	shalt  }
0x4f: {  	_ =	shalt  }
0x50: {  	_ =	shalt  }
0x51: {  	_ =	shalt  }
0x52: {  	_ =	shalt  }
0x53: {  	_ =	shalt  }
0x54: {  	_ =	shalt  }
0x55: {  	_ =	shalt  }
0x56: {  	_ =	shalt  }
0x57: {  	_ =	shalt  }
0x58: {  	_ =	shalt  }
0x59: {  	_ =	shalt  }
0x5a: {  	_ =	shalt  }
0x5b: {  	_ =	shalt  }
0x5c: {  	_ =	shalt  }
0x5d: {  	_ =	shalt  }
0x5e: {  	_ =	shalt  }
0x5f: {  	_ =	shalt  }
0x60: {  	_ =	shalt  }
0x61: {  	_ =	shalt  }
0x62: {  	_ =	shalt  }
0x63: {  	_ =	shalt  }
0x64: {  	_ =	shalt  }
0x65: {  	_ =	shalt  }
0x66: {  	_ =	shalt  }
0x67: {  	_ =	shalt  }
0x68: {  	_ =	shalt  }
0x69: {  	_ =	shalt  }
0x6a: {  	_ =	shalt  }
0x6b: {  	_ =	shalt  }
0x6c: {  	_ =	shalt  }
0x6d: {  	_ =	shalt  }
0x6e: {  	_ =	shalt  }
0x6f: {  	_ =	shalt  }
0x70: {  	_ =	shalt  }
0x71: {  	_ =	shalt  }
0x72: {  	_ =	shalt  }
0x73: {  	_ =	shalt  }
0x74: {  	_ =	shalt  }
0x75: {  	_ =	shalt  }
0x76: {  	_ =	shalt  }
0x77: {  	_ =	shalt  }
0x78: {  	_ =	shalt  }
0x79: {  	_ =	shalt  }
0x7a: {  	_ =	shalt  }
0x7b: {  	_ =	shalt  }
0x7c: {  	_ =	shalt  }
0x7d: {  	_ =	shalt  }
0x7e: {  	_ =	shalt  }
0x7f: {  	_ =	shalt  }
0x80: {  	_ =	shalt  }
0x81: {  	_ =	shalt  }
0x82: {  	_ =	shalt  }
0x83: {  	_ =	shalt  }
0x84: {  	_ =	shalt  }
0x85: {  	_ =	shalt  }
0x86: {  	_ =	shalt  }
0x87: {  	_ =	shalt  }
.Lfunc_end0:
.L_simem_size_0:
called_computation.2_lowered:
.L_overlay_start_0:
0x88: {  	s2 =	sld [smem:$0x3FD9]  }
0x89: {  	s3 =	sld [smem:$0x3FFE];
	_ =	sdelay $0x1  }
0x8a: {  	s1 =	srdreg.scid  }
0x8b: {  	s0 =	sand.u32 $0x1, s1  }
0x8c: {  	s17 =	sshll.u32 s0, $0xA;
	s2 =	sadd.s32 s3, s2  }
0x8d: {  	s2 =	sadd.s32 s2, s17  }
0x8e: {  	[smem:$0x3FC2] =	sst s2  }
0x8f: {  	_ = 	snop  }
0x90: {  	s2 =	sld [smem:$0x3FD0];
	(tm) =	ssettm $0x1  }
0x91: {  	s18 =	sld [smem:$0x3FFB];
	_ =	sdelay $0x3  }
0x92: {  	_ =	strace s18  }
0x93: {  	s3 =	sld [smem:$0x3FFC];
	_ =	sdelay $0x3  }
0x94: {  	_ =	strace s3  }
0x95: {  	s3 =	sld [smem:$0x3FFD];
	_ =	sdelay $0x3  }
0x96: {  	_ =	strace s3  }
0x97: {  	_ =	strace $0x8FFFFFFF  }
0x98: {  	s19 =	sld [smem:$0x3FDB];
	_ =	sdelay $0x1  }
0x99: {  	s4 =	simm.s32 $_scs_section_size  }
0x9a: {  	s5 =	simm.s32 $_size__tile_overlayer_lowered;
	s6 =	simm.s32 $_tile_overlayer_lowered  }
0x9b: {  	s22 =	simm.s32 $0x1BFF;
	s21 =	sshll.u32 s6, $0x1;
	s3 =	sadd.s32 s4, s19  }
0x9c: {  	s7 =	simm.s32 $0x0;
	s20 =	sshll.u32 s5, $0x1;
	s5 =	sadd.s32 s21, s3  }
0x9d: {  	[timem:s7], [sflag:s22] =	dma.local [hbm:s5], s20  }
0x9e: {  	_ =	swait.ge [sflag:s22], s20  }
0x9f: {  	s4 =	ssub.s32 $0x0, s20;
	[sflag:s22] =	ssyncset.done $0x0  }
0xa0: {  	[sflag:s22] =	ssyncadd.s32 s4;
	_ =	sdelay $0x1  }
0xa1: {  	s23 =	simm.s32 $0x1B8B  }
0xa2: {  	_ =	swait.ge [sflag:s23], $0x1  }
0xa3: {  	[sflag:s23] =	ssyncset.done $0x0  }
0xa4: {  	s25 =	simm.s32 $0x1B8E;
	s24 =	sld [smem:$0x3FFE];
	[sflag:s23] =	ssyncadd.s32 $0xFFFFFFFF  }
0xa5: {  	s26 =	simm.s32 $execute0_lowered;
	[smem:$0x3FD2] =	sst s25  }
0xa6: {  	s5 =	sshll.u32 s26, $0x1;
	_ =	strace $0x8000004C;
	[dreg:$0x1] =	wrdreg $0xFFFFFFFF  }
0xa7: {  	s28 =	simm.s32 $_size_execute0_lowered;
	s3 =	sadd.s32 s3, s5;
	[dreg:$0x0] =	wrdreg $0x0  }
0xa8: {  	s5 =	sshll.u32 s28, $0x1;
	[dreg:$0x2] =	wrdreg s3  }
0xa9: {  	[dreg:$0x3] =	wrdreg s5  }
0xaa: {  	[dreg:$0x4] =	wrdreg $0xC0  }
0xab: {  	_ =	task [dreg:s7], $0x5FFFF  }
0xac: {  	[dreg:$0x1] =	wrdreg $0xFFFFFFFF  }
0xad: {  	[dreg:$0x0] =	wrdreg $0x60  }
0xae: {  	[dreg:$0x2] =	wrdreg s24  }
0xaf: {  	[dreg:$0x3] =	wrdreg s2  }
0xb0: {  	[dreg:$0x4] =	wrdreg $0xCE400  }
0xb1: {  	[dreg:$0x5] =	wrdreg $0x9  }
0xb2: {  	_ =	task.clear_ibuf [dreg:s7], $0x6FFFF;
	_ =	strace $0x9000004C  }
0xb3: {  	s29 =	simm.s32 $0x9;
	_ =	strace $0x8000004E  }
0xb4: {  	_ =	swait.ge [sflag:s29], $0x1  }
0xb5: {  	[sflag:s29] =	ssyncadd.s32 $0xFFFFFFFF  }
0xb6: {  	_ =	strace $0x9000004E  }
0xb7: {  	_ =	sfence  }
0xb8: {  	s30 =	sld [smem:$0x0];
	_ =	sdelay $0x2  }
0xb9: {  	s31 =	sshll.u32 s1, $0xD;
	s1 =	sshrl.u32 s1, $0x2  }
0xba: {  	s3 =	sand.u32 $0x4000, s31;
	s1 =	sadd.s32 s1, s30  }
0xbb: {  	s0 =	sor.u32 s3, s0;
	s1 =	sshll.u32 s1, $0x11  }
0xbc: {  	s0 =	sor.u32 s1, s0  }
0xbd: {  	s0 =	sadd.s32 $0x8F2B, s0  }
0xbe: {  	[sflag:s0] =	ssyncadd.remote.s32 $0x1  }
0xbf: {  	_ =	sfence.sel $0xFFFF  }
0xc0: {  	[dreg:$0x0] =	wrdreg $0xFFFFFFFF;
	(pc) =	sbr.abs _section_cstart, $3  }
0xc1: {  	[dreg:$0x1] =	wrdreg $0xFFFFFFFF  }
0xc2: {  	_ =	task.clear_ibuf [dreg:s7], $0x2FFFF;
	_ =	strace $0x9FFFFFFF  }
0xc3: {  	(tm) =	ssettm $0x7FFFFFFF  }
tec
execute0_lowered:
.L_overlay_start_1:
0x0: {  	(tag) =	ssettag $0x1  }
0x1: {  	s0 =	rddreg [dreg:$0x0]  }
0x2: {  	s1 =	rddreg [dreg:$0x1]  }
0x3: {  	s2 =	rddreg [dreg:$0x2];
	s3 =	stileid.u32  }
0x4: {  	s4 =	srdreg.scid;
	s5 =	simm.s32 $0x0;
	s14 =	simm.s32 $0xB  }
0x5: {  	s16 =	simm.s32 $0x50;
	s17 =	simm.s32 $0x9C40;
	s18 =	simm.s32 $0xA640  }
0x6: {  	s20 =	simm.s32 $0xB040;
	s28 =	simm.s32 $0x6;
	s29 =	simm.s32 $0x7  }
0x7: {  	s30 =	simm.s32 $0x8;
	s31 =	simm.s32 $0x9;
	s15 =	simm.s32 $0x4  }
0x8: {  	s19 =	simm.s32 $0x0;
	s6 =	sand.u32 $0x1, s4;
	s7 =	smul.u32 $0x5000, s3  }
0x9: {  	[smem:$0x7FF] =	sst s5;
	s4 =	sadd.s32 $0x48200, s0;
	s9 =	smul.u32 $0x9C4, s3  }
0xa: {  	s5 =	sadd.s32 $0x3E400, s0;
	s23 =	sshll.u32 s3, $0x6;
	s8 =	smul.u32 $0x50000, s6  }
0xb: {  	_ =	strace $0x8000004D;
	s10 =	ssub.s32 $0x2, s6;
	p0 =	seq.s32 s6, $0x0  }
0xc: {  	s12 =	smov.u32 s5;
	s9 =	sadd.s32 s9, s0;
	s11 =	sshrl.u32 s10, $0x1  }
0xd: {  	s22 =	sshrl.u32 s7, $0x3;
	s13 =	sadd.s32 s7, s2;
	s12 =	smov.u32 @p0 s4  }
0xe: {  	p0 =	sne.s32 s6, $0x0;
	s8 =	sadd.s32 s7, s8;
	s21 =	ssub.s32 s10, s11  }
0xf: {  	s1 =	sadd.s32 s1, s22;
	s7 =	sor.u32 $0x1C0B, s23;
	s24 =	sadd.s32 $0x3600, s9  }
0x10: {  	s25 =	sadd.s32 $0xD400, s9;
	s13 =	sshrl.u32 s13, $0x3;
	[dreg:$0x4] =	wrdreg s1  }
.Ltmp0:
0x11: {  	s22 =	simm.s32 $0xBA40;
	[dreg:$0x5] =	wrdreg s24;
	(pc) =	sbr.rel .LBB2_1-.Ltmp0, $4  }
0x12: {  	s23 =	simm.s32 $0x1;
	s8 =	sshrl.u32 s8, $0x3;
	[dreg:$0x6] =	wrdreg s25  }
0x13: {  	s26 =	smax.u32 s21, $0x1;
	s24 =	simm.s32 $0xC440;
	s0 =	sadd.s32 s8, s0  }
0x14: {  	s25 =	simm.s32 $0x2;
	[dreg:$0x8] =	wrdreg s26;
	s0 =	sadd.s32 $0x52000, s0  }
0x15: {  	s1 =	simm.s32 $0x3;
	s26 =	simm.s32 $0x5;
	[dreg:$0x7] =	wrdreg s0  }
.LBB2_7:
0x16: {  	_ =	swait.ge [sflag:s1], $0xA00  }
0x17: {  	[sflag:s1] =	ssyncset.done $0x0  }
0x18: {  	[sflag:s1] =	ssyncadd.s32 $0xFFFFF600  }
0x19: {  	[spmem:s2] =	stream.indirect.scatter.add.f32 [tilespmem:s20], [sflag:$0x8], $0x20, s9, s16, $0xb8;
	[tilespmem:$0x11E40] =	vst v63  }
0x1a: {  	_ =	swait.ge [sflag:s15], $0xA00  }
0x1b: {  	[sflag:s15] =	ssyncset.done $0x0  }
0x1c: {  	s0 =	sadd.s32 $0x4F10, s21;
	[sflag:s15] =	ssyncadd.s32 $0xFFFFF600  }
0x1d: {  	[spmem:s2] =	stream.indirect.scatter.add.f32 [tilespmem:s22], [sflag:$0x9], $0x20, s0, s16, $0xb8;
	[tilespmem:$0x11E40] =	vst v63  }
0x1e: {  	_ =	swait.ge [sflag:s26], $0xA00  }
0x1f: {  	[sflag:s26] =	ssyncset.done $0x0  }
0x20: {  	s21 =	sadd.s32 $0x4F60, s21;
	[sflag:s26] =	ssyncadd.s32 $0xFFFFF600  }
0x21: {  	[spmem:s2] =	stream.indirect.scatter.add.f32 [tilespmem:s24], [sflag:$0xA], $0x20, s21, s16, $0xb8;
	[tilespmem:$0x11E40] =	vst v63  }
.LBB2_8:
0x22: {  	_ =	swait.ge [sflag:s28], $0xA00  }
0x23: {  	[sflag:s28] =	ssyncset.done $0x0  }
0x24: {  	[sflag:s28] =	ssyncadd.s32 $0xFFFFF600  }
0x25: {  	_ =	swait.ge [sflag:s29], $0xA00  }
0x26: {  	[sflag:s29] =	ssyncset.done $0x0  }
0x27: {  	[sflag:s29] =	ssyncadd.s32 $0xFFFFF600  }
0x28: {  	_ =	swait.ge [sflag:s30], $0xA00  }
0x29: {  	[sflag:s30] =	ssyncset.done $0x0  }
0x2a: {  	[sflag:s30] =	ssyncadd.s32 $0xFFFFF600  }
0x2b: {  	_ =	swait.ge [sflag:s31], $0xA00  }
0x2c: {  	[sflag:s31] =	ssyncset.done $0x0  }
0x2d: {  	s0 =	simm.s32 $0xA;
	[sflag:s31] =	ssyncadd.s32 $0xFFFFF600  }
0x2e: {  	_ =	swait.ge [sflag:s0], $0xA00  }
0x2f: {  	[sflag:s0] =	ssyncset.done $0x0  }
0x30: {  	[sflag:s0] =	ssyncadd.s32 $0xFFFFF600  }
0x31: {  	[bflag:$0x0] =	sbarrier.arrive $0xFFFF  }
0x32: {  	s11 =	rddreg [dreg:$0x7]  }
0x33: {  	[hbm:s11], [sflag:s7] =	dma.local [spmem:s13], $0xA00  }
0x34: {  	_ =	swait.ge [sflag:s14], $0xA00  }
0x35: {  	s19 =	sadd.s32 $0x1, s19;
	s21 =	rddreg [dreg:$0x8]  }
0x36: {  	p1 =	sne.s32 s19, s21  }
.Ltmp1:
0x37: {  	_ = 	snop;
	(pc) =	sbr.rel @!p1 .LBB2_9-.Ltmp1, $3  }
0x38: {  	_ =	sdelay $0x1  }
0x39: {  	[sflag:s14] =	ssyncset.done $0x0  }
0x3a: {  	[sflag:s14] =	ssyncadd.s32 $0xFFFFF600  }
.LBB2_1:
0x3b: {  	s0 =	rddreg [dreg:$0x4]  }
0x3c: {  	[spmem:s13], [sflag:s7] =	dma.local [hbm:s0], $0xA00  }
0x3d: {  	_ =	swait.ge [sflag:s14], $0xA00  }
0x3e: {  	[sflag:s14] =	ssyncset.done $0x0  }
0x3f: {  	s9 =	simm.s32 $0x0;
	s3 =	rddreg [dreg:$0x5];
	[sflag:s14] =	ssyncadd.s32 $0xFFFFF600  }
0x40: {  	[tilespmem:s9], [sflag:$0xB] =	stream.linear.gather [hbm4b:s3+s9], $0x4E20, $0x38;
	[tilespmem:$0x11E40] =	vst v63  }
0x41: {  	_ =	swait.ge [sflag:s14], $0x4E20  }
0x42: {  	[sflag:s14] =	ssyncset.done $0x0  }
0x43: {  	s6 =	simm.s32 $0x4E20;
	s10 =	rddreg [dreg:$0x6];
	[sflag:s14] =	ssyncadd.s32 $0xFFFFB1E0  }
0x44: {  	[tilespmem:s6], [sflag:$0xB] =	stream.linear.gather [hbm4b:s10+s9], $0x4E20, $0x38;
	[tilespmem:$0x11E40] =	vst v63  }
0x45: {  	_ =	swait.ge [sflag:s14], $0x4E20  }
0x46: {  	[sflag:s14] =	ssyncset.done $0x0  }
0x47: {  	[sflag:s14] =	ssyncadd.s32 $0xFFFFB1E0  }
0x48: {  	[bflag:$0x0] =	sbarrier.arrive $0xFFFF  }
0x49: {  	[tilespmem:s17], [sflag:$0x1] =	stream.indirect.gather [hbm4b:s12+s16], $0x20, s9, s16, $0xb8;
	[tilespmem:$0x11E40] =	vst v63  }
0x4a: {  	_ = 	snop  }
0x4b: {  	[tilespmem:s18], [sflag:$0x2] =	stream.indirect.gather [hbm4b:s12+s16], $0x20, s16, s16, $0xb8;
	[tilespmem:$0x11E40] =	vst v63  }
.Ltmp2:
0x4c: {  	_ = 	snop;
	(pc) =	sbr.rel .LBB2_2-.Ltmp2, $4  }
0x4d: {  	s11 =	simm.s32 $0xA0  }
0x4e: {  	[tilespmem:s20], [sflag:$0x3] =	stream.indirect.gather [hbm4b:s12+s16], $0x20, s11, s16, $0xb8;
	[tilespmem:$0x11E40] =	vst v63  }
0x4f: {  	s21 =	simm.s32 $0xF0;
	s8 =	simm.s32 $0x0;
	s6 =	simm.s32 $0x0  }
0x50: {  	[tilespmem:s22], [sflag:$0x4] =	stream.indirect.gather [hbm4b:s12+s16], $0x20, s21, s16, $0xb8;
	[tilespmem:$0x11E40] =	vst v63  }
.LBB2_3:
0x51: {  	[tilespmem:s24], [sflag:$0x5] =	stream.indirect.gather [hbm4b:s4+s16], $0x20, s10, s16, $0xb8;
	[tilespmem:$0x11E40] =	vst v63  }
0x52: {  	_ =	swait.ge [sflag:s25], $0xA00  }
0x53: {  	[sflag:s25] =	ssyncset.done $0x0  }
0x54: {  	[sflag:s25] =	ssyncadd.s32 $0xFFFFF600  }
0x55: {  	[spmem:s2] =	stream.indirect.scatter.add.f32 [tilespmem:s18], [sflag:$0x7], $0x20, s9, s16, $0xb8;
	[tilespmem:$0x11E40] =	vst v63  }
0x56: {  	s9 =	simm.s32 @p1 $0x3  }
0x57: {  	_ =	swait.ge @p1 [sflag:s9], $0xA00  }
0x58: {  	[sflag:s9] =	ssyncset.done @p1 $0x0  }
0x59: {  	[sflag:s9] =	ssyncadd.s32 @p1 $0xFFFFF600;
	s9 =	sshra.s32 @p1 s8, $0x2  }
0x5a: {  	s11 =	simm.s32 @p1 $0x50;
	s3 =	simm.s32 @p1 $0xB040;
	s10 =	sadd.s32 @p1 $0x4EC0, s9  }
0x5b: {  	[spmem:s2] =	stream.indirect.scatter.add.f32 @p1 [tilespmem:s3], [sflag:$0x8], $0x20, s10, s11, $0xb8;
	[tilespmem:$0x11E40] =	vst v63  }
0x5c: {  	s3 =	simm.s32 @p1 $0x4  }
0x5d: {  	_ =	swait.ge @p1 [sflag:s3], $0xA00  }
0x5e: {  	[sflag:s3] =	ssyncset.done @p1 $0x0  }
0x5f: {  	[sflag:s3] =	ssyncadd.s32 @p1 $0xFFFFF600;
	s3 =	sadd.s32 @p1 $0x4F10, s9;
	s9 =	simm.s32 @p1 $0xBA40  }
0x60: {  	[spmem:s2] =	stream.indirect.scatter.add.f32 @p1 [tilespmem:s9], [sflag:$0x9], $0x20, s3, s11, $0xb8;
	[tilespmem:$0x11E40] =	vst v63  }
0x61: {  	s3 =	simm.s32 @!p1 $0x6  }
0x62: {  	_ =	swait.ge @!p1 [sflag:s3], $0xA00  }
0x63: {  	[sflag:s3] =	ssyncset.done @!p1 $0x0  }
0x64: {  	[sflag:s3] =	ssyncadd.s32 @!p1 $0xFFFFF600;
	s3 =	sshra.s32 @!p1 s8, $0x2  }
0x65: {  	s10 =	simm.s32 @!p1 $0x50;
	s11 =	simm.s32 @!p1 $0x9C40;
	s9 =	sadd.s32 @!p1 $0x190, s3  }
0x66: {  	[tilespmem:s11], [sflag:$0x1] =	stream.indirect.gather @!p1 [hbm4b:s4+s10], $0x20, s9, s10, $0xb8;
	[tilespmem:$0x11E40] =	vst v63  }
0x67: {  	s9 =	simm.s32 @!p1 $0x3  }
0x68: {  	_ =	swait.ge @!p1 [sflag:s9], $0xA00  }
0x69: {  	[sflag:s9] =	ssyncset.done @!p1 $0x0  }
0x6a: {  	s11 =	simm.s32 @!p1 $0xB040;
	[sflag:s9] =	ssyncadd.s32 @!p1 $0xFFFFF600;
	s9 =	sadd.s32 @!p1 $0x4EC0, s3  }
0x6b: {  	[spmem:s2] =	stream.indirect.scatter.add.f32 @!p1 [tilespmem:s11], [sflag:$0x8], $0x20, s9, s10, $0xb8;
	[tilespmem:$0x11E40] =	vst v63  }
0x6c: {  	s9 =	simm.s32 @!p1 $0x7  }
0x6d: {  	_ =	swait.ge @!p1 [sflag:s9], $0xA00  }
0x6e: {  	[sflag:s9] =	ssyncset.done @!p1 $0x0  }
0x6f: {  	s0 =	simm.s32 @!p1 $0xA640;
	[sflag:s9] =	ssyncadd.s32 @!p1 $0xFFFFF600;
	s9 =	sadd.s32 @!p1 $0x1E0, s3  }
0x70: {  	[tilespmem:s0], [sflag:$0x2] =	stream.indirect.gather @!p1 [hbm4b:s4+s10], $0x20, s9, s10, $0xb8;
	[tilespmem:$0x11E40] =	vst v63  }
0x71: {  	s0 =	simm.s32 @!p1 $0x4  }
0x72: {  	_ =	swait.ge @!p1 [sflag:s0], $0xA00  }
0x73: {  	[sflag:s0] =	ssyncset.done @!p1 $0x0  }
0x74: {  	s9 =	simm.s32 @!p1 $0xBA40;
	[sflag:s0] =	ssyncadd.s32 @!p1 $0xFFFFF600;
	s0 =	sadd.s32 @!p1 $0x4F10, s3  }
0x75: {  	[spmem:s2] =	stream.indirect.scatter.add.f32 @!p1 [tilespmem:s9], [sflag:$0x9], $0x20, s0, s10, $0xb8;
	[tilespmem:$0x11E40] =	vst v63  }
0x76: {  	s0 =	simm.s32 @!p1 $0x8  }
0x77: {  	_ =	swait.ge @!p1 [sflag:s0], $0xA00  }
0x78: {  	[sflag:s0] =	ssyncset.done @!p1 $0x0  }
0x79: {  	[sflag:s0] =	ssyncadd.s32 @!p1 $0xFFFFF600;
	s0 =	sadd.s32 @!p1 $0x230, s3  }
0x7a: {  	[tilespmem:s11], [sflag:$0x3] =	stream.indirect.gather @!p1 [hbm4b:s4+s10], $0x20, s0, s10, $0xb8;
	[tilespmem:$0x11E40] =	vst v63  }
.Ltmp3:
0x7b: {  	_ = 	snop;
	(pc) =	sbr.rel @p1 .LBB2_8-.Ltmp3, $4  }
0x7c: {  	_ =	swait.ge [sflag:s26], $0xA00  }
0x7d: {  	[sflag:s26] =	ssyncset.done $0x0  }
0x7e: {  	s9 =	smov.u32 s4;
	s11 =	sadd.s32 $0x4F60, s21;
	[sflag:s26] =	ssyncadd.s32 $0xFFFFF600  }
0x7f: {  	[spmem:s2] =	stream.indirect.scatter.add.f32 [tilespmem:s24], [sflag:$0xA], $0x20, s11, s16, $0xb8;
	[tilespmem:$0x11E40] =	vst v63  }
.LBB2_6:
0x80: {  	_ =	swait.ge [sflag:s31], $0xA00  }
0x81: {  	s0 =	sadd.s32 $0x280, s21;
	[sflag:s31] =	ssyncset.done $0x0  }
0x82: {  	s8 =	sadd.s32 $0x640, s8;
	s6 =	sadd.s32 $0xFFFFFFFF, s6;
	[sflag:s31] =	ssyncadd.s32 $0xFFFFF600  }
0x83: {  	[tilespmem:s22], [sflag:$0x4] =	stream.indirect.gather [hbm4b:s9+s16], $0x20, s0, s16, $0xb8;
	[tilespmem:$0x11E40] =	vst v63  }
.LBB2_2:
0x84: {  	_ =	swait.ge [sflag:s23], $0xA00  }
0x85: {  	s21 =	sshra.s32 s8, $0x2;
	[sflag:s23] =	ssyncset.done $0x0  }
0x86: {  	s9 =	sadd.s32 $0x4E20, s21;
	[sflag:s23] =	ssyncadd.s32 $0xFFFFF600  }
0x87: {  	[spmem:s2] =	stream.indirect.scatter.add.f32 [tilespmem:s17], [sflag:$0x6], $0x20, s9, s16, $0xb8;
	[tilespmem:$0x11E40] =	vst v63  }
.Ltmp4:
0x88: {  	p1 =	seq.s32 s6, $0x0;
	(pc) =	sbr.rel @!p0 .LBB2_3-.Ltmp4, $4  }
0x89: {  	s9 =	simm.s32 @!p1 $0xA  }
0x8a: {  	_ =	swait.ge @!p1 [sflag:s9], $0xA00  }
0x8b: {  	s10 =	sadd.s32 $0x140, s21;
	[sflag:s9] =	ssyncset.done @!p1 $0x0  }
0x8c: {  	[sflag:s9] =	ssyncadd.s32 @!p1 $0xFFFFF600;
	s9 =	sadd.s32 $0x4E70, s21;
	p1 =	seq.s32 s6, $0xFFFFFFCF  }
0x8d: {  	[tilespmem:s24], [sflag:$0x5] =	stream.indirect.gather [hbm4b:s5+s16], $0x20, s10, s16, $0xb8;
	[tilespmem:$0x11E40] =	vst v63  }
.Ltmp5:
0x8e: {  	_ =	swait.ge [sflag:s25], $0xA00;
	(pc) =	sbr.rel @p1 .LBB2_7-.Ltmp5, $4  }
0x8f: {  	[sflag:s25] =	ssyncset.done $0x0  }
0x90: {  	[sflag:s25] =	ssyncadd.s32 $0xFFFFF600  }
0x91: {  	[spmem:s2] =	stream.indirect.scatter.add.f32 [tilespmem:s18], [sflag:$0x7], $0x20, s9, s16, $0xb8;
	[tilespmem:$0x11E40] =	vst v63  }
0x92: {  	s9 =	sadd.s32 $0x4EC0, s21  }
0x93: {  	_ =	swait.ge [sflag:s28], $0xA00  }
0x94: {  	[sflag:s28] =	ssyncset.done $0x0  }
0x95: {  	s0 =	sadd.s32 $0x190, s21;
	[sflag:s28] =	ssyncadd.s32 $0xFFFFF600  }
0x96: {  	[tilespmem:s17], [sflag:$0x1] =	stream.indirect.gather [hbm4b:s5+s16], $0x20, s0, s16, $0xb8;
	[tilespmem:$0x11E40] =	vst v63  }
0x97: {  	_ =	swait.ge [sflag:s1], $0xA00  }
0x98: {  	[sflag:s1] =	ssyncset.done $0x0  }
0x99: {  	[sflag:s1] =	ssyncadd.s32 $0xFFFFF600  }
0x9a: {  	[spmem:s2] =	stream.indirect.scatter.add.f32 [tilespmem:s20], [sflag:$0x8], $0x20, s9, s16, $0xb8;
	[tilespmem:$0x11E40] =	vst v63  }
0x9b: {  	_ =	swait.ge [sflag:s29], $0xA00  }
0x9c: {  	[sflag:s29] =	ssyncset.done $0x0  }
0x9d: {  	s3 =	sadd.s32 $0x1E0, s21;
	[sflag:s29] =	ssyncadd.s32 $0xFFFFF600  }
0x9e: {  	[tilespmem:s18], [sflag:$0x2] =	stream.indirect.gather [hbm4b:s5+s16], $0x20, s3, s16, $0xb8;
	[tilespmem:$0x11E40] =	vst v63  }
0x9f: {  	_ =	swait.ge [sflag:s15], $0xA00  }
0xa0: {  	[sflag:s15] =	ssyncset.done $0x0  }
0xa1: {  	s9 =	sadd.s32 $0x4F10, s21;
	[sflag:s15] =	ssyncadd.s32 $0xFFFFF600  }
0xa2: {  	[spmem:s2] =	stream.indirect.scatter.add.f32 [tilespmem:s22], [sflag:$0x9], $0x20, s9, s16, $0xb8;
	[tilespmem:$0x11E40] =	vst v63  }
0xa3: {  	_ =	swait.ge [sflag:s30], $0xA00  }
0xa4: {  	[sflag:s30] =	ssyncset.done $0x0  }
0xa5: {  	s10 =	sadd.s32 $0x230, s21;
	[sflag:s30] =	ssyncadd.s32 $0xFFFFF600  }
0xa6: {  	[tilespmem:s20], [sflag:$0x3] =	stream.indirect.gather [hbm4b:s5+s16], $0x20, s10, s16, $0xb8;
	[tilespmem:$0x11E40] =	vst v63  }
.Ltmp6:
0xa7: {  	_ = 	snop;
	(pc) =	sbr.rel .LBB2_6-.Ltmp6, $4  }
0xa8: {  	_ =	swait.ge [sflag:s26], $0xA00  }
0xa9: {  	[sflag:s26] =	ssyncset.done $0x0  }
0xaa: {  	s11 =	sadd.s32 $0x4F60, s21;
	s9 =	smov.u32 s5;
	[sflag:s26] =	ssyncadd.s32 $0xFFFFF600  }
0xab: {  	[spmem:s2] =	stream.indirect.scatter.add.f32 [tilespmem:s24], [sflag:$0xA], $0x20, s11, s16, $0xb8;
	[tilespmem:$0x11E40] =	vst v63  }
.LBB2_9:
0xac: {  	_ =	sfence.sel $0x180000  }
0xad: {  	[bflag:$0x0] =	sbarrier.arrive $0xFFFF  }
0xae: {  	_ =	strace $0x9000004D  }
0xaf: {  	s0 =	stileid.u32;
	[bflag:$0x2] =	sbarrier.arrive $0xFFFF  }
0xb0: {  	p0 =	sne.s32 s0, $0x0;
	s0 =	rddreg [dreg:$0x3]  }
0xb1: {  	s0 =	sadd.s32 @!p0 $0x100000, s0  }
0xb2: {  	[sflag:s0] =	ssyncadd.tile.s32 @!p0 $0x1;
	_ =	shalt  }
.Lfunc_end2:
_tile_overlayer_lowered:
.L_overlay_start_2:
0xb3: {  	(tag) =	ssettag $0x2  }
0xb4: {  	s0 =	rddreg [dreg:$0x0];
	s2 =	stileid.u32  }
0xb5: {  	s1 =	rddreg [dreg:$0x1];
	p0 =	sne.s32 s2, $0x0  }
0xb6: {  	s3 =	rddreg [dreg:$0x2];
	[bflag:$0x3] =	sbarrier.arrive $0xFFFF;
	s2 =	simm.s32 @!p0 $0x1C0B  }
0xb7: {  	[timem:s3], [sflag:s2] =	dma.local @!p0 [hbm:s0], s1  }
0xb8: {  	s0 =	simm.s32 @!p0 $0xB  }
0xb9: {  	_ =	swait.ge @!p0 [sflag:s0], s1  }
0xba: {  	s1 =	ssub.s32 @!p0 $0x0, s1;
	[sflag:s0] =	ssyncset.done @!p0 $0x0  }
0xbb: {  	[sflag:s0] =	ssyncadd.s32 @!p0 s1  }
0xbc: {  	[bflag:$0x3] =	sbarrier.arrive $0xFFFF  }
0xbd: {  	_ =	shalt  }

// kernel: kernel.8.cloned.1.call-start
scs
__scs_entry_jumppad:
0x0: {  	(pc) =	sbr.rel $0x88, $3  }
0x1: {  	(tag) =	ssettag $0x0;
	lr =	simm.s32 $0x1  }
0x2: {  	[smem:$0x3F9B] =	sst lr;
	_ =	strace $0xD0000000  }
0x3: {  	_ = 	snop  }
0x4: {  	_ = 	snop  }
0x5: {  	_ = 	snop  }
0x6: {  	_ = 	snop  }
0x7: {  	_ = 	snop  }
__scs_overlays_trampoline_lowered:
0x8: {  	[smem:$0x3FAA] =	sst s0  }
0x9: {  	[smem:$0x3FAB] =	sst s1  }
0xa: {  	[smem:$0x3FAC] =	sst s2  }
0xb: {  	[smem:$0x3FAD] =	sst s3  }
0xc: {  	[smem:$0x3FAE] =	sst s4  }
0xd: {  	[smem:$0x3FAF] =	sst s5  }
0xe: {  	[smem:$0x3FB0] =	sst s6  }
0xf: {  	[smem:$0x3FB1] =	sst s7  }
0x10: {  	[smem:$0x3FB2] =	sst s8  }
0x11: {  	[smem:$0x3FB3] =	sst s9;
	s0 =	simm.s32 @!p0 $0x0  }
0x12: {  	s1 =	sld [smem:$0x3F99];
	s0 =	simm.s32 @p0 $0x1  }
0x13: {  	[smem:$0x3FB4] =	sst s0;
	s0 =	simm.s32 @!p1 $0x0  }
0x14: {  	s2 =	sld [smem:$0x3F98];
	s0 =	simm.s32 @p1 $0x1  }
0x15: {  	[smem:$0x3FB5] =	sst s0;
	s0 =	simm.s32 @!p2 $0x0  }
0x16: {  	s3 =	sld [smem:$0x3FDB];
	s0 =	simm.s32 @p2 $0x1  }
0x17: {  	s4 =	simm.s32 $0x1BF5;
	[smem:$0x3FB7] =	sst s0  }
0x18: {  	s0 =	sld [smem:$0x3F9A];
	_ =	swait.ge [sflag:s4], $0x0  }
0x19: {  	s7 =	sld [smem:$0x3F9B]  }
0x1a: {  	s8 =	sadd.s32 $0xFFFFE003, lr  }
0x1b: {  	s9 =	sadd.s32 $0xFFFFFEF7, lr;
	s5 =	simm.s32 $0xFFFFFFFF;
	p2 =	slt.u32 s8, $0xFFFFF086  }
0x1c: {  	p1 =	slt.u32 s9, $0xF7A;
	s5 =	simm.s32 @!p2 $0x0  }
0x1d: {  	s5 =	simm.s32 @p1 $0x1;
	p0 =	seq.s32 s7, s2  }
0x1e: {  	s7 =	smul.u32 @!p0 $0xF7A, s2;
	p2 =	seq.s32 @!p0 s5, $0x0  }
0x1f: {  	s9 =	smul.u32 $0xF7A, s1;
	s8 =	simm.s32 @!p0 $0x1BF5;
	p2 =	por !p2, p0  }
0x20: {  	[sflag:s8] =	ssyncset.s32 @!p0 $0xFFFFF086;
	s6 =	sadd.s32 @!p0 s3, s7;
	s7 =	simm.s32 @!p0 $0x108  }
0x21: {  	s3 =	sadd.s32 s3, s9;
	s6 =	sadd.s32 @!p0 $0x88, s6;
	s7 =	simm.s32 @p2 $0x1082  }
0x22: {  	[simem:s7], [sflag:s8] =	dma.local @!p0 [hbm:s6], $0xF7A  }
0x23: {  	s9 =	sor.u32 $0xD0000000, s2;
	s6 =	simm.s32 $0x108;
	_ =	swait.ge @!p0 [sflag:s8], $0x0  }
0x24: {  	s3 =	sadd.s32 $0x88, s3;
	s6 =	simm.s32 @!p1 $0x1082;
	[sflag:s4] =	ssyncset.s32 $0xFFFFF086  }
0x25: {  	[simem:s6], [sflag:s4] =	dma.local [hbm:s3], $0xF7A  }
0x26: {  	[smem:$0x3F9B] =	sst s1;
	(tag) =	ssettag s2;
	_ =	strace s9  }
0x27: {  	s1 =	sld [smem:$0x3FAB]  }
0x28: {  	s2 =	sld [smem:$0x3FAC]  }
0x29: {  	s4 =	sld [smem:$0x3FAE]  }
0x2a: {  	p0 =	seq.s32 s5, $0x0;
	s5 =	sld [smem:$0x3FAF]  }
0x2b: {  	s6 =	sld [smem:$0x3FB0]  }
0x2c: {  	s7 =	sld [smem:$0x3FB1]  }
0x2d: {  	s3 =	simm.s32 $0x108;
	s8 =	sld [smem:$0x3FB2]  }
0x2e: {  	s3 =	simm.s32 @!p0 $0x1082;
	s9 =	sld [smem:$0x3FB3]  }
0x2f: {  	lr =	sadd.s32 s0, s3;
	s0 =	sld [smem:$0x3FAA]  }
0x30: {  	s3 =	sld [smem:$0x3FAD]  }
0x31: {  	[smem:$0x3FB6] =	sst s10  }
0x32: {  	s10 =	sld [smem:$0x3FB4];
	_ =	sdelay $0x3  }
0x33: {  	p0 =	seq.s32 s10, $0x1;
	s10 =	sld [smem:$0x3FB6];
	_ =	sdelay $0x3  }
0x34: {  	[smem:$0x3FB6] =	sst s10  }
0x35: {  	s10 =	sld [smem:$0x3FB5];
	_ =	sdelay $0x3  }
0x36: {  	p1 =	seq.s32 s10, $0x1;
	s10 =	sld [smem:$0x3FB6];
	_ =	sdelay $0x3  }
0x37: {  	[smem:$0x3FB6] =	sst s10  }
0x38: {  	s10 =	sld [smem:$0x3FB7]  }
0x39: {  	_ = 	snop;
	(pc) =	sbr.ind lr, $3  }
0x3a: {  	_ = 	snop  }
0x3b: {  	_ = 	snop  }
0x3c: {  	p2 =	seq.s32 s10, $0x1;
	s10 =	sld [smem:$0x3FB6]  }
0x3d: {  	_ =	shalt  }
0x3e: {  	_ =	shalt  }
0x3f: {  	_ =	shalt  }
0x40: {  	_ =	shalt  }
0x41: {  	_ =	shalt  }
0x42: {  	_ =	shalt  }
0x43: {  	_ =	shalt  }
0x44: {  	_ =	shalt  }
0x45: {  	_ =	shalt  }
0x46: {  	_ =	shalt  }
0x47: {  	_ =	shalt  }
0x48: {  	_ =	shalt  }
0x49: {  	_ =	shalt  }
0x4a: {  	_ =	shalt  }
0x4b: {  	_ =	shalt  }
0x4c: {  	_ =	shalt  }
0x4d: {  	_ =	shalt  }
0x4e: {  	_ =	shalt  }
0x4f: {  	_ =	shalt  }
0x50: {  	_ =	shalt  }
0x51: {  	_ =	shalt  }
0x52: {  	_ =	shalt  }
0x53: {  	_ =	shalt  }
0x54: {  	_ =	shalt  }
0x55: {  	_ =	shalt  }
0x56: {  	_ =	shalt  }
0x57: {  	_ =	shalt  }
0x58: {  	_ =	shalt  }
0x59: {  	_ =	shalt  }
0x5a: {  	_ =	shalt  }
0x5b: {  	_ =	shalt  }
0x5c: {  	_ =	shalt  }
0x5d: {  	_ =	shalt  }
0x5e: {  	_ =	shalt  }
0x5f: {  	_ =	shalt  }
0x60: {  	_ =	shalt  }
0x61: {  	_ =	shalt  }
0x62: {  	_ =	shalt  }
0x63: {  	_ =	shalt  }
0x64: {  	_ =	shalt  }
0x65: {  	_ =	shalt  }
0x66: {  	_ =	shalt  }
0x67: {  	_ =	shalt  }
0x68: {  	_ =	shalt  }
0x69: {  	_ =	shalt  }
0x6a: {  	_ =	shalt  }
0x6b: {  	_ =	shalt  }
0x6c: {  	_ =	shalt  }
0x6d: {  	_ =	shalt  }
0x6e: {  	_ =	shalt  }
0x6f: {  	_ =	shalt  }
0x70: {  	_ =	shalt  }
0x71: {  	_ =	shalt  }
0x72: {  	_ =	shalt  }
0x73: {  	_ =	shalt  }
0x74: {  	_ =	shalt  }
0x75: {  	_ =	shalt  }
0x76: {  	_ =	shalt  }
0x77: {  	_ =	shalt  }
0x78: {  	_ =	shalt  }
0x79: {  	_ =	shalt  }
0x7a: {  	_ =	shalt  }
0x7b: {  	_ =	shalt  }
0x7c: {  	_ =	shalt  }
0x7d: {  	_ =	shalt  }
0x7e: {  	_ =	shalt  }
0x7f: {  	_ =	shalt  }
0x80: {  	_ =	shalt  }
0x81: {  	_ =	shalt  }
0x82: {  	_ =	shalt  }
0x83: {  	_ =	shalt  }
0x84: {  	_ =	shalt  }
0x85: {  	_ =	shalt  }
0x86: {  	_ =	shalt  }
0x87: {  	_ =	shalt  }
.Lfunc_end0:
.L_simem_size_0:
called_computation_lowered:
.L_overlay_start_0:
0x88: {  	s2 =	sld [smem:$0x3FD9]  }
0x89: {  	s3 =	sld [smem:$0x3FFE];
	_ =	sdelay $0x1  }
0x8a: {  	s1 =	srdreg.scid  }
0x8b: {  	s0 =	sand.u32 $0x1, s1  }
0x8c: {  	s17 =	sshll.u32 s0, $0xA;
	s2 =	sadd.s32 s3, s2  }
0x8d: {  	s2 =	sadd.s32 s2, s17  }
0x8e: {  	[smem:$0x3FC2] =	sst s2  }
0x8f: {  	_ = 	snop  }
0x90: {  	s2 =	sld [smem:$0x3FD0];
	(tm) =	ssettm $0x1  }
0x91: {  	s18 =	sld [smem:$0x3FFB];
	_ =	sdelay $0x3  }
0x92: {  	_ =	strace s18  }
0x93: {  	s3 =	sld [smem:$0x3FFC];
	_ =	sdelay $0x3  }
0x94: {  	_ =	strace s3  }
0x95: {  	s3 =	sld [smem:$0x3FFD];
	_ =	sdelay $0x3  }
0x96: {  	_ =	strace s3  }
0x97: {  	_ =	strace $0x8FFFFFFF  }
0x98: {  	s19 =	sld [smem:$0x3FDB];
	_ =	sdelay $0x1  }
0x99: {  	s4 =	simm.s32 $_scs_section_size  }
0x9a: {  	s5 =	simm.s32 $_size__tile_overlayer_lowered;
	s6 =	simm.s32 $_tile_overlayer_lowered  }
0x9b: {  	s22 =	simm.s32 $0x1BFF;
	s21 =	sshll.u32 s6, $0x1;
	s3 =	sadd.s32 s4, s19  }
0x9c: {  	s7 =	simm.s32 $0x0;
	s20 =	sshll.u32 s5, $0x1;
	s5 =	sadd.s32 s21, s3  }
0x9d: {  	[timem:s7], [sflag:s22] =	dma.local [hbm:s5], s20  }
0x9e: {  	_ =	swait.ge [sflag:s22], s20  }
0x9f: {  	s4 =	ssub.s32 $0x0, s20;
	[sflag:s22] =	ssyncset.done $0x0  }
0xa0: {  	[sflag:s22] =	ssyncadd.s32 s4;
	_ =	sdelay $0x1  }
0xa1: {  	s23 =	simm.s32 $0x1B8B  }
0xa2: {  	_ =	swait.ge [sflag:s23], $0x1  }
0xa3: {  	[sflag:s23] =	ssyncset.done $0x0  }
0xa4: {  	s25 =	simm.s32 $0x1B8E;
	s24 =	sld [smem:$0x3FFE];
	[sflag:s23] =	ssyncadd.s32 $0xFFFFFFFF  }
0xa5: {  	s26 =	simm.s32 $execute0_lowered;
	[smem:$0x3FD2] =	sst s25  }
0xa6: {  	s5 =	sshll.u32 s26, $0x1;
	_ =	strace $0x80000046;
	[dreg:$0x1] =	wrdreg $0xFFFFFFFF  }
0xa7: {  	s28 =	simm.s32 $_size_execute0_lowered;
	s3 =	sadd.s32 s3, s5;
	[dreg:$0x0] =	wrdreg $0x0  }
0xa8: {  	s5 =	sshll.u32 s28, $0x1;
	[dreg:$0x2] =	wrdreg s3  }
0xa9: {  	[dreg:$0x3] =	wrdreg s5  }
0xaa: {  	[dreg:$0x4] =	wrdreg $0xC0  }
0xab: {  	_ =	task [dreg:s7], $0x5FFFF  }
0xac: {  	[dreg:$0x1] =	wrdreg $0xFFFFFFFF  }
0xad: {  	[dreg:$0x0] =	wrdreg $0x60  }
0xae: {  	[dreg:$0x2] =	wrdreg s24  }
0xaf: {  	[dreg:$0x3] =	wrdreg s2  }
0xb0: {  	[dreg:$0x4] =	wrdreg $0x53200  }
0xb1: {  	[dreg:$0x5] =	wrdreg $0x9  }
0xb2: {  	_ =	task.clear_ibuf [dreg:s7], $0x6FFFF;
	_ =	strace $0x90000046  }
0xb3: {  	s29 =	simm.s32 $0x9;
	_ =	strace $0x80000048  }
0xb4: {  	_ =	swait.ge [sflag:s29], $0x1  }
0xb5: {  	[sflag:s29] =	ssyncadd.s32 $0xFFFFFFFF  }
0xb6: {  	_ =	strace $0x90000048  }
0xb7: {  	_ =	sfence  }
0xb8: {  	s30 =	sld [smem:$0x0];
	_ =	sdelay $0x2  }
0xb9: {  	s31 =	sshll.u32 s1, $0xD;
	s1 =	sshrl.u32 s1, $0x2  }
0xba: {  	s3 =	sand.u32 $0x4000, s31;
	s1 =	sadd.s32 s1, s30  }
0xbb: {  	s0 =	sor.u32 s3, s0;
	s1 =	sshll.u32 s1, $0x11  }
0xbc: {  	s0 =	sor.u32 s1, s0  }
0xbd: {  	s0 =	sadd.s32 $0x8F2B, s0  }
0xbe: {  	[sflag:s0] =	ssyncadd.remote.s32 $0x1  }
0xbf: {  	_ =	sfence.sel $0xFFFF  }
0xc0: {  	[dreg:$0x0] =	wrdreg $0xFFFFFFFF;
	(pc) =	sbr.abs _section_cstart, $3  }
0xc1: {  	[dreg:$0x1] =	wrdreg $0xFFFFFFFF  }
0xc2: {  	_ =	task.clear_ibuf [dreg:s7], $0x2FFFF;
	_ =	strace $0x9FFFFFFF  }
0xc3: {  	(tm) =	ssettm $0x7FFFFFFF  }
tec
execute0_lowered:
.L_overlay_start_1:
0x0: {  	(tag) =	ssettag $0x1  }
0x1: {  	s5 =	rddreg [dreg:$0x0]  }
0x2: {  	s8 =	rddreg [dreg:$0x1]  }
0x3: {  	s2 =	rddreg [dreg:$0x2]  }
0x4: {  	s0 =	rddreg [dreg:$0x3];
	s3 =	simm.s32 $0x0;
	s1 =	stileid.u32  }
0x5: {  	s6 =	srdreg.scid;
	s15 =	simm.s32 $0x0;
	s4 =	smul.u32 $0x9C4, s1  }
0x6: {  	[smem:$0x7FF] =	sst s3;
	s7 =	smul.u32 $0x2800, s1;
	s9 =	sand.u32 $0x1, s6  }
0x7: {  	s31 =	sshll.u32 s1, $0x6;
	_ =	strace $0x80000047;
	s13 =	smul.u32 $0x28000, s9  }
0x8: {  	s6 =	ssub.s32 $0x2, s9;
	s14 =	smul.u32 $0x9C40, s9;
	s10 =	sadd.s32 s4, s5  }
0x9: {  	s4 =	sadd.s32 $0x1C200, s5;
	s11 =	sshrl.u32 s7, $0x3;
	s12 =	sshrl.u32 s6, $0x1  }
0xa: {  	s30 =	sadd.s32 s7, s2;
	s5 =	sadd.s32 s11, s5;
	s29 =	ssub.s32 s6, s12  }
0xb: {  	s7 =	sadd.s32 s7, s13;
	s6 =	sor.u32 $0x1C01, s31;
	s11 =	sshrl.u32 s30, $0x3  }
0xc: {  	s12 =	simm.s32 $0x1;
	s5 =	sadd.s32 $0x17200, s5;
	s13 =	sshrl.u32 s7, $0x3  }
0xd: {  	s7 =	sadd.s32 $0xD400, s10;
	s9 =	smax.u32 s29, $0x1;
	s10 =	sshrl.u32 s14, $0x2  }
0xe: {  	s14 =	simm.s32 $0x50;
	s8 =	sadd.s32 s8, s13;
	s13 =	simm.s32 $0x4E20  }
.LBB2_1:
0xf: {  	[spmem:s11], [sflag:s6] =	dma.local [hbm:s5], $0x500  }
0x10: {  	_ =	swait.ge [sflag:s12], $0x500  }
0x11: {  	[sflag:s12] =	ssyncset.done $0x0  }
0x12: {  	[sflag:s12] =	ssyncadd.s32 $0xFFFFFB00  }
0x13: {  	[tilespmem:s3], [sflag:$0x1] =	stream.linear.gather [hbm4b:s7+s3], $0x4E20, $0x38;
	[tilespmem:$0x7B20] =	vst v63  }
0x14: {  	_ =	swait.ge [sflag:s12], $0x4E20  }
0x15: {  	[sflag:s12] =	ssyncset.done $0x0  }
0x16: {  	[sflag:s12] =	ssyncadd.s32 $0xFFFFB1E0  }
0x17: {  	[tilespmem:s13], [sflag:$0x1] =	stream.linear.gather [hbm4b:s4+s3], $0x500, $0x38;
	[tilespmem:$0x7B20] =	vst v63  }
0x18: {  	_ =	swait.ge [sflag:s12], $0x500  }
0x19: {  	[sflag:s12] =	ssyncset.done $0x0  }
0x1a: {  	[sflag:s12] =	ssyncadd.s32 $0xFFFFFB00  }
0x1b: {  	s16 =	sadd.s32 $0x0, s10;
	[bflag:$0x0] =	sbarrier.arrive $0xFFFF  }
0x1c: {  	[spmem:s2] =	stream.indirect.scatter.add.f32 [tilespmem:s13], [sflag:$0x1], $0x10, s16, s14, $0xb8;
	[tilespmem:$0x7B20] =	vst v63  }
0x1d: {  	s16 =	simm.s32 $0x140;
	_ =	swait.ge [sflag:s12], $0x500  }
.LBB2_2:
0x1e: {  	s17 =	sshra.s32 s16, $0x2;
	[sflag:s12] =	ssyncset.done $0x0;
	p0 =	sne.s32 s16, $0x9B00  }
.Ltmp0:
0x1f: {  	s17 =	sadd.s32 s17, s10;
	[sflag:s12] =	ssyncadd.s32 $0xFFFFFB00;
	(pc) =	sbr.rel @p0 .LBB2_2-.Ltmp0, $3  }
0x20: {  	[spmem:s2] =	stream.indirect.scatter.add.f32 [tilespmem:s13], [sflag:$0x1], $0x10, s17, s14, $0xb8;
	[tilespmem:$0x7B20] =	vst v63  }
0x21: {  	s16 =	sadd.s32 $0x140, s16;
	_ =	sdelay $0x1  }
0x22: {  	_ =	swait.ge [sflag:s12], $0x500  }
0x23: {  	[sflag:s12] =	ssyncset.done $0x0;
	s15 =	sadd.s32 $0x1, s15  }
0x24: {  	[sflag:s12] =	ssyncadd.s32 $0xFFFFFB00;
	p0 =	sne.s32 s15, s9  }
.Ltmp1:
0x25: {  	[bflag:$0x0] =	sbarrier.arrive $0xFFFF;
	(pc) =	sbr.rel @p0 .LBB2_1-.Ltmp1, $4  }
0x26: {  	[hbm:s8], [sflag:s6] =	dma.local [spmem:s11], $0x500  }
0x27: {  	_ =	swait.ge [sflag:s12], $0x500  }
0x28: {  	[sflag:s12] =	ssyncset.done $0x0  }
0x29: {  	[sflag:s12] =	ssyncadd.s32 $0xFFFFFB00  }
0x2a: {  	_ =	sfence.sel $0x180000  }
0x2b: {  	[bflag:$0x0] =	sbarrier.arrive $0xFFFF  }
0x2c: {  	p0 =	sne.s32 s1, $0x0;
	_ =	strace $0x90000047  }
0x2d: {  	s0 =	sadd.s32 @!p0 $0x100000, s0;
	[bflag:$0x2] =	sbarrier.arrive $0xFFFF  }
0x2e: {  	[sflag:s0] =	ssyncadd.tile.s32 @!p0 $0x1;
	_ =	shalt  }
.Lfunc_end2:
_tile_overlayer_lowered:
.L_overlay_start_2:
0x2f: {  	(tag) =	ssettag $0x2  }
0x30: {  	s0 =	rddreg [dreg:$0x0];
	s2 =	stileid.u32  }
0x31: {  	s1 =	rddreg [dreg:$0x1];
	p0 =	sne.s32 s2, $0x0  }
0x32: {  	s3 =	rddreg [dreg:$0x2];
	[bflag:$0x3] =	sbarrier.arrive $0xFFFF;
	s2 =	simm.s32 @!p0 $0x1C01  }
0x33: {  	[timem:s3], [sflag:s2] =	dma.local @!p0 [hbm:s0], s1  }
0x34: {  	s0 =	simm.s32 @!p0 $0x1  }
0x35: {  	_ =	swait.ge @!p0 [sflag:s0], s1  }
0x36: {  	s1 =	ssub.s32 @!p0 $0x0, s1;
	[sflag:s0] =	ssyncset.done @!p0 $0x0  }
0x37: {  	[sflag:s0] =	ssyncadd.s32 @!p0 s1  }
0x38: {  	[bflag:$0x3] =	sbarrier.arrive $0xFFFF  }
0x39: {  	_ =	shalt  }

</sc_bundles>
